<compile_context>
chip_gen: v7x
topology: tpu7x:2x2x1
jax: 0.10.2.dev20260603
libtpu: 0.0.44.dev20260713+nightly
codegen_flags: <defaults>
</compile_context>

<pallas_src>
import functools

import jax
import jax.numpy as jnp
from jax import lax
from jax.experimental import pallas as pl
from jax.experimental.pallas import tpu as pltpu
from jax.experimental.pallas import tpu_sc as plsc

N = 10000
D = 128
E = 320000

NC = 2
NS = 16
NW = NC * NS

K = 128
CH = 80
CH0 = 144
CH1 = 16
GB = 16
EPW = K * CH
E_PAD = NW * EPW
KD = 2048
CHD = EPW // KD
NR = 10240
RPT = NR // NS
DW = 16

BLK = 1024
GRID = NR // BLK

_mesh = plsc.VectorSubcoreMesh(
    core_axis_name="c", subcore_axis_name="s", num_cores=NC, num_subcores=NS
)


def _deg_body(src_hbm, dst_hbm, out, cnt_src, cnt_dst, idx_v):
    c = lax.axis_index("c")
    s = lax.axis_index("s")
    w = c * NS + s
    base = w * EPW
    ones16 = jnp.ones((16,), jnp.float32)
    zeros16 = jnp.zeros((16,), jnp.float32)

    @pl.loop(0, NR // 16)
    def _zero(i):
        cnt_src[pl.ds(i * 16, 16)] = zeros16
        cnt_dst[pl.ds(i * 16, 16)] = zeros16

    @pl.loop(0, CHD)
    def _edges(j):
        off = base + j * KD
        pltpu.sync_copy(src_hbm.at[pl.ds(off, KD)], idx_v)

        @pl.loop(0, KD // 16)
        def _hs(q):
            plsc.addupdate_scatter(cnt_src, [idx_v[pl.ds(q * 16, 16)]], ones16)

        pltpu.sync_copy(dst_hbm.at[pl.ds(off, KD)], idx_v)

        @pl.loop(0, KD // 16)
        def _hd(q):
            plsc.addupdate_scatter(cnt_dst, [idx_v[pl.ds(q * 16, 16)]], ones16)

    pltpu.sync_copy(cnt_src, out.at[0, w])
    pltpu.sync_copy(cnt_dst, out.at[1, w])


def _agg_body(xs0_hbm, src_hbm, dst_hbm, out_hbm, acc,
              sidx_b, didx_b, rows0, gsem0):
    c = lax.axis_index("c")
    s = lax.axis_index("s")
    ch = jnp.where(c == 0, CH0, CH1)
    brow = jnp.where(c == 0, s * CH0, NS * CH0 + s * CH1)

    @pl.loop(0, K)
    def _fill(i):
        for q in range(D // 16):
            rows0[i, pl.ds(q * 16, 16)] = jnp.zeros((16,), jnp.float32)

    @pl.loop(0, RPT // K)
    def _zero(i):
        pltpu.sync_copy(rows0, acc.at[pl.ds(s * RPT + i * K, K)])

    plsc.subcore_barrier()

    @pl.loop(0, ch // GB)
    def _edges(g):
        row0 = brow + g * GB
        pltpu.sync_copy(src_hbm.at[pl.ds(row0, GB)], sidx_b)
        pltpu.sync_copy(dst_hbm.at[pl.ds(row0, GB)], didx_b)
        for t in range(GB):
            pltpu.async_copy(xs0_hbm.at[sidx_b.at[t]], rows0, gsem0).wait()
            pltpu.sync_copy(rows0, acc.at[didx_b.at[t]], add=True)

    plsc.subcore_barrier()

    row = s * RPT
    pltpu.sync_copy(acc.at[pl.ds(row, RPT)], out_hbm.at[c, pl.ds(row, RPT)])


def _make_deg_kernel(interpret=False):
    return pl.kernel(
        _deg_body,
        out_type=jax.ShapeDtypeStruct((2, NW, NR), jnp.float32),
        mesh=_mesh,
        scratch_types=[
            pltpu.VMEM((NR,), jnp.float32),
            pltpu.VMEM((NR,), jnp.float32),
            pltpu.VMEM((KD,), jnp.int32),
        ],
        compiler_params=pltpu.CompilerParams(needs_layout_passes=False),
        interpret=interpret,
    )


def _make_agg_kernel(interpret=False):
    return pl.kernel(
        _agg_body,
        out_type=jax.ShapeDtypeStruct((NC, NR, D), jnp.float32),
        mesh=_mesh,
        scratch_types=[
            pltpu.VMEM_SHARED((NR, D), jnp.float32),
            pltpu.VMEM((GB, K), jnp.int32),
            pltpu.VMEM((GB, K), jnp.int32),
            pltpu.VMEM((K, D), jnp.float32),
            pltpu.SemaphoreType.DMA,
        ],
        interpret=interpret,
    )


_deg_kernel = _make_deg_kernel()
_agg_kernel = _make_agg_kernel()


def _prep_body(deg_ref, ns_ref, nd_ref):
    d = deg_ref[...]
    cnt_s = jnp.maximum(jnp.sum(d[0], axis=0, keepdims=True), 1.0)
    cnt_d = jnp.maximum(jnp.sum(d[1], axis=0, keepdims=True), 1.0)
    ns = lax.rsqrt(jnp.broadcast_to(cnt_s, (8, BLK)))
    nd = lax.rsqrt(jnp.broadcast_to(cnt_d, (8, BLK)))
    ns_ref[...] = ns.T
    nd_ref[...] = nd.T


def _prep_call(degs):
    return pl.pallas_call(
        _prep_body,
        grid=(GRID,),
        in_specs=[pl.BlockSpec((2, NW, BLK), lambda i: (0, 0, i))],
        out_specs=[
            pl.BlockSpec((BLK, 8), lambda i: (i, 0)),
            pl.BlockSpec((BLK, 8), lambda i: (i, 0)),
        ],
        out_shape=[
            jax.ShapeDtypeStruct((NR, 8), jnp.float32),
            jax.ShapeDtypeStruct((NR, 8), jnp.float32),
        ],
    )(degs)


def _scale_body(x_ref, ns_ref, o_ref):
    o_ref[...] = x_ref[...] * ns_ref[:, 0:1]


def _scale_call(x_pad, ns_col):
    return pl.pallas_call(
        _scale_body,
        grid=(GRID,),
        in_specs=[
            pl.BlockSpec((BLK, D), lambda i: (i, 0)),
            pl.BlockSpec((BLK, 8), lambda i: (i, 0)),
        ],
        out_specs=pl.BlockSpec((BLK, D), lambda i: (i, 0)),
        out_shape=jax.ShapeDtypeStruct((NR, D), jnp.float32),
    )(x_pad, ns_col)


_BN_INV = 1.0 / (1.0 + 1e-5) ** 0.5


def _final_body(agg_ref, nd_ref, x_ref, w_ref, b_ref, g_ref, bt_ref, o_ref):
    a = agg_ref[0] + agg_ref[1]
    z = jnp.dot(a, w_ref[...], preferred_element_type=jnp.float32)
    z = z * nd_ref[:, 0:1] + b_ref[...] + x_ref[...]
    z = z * (g_ref[...] * _BN_INV) + bt_ref[...]
    o_ref[...] = jnp.maximum(z, 0.0)


def _final_call(agg, nd_col, x_pad, W, b2, g2, bt2):
    return pl.pallas_call(
        _final_body,
        grid=(GRID,),
        in_specs=[
            pl.BlockSpec((NC, BLK, D), lambda i: (0, i, 0)),
            pl.BlockSpec((BLK, 8), lambda i: (i, 0)),
            pl.BlockSpec((BLK, D), lambda i: (i, 0)),
            pl.BlockSpec((D, D), lambda i: (0, 0)),
            pl.BlockSpec((1, D), lambda i: (0, 0)),
            pl.BlockSpec((1, D), lambda i: (0, 0)),
            pl.BlockSpec((1, D), lambda i: (0, 0)),
        ],
        out_specs=pl.BlockSpec((BLK, D), lambda i: (i, 0)),
        out_shape=jax.ShapeDtypeStruct((NR, D), jnp.float32),
    )(agg, nd_col, x_pad, W, b2, g2, bt2)


def kernel(x, edge_index, W, b, gamma, beta):
    src = edge_index[0]
    dst = edge_index[1]
    pad = jnp.full((E_PAD - E,), N, dtype=jnp.int32)
    srcp = jnp.concatenate([src, pad])
    dstp = jnp.concatenate([dst, pad])
    x_pad = jnp.pad(x, ((0, NR - N), (0, 0)))

    degs = _deg_kernel(srcp, dstp)
    ns_col, nd_col = _prep_call(degs)
    xs = _scale_call(x_pad, ns_col)
    agg = _agg_kernel(xs, srcp.reshape(-1, K), dstp.reshape(-1, K))
    out = _final_call(agg, nd_col, x_pad, W,
                      b.reshape(1, D), gamma.reshape(1, D), beta.reshape(1, D))
    return out[:N]

# --- scband reference (transcript-rebuilt; emitter-appended) ---
"""Pipeline reference for scband-gcnlayer-55748675502408 (READ-ONLY COPY).

The authoritative reference and input builder live on the scoring server;
editing this copy changes nothing except your own understanding.
"""

import jax, jax.numpy as jnp
import numpy as np

N = 10000
E = 320000
D = 128

def setup_inputs(seed: int = 0) -> dict:
    key = jax.random.key(seed)
    ks = jax.random.split(key, 6)
    x = jax.random.normal(ks[0], (N, D), dtype=jnp.float32)
    edge_index = jax.random.randint(ks[1], (2, E), 0, N, dtype=jnp.int32)
    # GraphConv weight + bias (d_model -> d_model)
    W = jax.random.normal(ks[2], (D, D), dtype=jnp.float32) / np.sqrt(D)
    b = jnp.zeros((D,), dtype=jnp.float32)
    # BatchNorm1d affine params (eval mode: running_mean=0, running_var=1)
    gamma = jnp.ones((D,), dtype=jnp.float32)
    beta = jnp.zeros((D,), dtype=jnp.float32)
    return {"x": x, "edge_index": edge_index, "W": W, "b": b, "gamma": gamma, "beta": beta}

def reference(x, edge_index, W, b, gamma, beta):
    src = edge_index[0]
    dst = edge_index[1]
    # symmetric ('both') normalization as in DGL GraphConv
    deg_out = jnp.maximum(jnp.bincount(src, length=N), 1).astype(jnp.float32)
    deg_in = jnp.maximum(jnp.bincount(dst, length=N), 1).astype(jnp.float32)
    norm_src = deg_out ** -0.5
    norm_dst = deg_in ** -0.5
    # weight applied before aggregation (in_feats == out_feats)
    h = x @ W
    msg = h[src] * norm_src[src][:, None]
    agg = jax.ops.segment_sum(msg, dst, num_segments=N)
    out = agg * norm_dst[:, None] + b
    # residual connection (add_linear=False)
    out = out + x
    # BatchNorm1d in eval mode: running_mean=0, running_var=1, eps=1e-5
    out = gamma * out / jnp.sqrt(1.0 + 1e-5) + beta
    # ReLU; Dropout is identity in eval mode
    out = jnp.maximum(out, 0.0)
    return out

if __name__ == "__main__":
    import jax
    _d = setup_inputs()
    print(jax.jit(kernel)(*tuple(_d.values())))

</pallas_src>

<mosaic_0001>
#map = affine_map<(d0, d1) -> (0, 0)>
#map1 = affine_map<(d0, d1) -> (0, 0, 0)>
module attributes {stable_mosaic.version = 14 : i64} {
  func.func @_agg_body(%arg0: i32, %arg1: i32, %arg2: memref<10240x128xf32, #tpu.memory_space<hbm>>, %arg3: memref<2560x128xi32, #tpu.memory_space<hbm>>, %arg4: memref<2560x128xi32, #tpu.memory_space<hbm>>, %arg5: memref<2x10240x128xf32, #tpu.memory_space<hbm>>, %arg6: memref<10240x128xf32, #tpu.memory_space<vmem_shared>>, %arg7: memref<16x128xi32, #tpu.memory_space<vmem>>, %arg8: memref<16x128xi32, #tpu.memory_space<vmem>>, %arg9: memref<128x128xf32, #tpu.memory_space<vmem>>, %arg10: memref<!tpu.dma_semaphore, #tpu.memory_space<semaphore_mem>>) attributes {dimension_semantics = [#tpu.dimension_semantics<core_parallel>, #tpu.dimension_semantics<subcore_parallel>], iteration_bounds = array<i64: 2, 16>, scalar_prefetch = 0 : i64, scratch_operands = 5 : i64, tpu.core_type = #tpu.core_type<sc_vector_subcore>, window_params = [{transform_indices = #map}, {transform_indices = #map}, {transform_indices = #map}, {transform_indices = #map1}]} {
    %eq3A = arith.constant 0 : i32
    %eq3A_0 = arith.cmpi eq, %arg0, %eq3A : i32
    %jit3A = arith.constant 144 : i32
    %jit3A_1 = arith.constant 16 : i32
    %select_n3A = arith.select %eq3A_0, %jit3A, %jit3A_1 : i32
    %eq3A_2 = arith.constant 0 : i32
    %eq3A_3 = arith.cmpi eq, %arg0, %eq3A_2 : i32
    %mul3A = arith.constant 144 : i32
    %mul3A_4 = arith.muli %arg1, %mul3A : i32
    %mul3A_5 = arith.constant 16 : i32
    %mul3A_6 = arith.muli %arg1, %mul3A_5 : i32
    %add3A = arith.constant 2304 : i32
    %add3A_7 = arith.addi %add3A, %mul3A_6 : i32
    %select_n3A_8 = arith.select %eq3A_3, %mul3A_4, %add3A_7 : i32
    %scan3A = arith.constant 0 : i32
    %scan3A_9 = arith.constant 128 : i32
    %scan3A_10 = arith.addi %scan3A, %scan3A_9 : i32
    %scan3A_11 = arith.constant 1 : i32
    scf.for %scan3A_57 = %scan3A to %scan3A_10 step %scan3A_11  : i32 {
      %mul3A_58 = arith.constant 1 : i32
      %mul3A_59 = arith.muli %scan3A_57, %mul3A_58 : i32
      %add3A_60 = arith.constant 0 : i32
      %add3A_61 = arith.addi %add3A_60, %mul3A_59 : i32
      %broadcast_in_dim3A = arith.constant 0.000000e+00 : f32
      %broadcast_in_dim3A_62 = vector.broadcast %broadcast_in_dim3A : f32 to vector<16xf32>
      %swap3A = arith.index_cast %add3A_61 : i32 to index
      %swap3A_63 = arith.constant 0 : index
      %swap3A_64 = tpu.vector_load %arg9[%swap3A, %swap3A_63] {strides = array<i32>} : memref<128x128xf32, #tpu.memory_space<vmem>>, vector<1x16xf32>,
      %swap3A_65 = vector.shape_cast %swap3A_64 : vector<1x16xf32> to vector<16xf32>
      %swap3A_66 = vector.shape_cast %broadcast_in_dim3A_62 : vector<16xf32> to vector<1x16xf32>
      tpu.vector_store %arg9[%swap3A, %swap3A_63], %swap3A_66 {strides = array<i32>} : memref<128x128xf32, #tpu.memory_space<vmem>>, vector<1x16xf32>,
      %broadcast_in_dim3A_67 = arith.constant 0.000000e+00 : f32
      %broadcast_in_dim3A_68 = vector.broadcast %broadcast_in_dim3A_67 : f32 to vector<16xf32>
      %swap3A_69 = arith.index_cast %add3A_61 : i32 to index
      %swap3A_70 = arith.constant 16 : index
      %swap3A_71 = tpu.vector_load %arg9[%swap3A_69, %swap3A_70] {strides = array<i32>} : memref<128x128xf32, #tpu.memory_space<vmem>>, vector<1x16xf32>,
      %swap3A_72 = vector.shape_cast %swap3A_71 : vector<1x16xf32> to vector<16xf32>
      %swap3A_73 = vector.shape_cast %broadcast_in_dim3A_68 : vector<16xf32> to vector<1x16xf32>
      tpu.vector_store %arg9[%swap3A_69, %swap3A_70], %swap3A_73 {strides = array<i32>} : memref<128x128xf32, #tpu.memory_space<vmem>>, vector<1x16xf32>,
      %broadcast_in_dim3A_74 = arith.constant 0.000000e+00 : f32
      %broadcast_in_dim3A_75 = vector.broadcast %broadcast_in_dim3A_74 : f32 to vector<16xf32>
      %swap3A_76 = arith.index_cast %add3A_61 : i32 to index
      %swap3A_77 = arith.constant 32 : index
      %swap3A_78 = tpu.vector_load %arg9[%swap3A_76, %swap3A_77] {strides = array<i32>} : memref<128x128xf32, #tpu.memory_space<vmem>>, vector<1x16xf32>,
      %swap3A_79 = vector.shape_cast %swap3A_78 : vector<1x16xf32> to vector<16xf32>
      %swap3A_80 = vector.shape_cast %broadcast_in_dim3A_75 : vector<16xf32> to vector<1x16xf32>
      tpu.vector_store %arg9[%swap3A_76, %swap3A_77], %swap3A_80 {strides = array<i32>} : memref<128x128xf32, #tpu.memory_space<vmem>>, vector<1x16xf32>,
      %broadcast_in_dim3A_81 = arith.constant 0.000000e+00 : f32
      %broadcast_in_dim3A_82 = vector.broadcast %broadcast_in_dim3A_81 : f32 to vector<16xf32>
      %swap3A_83 = arith.index_cast %add3A_61 : i32 to index
      %swap3A_84 = arith.constant 48 : index
      %swap3A_85 = tpu.vector_load %arg9[%swap3A_83, %swap3A_84] {strides = array<i32>} : memref<128x128xf32, #tpu.memory_space<vmem>>, vector<1x16xf32>,
      %swap3A_86 = vector.shape_cast %swap3A_85 : vector<1x16xf32> to vector<16xf32>
      %swap3A_87 = vector.shape_cast %broadcast_in_dim3A_82 : vector<16xf32> to vector<1x16xf32>
      tpu.vector_store %arg9[%swap3A_83, %swap3A_84], %swap3A_87 {strides = array<i32>} : memref<128x128xf32, #tpu.memory_space<vmem>>, vector<1x16xf32>,
      %broadcast_in_dim3A_88 = arith.constant 0.000000e+00 : f32
      %broadcast_in_dim3A_89 = vector.broadcast %broadcast_in_dim3A_88 : f32 to vector<16xf32>
      %swap3A_90 = arith.index_cast %add3A_61 : i32 to index
      %swap3A_91 = arith.constant 64 : index
      %swap3A_92 = tpu.vector_load %arg9[%swap3A_90, %swap3A_91] {strides = array<i32>} : memref<128x128xf32, #tpu.memory_space<vmem>>, vector<1x16xf32>,
      %swap3A_93 = vector.shape_cast %swap3A_92 : vector<1x16xf32> to vector<16xf32>
      %swap3A_94 = vector.shape_cast %broadcast_in_dim3A_89 : vector<16xf32> to vector<1x16xf32>
      tpu.vector_store %arg9[%swap3A_90, %swap3A_91], %swap3A_94 {strides = array<i32>} : memref<128x128xf32, #tpu.memory_space<vmem>>, vector<1x16xf32>,
      %broadcast_in_dim3A_95 = arith.constant 0.000000e+00 : f32
      %broadcast_in_dim3A_96 = vector.broadcast %broadcast_in_dim3A_95 : f32 to vector<16xf32>
      %swap3A_97 = arith.index_cast %add3A_61 : i32 to index
      %swap3A_98 = arith.constant 80 : index
      %swap3A_99 = tpu.vector_load %arg9[%swap3A_97, %swap3A_98] {strides = array<i32>} : memref<128x128xf32, #tpu.memory_space<vmem>>, vector<1x16xf32>,
      %swap3A_100 = vector.shape_cast %swap3A_99 : vector<1x16xf32> to vector<16xf32>
      %swap3A_101 = vector.shape_cast %broadcast_in_dim3A_96 : vector<16xf32> to vector<1x16xf32>
      tpu.vector_store %arg9[%swap3A_97, %swap3A_98], %swap3A_101 {strides = array<i32>} : memref<128x128xf32, #tpu.memory_space<vmem>>, vector<1x16xf32>,
      %broadcast_in_dim3A_102 = arith.constant 0.000000e+00 : f32
      %broadcast_in_dim3A_103 = vector.broadcast %broadcast_in_dim3A_102 : f32 to vector<16xf32>
      %swap3A_104 = arith.index_cast %add3A_61 : i32 to index
      %swap3A_105 = arith.constant 96 : index
      %swap3A_106 = tpu.vector_load %arg9[%swap3A_104, %swap3A_105] {strides = array<i32>} : memref<128x128xf32, #tpu.memory_space<vmem>>, vector<1x16xf32>,
      %swap3A_107 = vector.shape_cast %swap3A_106 : vector<1x16xf32> to vector<16xf32>
      %swap3A_108 = vector.shape_cast %broadcast_in_dim3A_103 : vector<16xf32> to vector<1x16xf32>
      tpu.vector_store %arg9[%swap3A_104, %swap3A_105], %swap3A_108 {strides = array<i32>} : memref<128x128xf32, #tpu.memory_space<vmem>>, vector<1x16xf32>,
      %broadcast_in_dim3A_109 = arith.constant 0.000000e+00 : f32
      %broadcast_in_dim3A_110 = vector.broadcast %broadcast_in_dim3A_109 : f32 to vector<16xf32>
      %swap3A_111 = arith.index_cast %add3A_61 : i32 to index
      %swap3A_112 = arith.constant 112 : index
      %swap3A_113 = tpu.vector_load %arg9[%swap3A_111, %swap3A_112] {strides = array<i32>} : memref<128x128xf32, #tpu.memory_space<vmem>>, vector<1x16xf32>,
      %swap3A_114 = vector.shape_cast %swap3A_113 : vector<1x16xf32> to vector<16xf32>
      %swap3A_115 = vector.shape_cast %broadcast_in_dim3A_110 : vector<16xf32> to vector<1x16xf32>
      tpu.vector_store %arg9[%swap3A_111, %swap3A_112], %swap3A_115 {strides = array<i32>} : memref<128x128xf32, #tpu.memory_space<vmem>>, vector<1x16xf32>,
    }
    %scan3A_12 = arith.constant 128 : i32
    %scan3A_13 = arith.constant 0 : i32
    %scan3A_14 = arith.constant 5 : i32
    %scan3A_15 = arith.addi %scan3A_13, %scan3A_14 : i32
    %scan3A_16 = arith.constant 1 : i32
    scf.for %scan3A_57 = %scan3A_13 to %scan3A_15 step %scan3A_16  : i32 {
      %mul3A_58 = arith.constant 1 : i32
      %mul3A_59 = arith.muli %scan3A_57, %mul3A_58 : i32
      %add3A_60 = arith.constant 0 : i32
      %add3A_61 = arith.addi %add3A_60, %mul3A_59 : i32
      %mul3A_62 = arith.constant 640 : i32
      %mul3A_63 = arith.muli %arg1, %mul3A_62 : i32
      %mul3A_64 = arith.constant 128 : i32
      %mul3A_65 = arith.muli %add3A_61, %mul3A_64 : i32
      %add3A_66 = arith.addi %mul3A_63, %mul3A_65 : i32
      "tpu.region"() ({
        %run_scoped3A = tpu.sem_alloc : memref<!tpu.dma_semaphore, #tpu.memory_space<semaphore_mem>>
        %dma_start3A = arith.constant 0 : i32
        %dma_start3A_67 = tpu.memref_slice %arg6[%add3A_66, %dma_start3A] : memref<10240x128xf32, #tpu.memory_space<vmem_shared>> -> memref<128x128xf32, #tpu.memory_space<vmem_shared>>
        %dma_start3A_68 = arith.constant 0 : i32
        %dma_start3A_69 = tpu.memref_slice %arg6[%add3A_66, %dma_start3A_68] : memref<10240x128xf32, #tpu.memory_space<vmem_shared>> -> memref<128x128xf32, #tpu.memory_space<vmem_shared>>
        tpu.enqueue_dma source(%arg9 : memref<128x128xf32, #tpu.memory_space<vmem>>) target(%dma_start3A_69 : memref<128x128xf32, #tpu.memory_space<vmem_shared>>) target_semaphore(%run_scoped3A : memref<!tpu.dma_semaphore, #tpu.memory_space<semaphore_mem>>)
        %dma_wait3A = arith.constant 0 : i32
        %dma_wait3A_70 = tpu.memref_slice %arg6[%add3A_66, %dma_wait3A] : memref<10240x128xf32, #tpu.memory_space<vmem_shared>> -> memref<128x128xf32, #tpu.memory_space<vmem_shared>>
        %dma_wait3A_71 = arith.constant 0 : i32
        %dma_wait3A_72 = tpu.memref_slice %arg6[%add3A_66, %dma_wait3A_71] : memref<10240x128xf32, #tpu.memory_space<vmem_shared>> -> memref<128x128xf32, #tpu.memory_space<vmem_shared>>
        tpu.wait_dma2 semaphore(%run_scoped3A : memref<!tpu.dma_semaphore, #tpu.memory_space<semaphore_mem>>) src(%arg9 : memref<128x128xf32, #tpu.memory_space<vmem>>) dst(%dma_wait3A_72 : memref<128x128xf32, #tpu.memory_space<vmem_shared>>)
        tpu.yield
      }) : () -> ()
    }
    %scan3A_17 = arith.constant 5 : i32
    %barrier3A = arith.constant 0 : index
    tpu.barrier barrier_id(%barrier3A)
    %jit3A_18 = arith.constant 16 : i32
    %div3A = arith.divsi %select_n3A, %jit3A_18 : i32
    %sign3A = arith.constant 0 : i32
    %sign3A_19 = arith.cmpi sgt, %select_n3A, %sign3A : i32
    %sign3A_20 = arith.extui %sign3A_19 : i1 to i32
    %sign3A_21 = arith.constant 0 : i32
    %sign3A_22 = arith.cmpi slt, %select_n3A, %sign3A_21 : i32
    %sign3A_23 = arith.extui %sign3A_22 : i1 to i32
    %sign3A_24 = arith.subi %sign3A_20, %sign3A_23 : i32
    %sign3A_25 = arith.constant 0 : i32
    %sign3A_26 = arith.cmpi sgt, %jit3A_18, %sign3A_25 : i32
    %sign3A_27 = arith.extui %sign3A_26 : i1 to i32
    %sign3A_28 = arith.constant 0 : i32
    %sign3A_29 = arith.cmpi slt, %jit3A_18, %sign3A_28 : i32
    %sign3A_30 = arith.extui %sign3A_29 : i1 to i32
    %sign3A_31 = arith.subi %sign3A_27, %sign3A_30 : i32
    %ne3A = arith.cmpi ne, %sign3A_24, %sign3A_31 : i32
    %rem3A = arith.remsi %select_n3A, %jit3A_18 : i32
    %ne3A_32 = arith.constant 0 : i32
    %ne3A_33 = arith.cmpi ne, %rem3A, %ne3A_32 : i32
    %and3A = arith.andi %ne3A, %ne3A_33 : i1
    %sub3A = arith.constant 1 : i32
    %sub3A_34 = arith.subi %div3A, %sub3A : i32
    %select_n3A_35 = arith.select %and3A, %sub3A_34, %div3A : i32
    %sub3A_36 = arith.constant 0 : i32
    %sub3A_37 = arith.subi %select_n3A_35, %sub3A_36 : i32
    %sub3A_38 = arith.constant 1 : i32
    %sub3A_39 = arith.constant 1 : i32
    %sub3A_40 = arith.subi %sub3A_38, %sub3A_39 : i32
    %add3A_41 = arith.addi %sub3A_37, %sub3A_40 : i32
    %div3A_42 = arith.constant 1 : i32
    %div3A_43 = arith.divsi %add3A_41, %div3A_42 : i32
    %while3A = arith.constant 1 : i32
    %while3A_44 = arith.constant 0 : i32
    %while3A_45 = arith.constant 0 : i32
    %while3A_46 = arith.subi %div3A_43, %while3A_45 : i32
    %while3A_47 = arith.addi %while3A_45, %while3A_46 : i32
    %while3A_48 = arith.constant 1 : i32
    %while3A_49 = arith.divsi %while3A_46, %while3A_48 : i32
    %while3A_50 = arith.muli %while3A_49, %while3A_48 : i32
    %while3A_51 = arith.addi %while3A_45, %while3A_50 : i32
    %while3A_52 = arith.constant 1 : i32
    scf.for %while3A_57 = %while3A_45 to %while3A_51 step %while3A_52  : i32 {
      %mul3A_58 = arith.muli %while3A_57, %while3A : i32
      %add3A_59 = arith.addi %while3A_44, %mul3A_58 : i32
      %mul3A_60 = arith.constant 16 : i32
      %mul3A_61 = arith.muli %add3A_59, %mul3A_60 : i32
      %add3A_62 = arith.addi %select_n3A_8, %mul3A_61 : i32
      "tpu.region"() ({
        %run_scoped3A_300 = tpu.sem_alloc : memref<!tpu.dma_semaphore, #tpu.memory_space<semaphore_mem>>
        %dma_start3A_301 = arith.constant 0 : i32
        %dma_start3A_302 = tpu.memref_slice %arg3[%add3A_62, %dma_start3A_301] : memref<2560x128xi32, #tpu.memory_space<hbm>> -> memref<16x128xi32, #tpu.memory_space<hbm>>
        %dma_start3A_303 = arith.constant 0 : i32
        %dma_start3A_304 = tpu.memref_slice %arg3[%add3A_62, %dma_start3A_303] : memref<2560x128xi32, #tpu.memory_space<hbm>> -> memref<16x128xi32, #tpu.memory_space<hbm>>
        tpu.enqueue_dma source(%dma_start3A_304 : memref<16x128xi32, #tpu.memory_space<hbm>>) target(%arg7 : memref<16x128xi32, #tpu.memory_space<vmem>>) target_semaphore(%run_scoped3A_300 : memref<!tpu.dma_semaphore, #tpu.memory_space<semaphore_mem>>)
        %dma_wait3A_305 = arith.constant 0 : i32
        %dma_wait3A_306 = tpu.memref_slice %arg3[%add3A_62, %dma_wait3A_305] : memref<2560x128xi32, #tpu.memory_space<hbm>> -> memref<16x128xi32, #tpu.memory_space<hbm>>
        %dma_wait3A_307 = arith.constant 0 : i32
        %dma_wait3A_308 = tpu.memref_slice %arg3[%add3A_62, %dma_wait3A_307] : memref<2560x128xi32, #tpu.memory_space<hbm>> -> memref<16x128xi32, #tpu.memory_space<hbm>>
        tpu.wait_dma2 semaphore(%run_scoped3A_300 : memref<!tpu.dma_semaphore, #tpu.memory_space<semaphore_mem>>) src(%dma_wait3A_308 : memref<16x128xi32, #tpu.memory_space<hbm>>) dst(%arg7 : memref<16x128xi32, #tpu.memory_space<vmem>>)
        tpu.yield
      }) : () -> ()
      "tpu.region"() ({
        %run_scoped3A_300 = tpu.sem_alloc : memref<!tpu.dma_semaphore, #tpu.memory_space<semaphore_mem>>
        %dma_start3A_301 = arith.constant 0 : i32
        %dma_start3A_302 = tpu.memref_slice %arg4[%add3A_62, %dma_start3A_301] : memref<2560x128xi32, #tpu.memory_space<hbm>> -> memref<16x128xi32, #tpu.memory_space<hbm>>
        %dma_start3A_303 = arith.constant 0 : i32
        %dma_start3A_304 = tpu.memref_slice %arg4[%add3A_62, %dma_start3A_303] : memref<2560x128xi32, #tpu.memory_space<hbm>> -> memref<16x128xi32, #tpu.memory_space<hbm>>
        tpu.enqueue_dma source(%dma_start3A_304 : memref<16x128xi32, #tpu.memory_space<hbm>>) target(%arg8 : memref<16x128xi32, #tpu.memory_space<vmem>>) target_semaphore(%run_scoped3A_300 : memref<!tpu.dma_semaphore, #tpu.memory_space<semaphore_mem>>)
        %dma_wait3A_305 = arith.constant 0 : i32
        %dma_wait3A_306 = tpu.memref_slice %arg4[%add3A_62, %dma_wait3A_305] : memref<2560x128xi32, #tpu.memory_space<hbm>> -> memref<16x128xi32, #tpu.memory_space<hbm>>
        %dma_wait3A_307 = arith.constant 0 : i32
        %dma_wait3A_308 = tpu.memref_slice %arg4[%add3A_62, %dma_wait3A_307] : memref<2560x128xi32, #tpu.memory_space<hbm>> -> memref<16x128xi32, #tpu.memory_space<hbm>>
        tpu.wait_dma2 semaphore(%run_scoped3A_300 : memref<!tpu.dma_semaphore, #tpu.memory_space<semaphore_mem>>) src(%dma_wait3A_308 : memref<16x128xi32, #tpu.memory_space<hbm>>) dst(%arg8 : memref<16x128xi32, #tpu.memory_space<vmem>>)
        tpu.yield
      }) : () -> ()
      %dma_start3A = arith.constant 0 : i32
      %dma_start3A_63 = arith.constant 0 : i32
      %dma_start3A_64 = tpu.memref_slice %arg7[%dma_start3A, %dma_start3A_63] : memref<16x128xi32, #tpu.memory_space<vmem>> -> memref<1x128xi32, #tpu.memory_space<vmem>>
      %dma_start3A_65 = tpu.memref_squeeze %dma_start3A_64 : memref<1x128xi32, #tpu.memory_space<vmem>> -> memref<128xi32, #tpu.memory_space<vmem>>
      %dma_start3A_66 = arith.constant 0 : i32
      %dma_start3A_67 = arith.constant 0 : i32
      %dma_start3A_68 = tpu.memref_slice %arg2[%dma_start3A_66, %dma_start3A_67] : memref<10240x128xf32, #tpu.memory_space<hbm>> -> memref<10240x128xf32, #tpu.memory_space<hbm>>
      tpu.enqueue_indirect_dma source(%dma_start3A_68 : memref<10240x128xf32, #tpu.memory_space<hbm>>) target(%arg9 : memref<128x128xf32, #tpu.memory_space<vmem>>) offsets(%dma_start3A_65 : memref<128xi32, #tpu.memory_space<vmem>>) semaphore(%arg10 : memref<!tpu.dma_semaphore, #tpu.memory_space<semaphore_mem>>)
      %dma_wait3A = arith.constant 0 : i32
      %dma_wait3A_69 = arith.constant 0 : i32
      %dma_wait3A_70 = tpu.memref_slice %arg7[%dma_wait3A, %dma_wait3A_69] : memref<16x128xi32, #tpu.memory_space<vmem>> -> memref<1x128xi32, #tpu.memory_space<vmem>>
      %dma_wait3A_71 = tpu.memref_squeeze %dma_wait3A_70 : memref<1x128xi32, #tpu.memory_space<vmem>> -> memref<128xi32, #tpu.memory_space<vmem>>
      %dma_wait3A_72 = arith.constant 0 : i32
      %dma_wait3A_73 = arith.constant 0 : i32
      %dma_wait3A_74 = tpu.memref_slice %arg2[%dma_wait3A_72, %dma_wait3A_73] : memref<10240x128xf32, #tpu.memory_space<hbm>> -> memref<10240x128xf32, #tpu.memory_space<hbm>>
      tpu.wait_indirect_dma semaphore(%arg10 : memref<!tpu.dma_semaphore, #tpu.memory_space<semaphore_mem>>) src(%dma_wait3A_74 : memref<10240x128xf32, #tpu.memory_space<hbm>>) dst(%arg9 : memref<128x128xf32, #tpu.memory_space<vmem>>)
      %run_scoped3A = arith.constant 0 : i32
      "tpu.region"() ({
        %run_scoped3A_300 = tpu.sem_alloc : memref<!tpu.dma_semaphore, #tpu.memory_space<semaphore_mem>>
        %dma_start3A_301 = arith.constant 0 : i32
        %dma_start3A_302 = tpu.memref_slice %arg8[%run_scoped3A, %dma_start3A_301] : memref<16x128xi32, #tpu.memory_space<vmem>> -> memref<1x128xi32, #tpu.memory_space<vmem>>
        %dma_start3A_303 = tpu.memref_squeeze %dma_start3A_302 : memref<1x128xi32, #tpu.memory_space<vmem>> -> memref<128xi32, #tpu.memory_space<vmem>>
        %dma_start3A_304 = arith.constant 0 : i32
        %dma_start3A_305 = arith.constant 0 : i32
        %dma_start3A_306 = tpu.memref_slice %arg6[%dma_start3A_304, %dma_start3A_305] : memref<10240x128xf32, #tpu.memory_space<vmem_shared>> -> memref<10240x128xf32, #tpu.memory_space<vmem_shared>>
        tpu.enqueue_indirect_dma source(%arg9 : memref<128x128xf32, #tpu.memory_space<vmem>>) target(%dma_start3A_306 : memref<10240x128xf32, #tpu.memory_space<vmem_shared>>) offsets(%dma_start3A_303 : memref<128xi32, #tpu.memory_space<vmem>>) semaphore(%run_scoped3A_300 : memref<!tpu.dma_semaphore, #tpu.memory_space<semaphore_mem>>) {add = true}
        %dma_wait3A_307 = arith.constant 0 : i32
        %dma_wait3A_308 = tpu.memref_slice %arg8[%run_scoped3A, %dma_wait3A_307] : memref<16x128xi32, #tpu.memory_space<vmem>> -> memref<1x128xi32, #tpu.memory_space<vmem>>
        %dma_wait3A_309 = tpu.memref_squeeze %dma_wait3A_308 : memref<1x128xi32, #tpu.memory_space<vmem>> -> memref<128xi32, #tpu.memory_space<vmem>>
        %dma_wait3A_310 = arith.constant 0 : i32
        %dma_wait3A_311 = arith.constant 0 : i32
        %dma_wait3A_312 = tpu.memref_slice %arg6[%dma_wait3A_310, %dma_wait3A_311] : memref<10240x128xf32, #tpu.memory_space<vmem_shared>> -> memref<10240x128xf32, #tpu.memory_space<vmem_shared>>
        tpu.wait_indirect_dma semaphore(%run_scoped3A_300 : memref<!tpu.dma_semaphore, #tpu.memory_space<semaphore_mem>>) src(%arg9 : memref<128x128xf32, #tpu.memory_space<vmem>>) dst(%dma_wait3A_312 : memref<10240x128xf32, #tpu.memory_space<vmem_shared>>)
        tpu.yield
      }) : () -> ()
      %dma_start3A_75 = arith.constant 1 : i32
      %dma_start3A_76 = arith.constant 0 : i32
      %dma_start3A_77 = tpu.memref_slice %arg7[%dma_start3A_75, %dma_start3A_76] : memref<16x128xi32, #tpu.memory_space<vmem>> -> memref<1x128xi32, #tpu.memory_space<vmem>>
      %dma_start3A_78 = tpu.memref_squeeze %dma_start3A_77 : memref<1x128xi32, #tpu.memory_space<vmem>> -> memref<128xi32, #tpu.memory_space<vmem>>
      %dma_start3A_79 = arith.constant 0 : i32
      %dma_start3A_80 = arith.constant 0 : i32
      %dma_start3A_81 = tpu.memref_slice %arg2[%dma_start3A_79, %dma_start3A_80] : memref<10240x128xf32, #tpu.memory_space<hbm>> -> memref<10240x128xf32, #tpu.memory_space<hbm>>
      tpu.enqueue_indirect_dma source(%dma_start3A_81 : memref<10240x128xf32, #tpu.memory_space<hbm>>) target(%arg9 : memref<128x128xf32, #tpu.memory_space<vmem>>) offsets(%dma_start3A_78 : memref<128xi32, #tpu.memory_space<vmem>>) semaphore(%arg10 : memref<!tpu.dma_semaphore, #tpu.memory_space<semaphore_mem>>)
      %dma_wait3A_82 = arith.constant 1 : i32
      %dma_wait3A_83 = arith.constant 0 : i32
      %dma_wait3A_84 = tpu.memref_slice %arg7[%dma_wait3A_82, %dma_wait3A_83] : memref<16x128xi32, #tpu.memory_space<vmem>> -> memref<1x128xi32, #tpu.memory_space<vmem>>
      %dma_wait3A_85 = tpu.memref_squeeze %dma_wait3A_84 : memref<1x128xi32, #tpu.memory_space<vmem>> -> memref<128xi32, #tpu.memory_space<vmem>>
      %dma_wait3A_86 = arith.constant 0 : i32
      %dma_wait3A_87 = arith.constant 0 : i32
      %dma_wait3A_88 = tpu.memref_slice %arg2[%dma_wait3A_86, %dma_wait3A_87] : memref<10240x128xf32, #tpu.memory_space<hbm>> -> memref<10240x128xf32, #tpu.memory_space<hbm>>
      tpu.wait_indirect_dma semaphore(%arg10 : memref<!tpu.dma_semaphore, #tpu.memory_space<semaphore_mem>>) src(%dma_wait3A_88 : memref<10240x128xf32, #tpu.memory_space<hbm>>) dst(%arg9 : memref<128x128xf32, #tpu.memory_space<vmem>>)
      %run_scoped3A_89 = arith.constant 1 : i32
      "tpu.region"() ({
        %run_scoped3A_300 = tpu.sem_alloc : memref<!tpu.dma_semaphore, #tpu.memory_space<semaphore_mem>>
        %dma_start3A_301 = arith.constant 0 : i32
        %dma_start3A_302 = tpu.memref_slice %arg8[%run_scoped3A_89, %dma_start3A_301] : memref<16x128xi32, #tpu.memory_space<vmem>> -> memref<1x128xi32, #tpu.memory_space<vmem>>
        %dma_start3A_303 = tpu.memref_squeeze %dma_start3A_302 : memref<1x128xi32, #tpu.memory_space<vmem>> -> memref<128xi32, #tpu.memory_space<vmem>>
        %dma_start3A_304 = arith.constant 0 : i32
        %dma_start3A_305 = arith.constant 0 : i32
        %dma_start3A_306 = tpu.memref_slice %arg6[%dma_start3A_304, %dma_start3A_305] : memref<10240x128xf32, #tpu.memory_space<vmem_shared>> -> memref<10240x128xf32, #tpu.memory_space<vmem_shared>>
        tpu.enqueue_indirect_dma source(%arg9 : memref<128x128xf32, #tpu.memory_space<vmem>>) target(%dma_start3A_306 : memref<10240x128xf32, #tpu.memory_space<vmem_shared>>) offsets(%dma_start3A_303 : memref<128xi32, #tpu.memory_space<vmem>>) semaphore(%run_scoped3A_300 : memref<!tpu.dma_semaphore, #tpu.memory_space<semaphore_mem>>) {add = true}
        %dma_wait3A_307 = arith.constant 0 : i32
        %dma_wait3A_308 = tpu.memref_slice %arg8[%run_scoped3A_89, %dma_wait3A_307] : memref<16x128xi32, #tpu.memory_space<vmem>> -> memref<1x128xi32, #tpu.memory_space<vmem>>
        %dma_wait3A_309 = tpu.memref_squeeze %dma_wait3A_308 : memref<1x128xi32, #tpu.memory_space<vmem>> -> memref<128xi32, #tpu.memory_space<vmem>>
        %dma_wait3A_310 = arith.constant 0 : i32
        %dma_wait3A_311 = arith.constant 0 : i32
        %dma_wait3A_312 = tpu.memref_slice %arg6[%dma_wait3A_310, %dma_wait3A_311] : memref<10240x128xf32, #tpu.memory_space<vmem_shared>> -> memref<10240x128xf32, #tpu.memory_space<vmem_shared>>
        tpu.wait_indirect_dma semaphore(%run_scoped3A_300 : memref<!tpu.dma_semaphore, #tpu.memory_space<semaphore_mem>>) src(%arg9 : memref<128x128xf32, #tpu.memory_space<vmem>>) dst(%dma_wait3A_312 : memref<10240x128xf32, #tpu.memory_space<vmem_shared>>)
        tpu.yield
      }) : () -> ()
      %dma_start3A_90 = arith.constant 2 : i32
      %dma_start3A_91 = arith.constant 0 : i32
      %dma_start3A_92 = tpu.memref_slice %arg7[%dma_start3A_90, %dma_start3A_91] : memref<16x128xi32, #tpu.memory_space<vmem>> -> memref<1x128xi32, #tpu.memory_space<vmem>>
      %dma_start3A_93 = tpu.memref_squeeze %dma_start3A_92 : memref<1x128xi32, #tpu.memory_space<vmem>> -> memref<128xi32, #tpu.memory_space<vmem>>
      %dma_start3A_94 = arith.constant 0 : i32
      %dma_start3A_95 = arith.constant 0 : i32
      %dma_start3A_96 = tpu.memref_slice %arg2[%dma_start3A_94, %dma_start3A_95] : memref<10240x128xf32, #tpu.memory_space<hbm>> -> memref<10240x128xf32, #tpu.memory_space<hbm>>
      tpu.enqueue_indirect_dma source(%dma_start3A_96 : memref<10240x128xf32, #tpu.memory_space<hbm>>) target(%arg9 : memref<128x128xf32, #tpu.memory_space<vmem>>) offsets(%dma_start3A_93 : memref<128xi32, #tpu.memory_space<vmem>>) semaphore(%arg10 : memref<!tpu.dma_semaphore, #tpu.memory_space<semaphore_mem>>)
      %dma_wait3A_97 = arith.constant 2 : i32
      %dma_wait3A_98 = arith.constant 0 : i32
      %dma_wait3A_99 = tpu.memref_slice %arg7[%dma_wait3A_97, %dma_wait3A_98] : memref<16x128xi32, #tpu.memory_space<vmem>> -> memref<1x128xi32, #tpu.memory_space<vmem>>
      %dma_wait3A_100 = tpu.memref_squeeze %dma_wait3A_99 : memref<1x128xi32, #tpu.memory_space<vmem>> -> memref<128xi32, #tpu.memory_space<vmem>>
      %dma_wait3A_101 = arith.constant 0 : i32
      %dma_wait3A_102 = arith.constant 0 : i32
      %dma_wait3A_103 = tpu.memref_slice %arg2[%dma_wait3A_101, %dma_wait3A_102] : memref<10240x128xf32, #tpu.memory_space<hbm>> -> memref<10240x128xf32, #tpu.memory_space<hbm>>
      tpu.wait_indirect_dma semaphore(%arg10 : memref<!tpu.dma_semaphore, #tpu.memory_space<semaphore_mem>>) src(%dma_wait3A_103 : memref<10240x128xf32, #tpu.memory_space<hbm>>) dst(%arg9 : memref<128x128xf32, #tpu.memory_space<vmem>>)
      %run_scoped3A_104 = arith.constant 2 : i32
      "tpu.region"() ({
        %run_scoped3A_300 = tpu.sem_alloc : memref<!tpu.dma_semaphore, #tpu.memory_space<semaphore_mem>>
        %dma_start3A_301 = arith.constant 0 : i32
        %dma_start3A_302 = tpu.memref_slice %arg8[%run_scoped3A_104, %dma_start3A_301] : memref<16x128xi32, #tpu.memory_space<vmem>> -> memref<1x128xi32, #tpu.memory_space<vmem>>
        %dma_start3A_303 = tpu.memref_squeeze %dma_start3A_302 : memref<1x128xi32, #tpu.memory_space<vmem>> -> memref<128xi32, #tpu.memory_space<vmem>>
        %dma_start3A_304 = arith.constant 0 : i32
        %dma_start3A_305 = arith.constant 0 : i32
        %dma_start3A_306 = tpu.memref_slice %arg6[%dma_start3A_304, %dma_start3A_305] : memref<10240x128xf32, #tpu.memory_space<vmem_shared>> -> memref<10240x128xf32, #tpu.memory_space<vmem_shared>>
        tpu.enqueue_indirect_dma source(%arg9 : memref<128x128xf32, #tpu.memory_space<vmem>>) target(%dma_start3A_306 : memref<10240x128xf32, #tpu.memory_space<vmem_shared>>) offsets(%dma_start3A_303 : memref<128xi32, #tpu.memory_space<vmem>>) semaphore(%run_scoped3A_300 : memref<!tpu.dma_semaphore, #tpu.memory_space<semaphore_mem>>) {add = true}
        %dma_wait3A_307 = arith.constant 0 : i32
        %dma_wait3A_308 = tpu.memref_slice %arg8[%run_scoped3A_104, %dma_wait3A_307] : memref<16x128xi32, #tpu.memory_space<vmem>> -> memref<1x128xi32, #tpu.memory_space<vmem>>
        %dma_wait3A_309 = tpu.memref_squeeze %dma_wait3A_308 : memref<1x128xi32, #tpu.memory_space<vmem>> -> memref<128xi32, #tpu.memory_space<vmem>>
        %dma_wait3A_310 = arith.constant 0 : i32
        %dma_wait3A_311 = arith.constant 0 : i32
        %dma_wait3A_312 = tpu.memref_slice %arg6[%dma_wait3A_310, %dma_wait3A_311] : memref<10240x128xf32, #tpu.memory_space<vmem_shared>> -> memref<10240x128xf32, #tpu.memory_space<vmem_shared>>
        tpu.wait_indirect_dma semaphore(%run_scoped3A_300 : memref<!tpu.dma_semaphore, #tpu.memory_space<semaphore_mem>>) src(%arg9 : memref<128x128xf32, #tpu.memory_space<vmem>>) dst(%dma_wait3A_312 : memref<10240x128xf32, #tpu.memory_space<vmem_shared>>)
        tpu.yield
      }) : () -> ()
      %dma_start3A_105 = arith.constant 3 : i32
      %dma_start3A_106 = arith.constant 0 : i32
      %dma_start3A_107 = tpu.memref_slice %arg7[%dma_start3A_105, %dma_start3A_106] : memref<16x128xi32, #tpu.memory_space<vmem>> -> memref<1x128xi32, #tpu.memory_space<vmem>>
      %dma_start3A_108 = tpu.memref_squeeze %dma_start3A_107 : memref<1x128xi32, #tpu.memory_space<vmem>> -> memref<128xi32, #tpu.memory_space<vmem>>
      %dma_start3A_109 = arith.constant 0 : i32
      %dma_start3A_110 = arith.constant 0 : i32
      %dma_start3A_111 = tpu.memref_slice %arg2[%dma_start3A_109, %dma_start3A_110] : memref<10240x128xf32, #tpu.memory_space<hbm>> -> memref<10240x128xf32, #tpu.memory_space<hbm>>
      tpu.enqueue_indirect_dma source(%dma_start3A_111 : memref<10240x128xf32, #tpu.memory_space<hbm>>) target(%arg9 : memref<128x128xf32, #tpu.memory_space<vmem>>) offsets(%dma_start3A_108 : memref<128xi32, #tpu.memory_space<vmem>>) semaphore(%arg10 : memref<!tpu.dma_semaphore, #tpu.memory_space<semaphore_mem>>)
      %dma_wait3A_112 = arith.constant 3 : i32
      %dma_wait3A_113 = arith.constant 0 : i32
      %dma_wait3A_114 = tpu.memref_slice %arg7[%dma_wait3A_112, %dma_wait3A_113] : memref<16x128xi32, #tpu.memory_space<vmem>> -> memref<1x128xi32, #tpu.memory_space<vmem>>
      %dma_wait3A_115 = tpu.memref_squeeze %dma_wait3A_114 : memref<1x128xi32, #tpu.memory_space<vmem>> -> memref<128xi32, #tpu.memory_space<vmem>>
      %dma_wait3A_116 = arith.constant 0 : i32
      %dma_wait3A_117 = arith.constant 0 : i32
      %dma_wait3A_118 = tpu.memref_slice %arg2[%dma_wait3A_116, %dma_wait3A_117] : memref<10240x128xf32, #tpu.memory_space<hbm>> -> memref<10240x128xf32, #tpu.memory_space<hbm>>
      tpu.wait_indirect_dma semaphore(%arg10 : memref<!tpu.dma_semaphore, #tpu.memory_space<semaphore_mem>>) src(%dma_wait3A_118 : memref<10240x128xf32, #tpu.memory_space<hbm>>) dst(%arg9 : memref<128x128xf32, #tpu.memory_space<vmem>>)
      %run_scoped3A_119 = arith.constant 3 : i32
      "tpu.region"() ({
        %run_scoped3A_300 = tpu.sem_alloc : memref<!tpu.dma_semaphore, #tpu.memory_space<semaphore_mem>>
        %dma_start3A_301 = arith.constant 0 : i32
        %dma_start3A_302 = tpu.memref_slice %arg8[%run_scoped3A_119, %dma_start3A_301] : memref<16x128xi32, #tpu.memory_space<vmem>> -> memref<1x128xi32, #tpu.memory_space<vmem>>
        %dma_start3A_303 = tpu.memref_squeeze %dma_start3A_302 : memref<1x128xi32, #tpu.memory_space<vmem>> -> memref<128xi32, #tpu.memory_space<vmem>>
        %dma_start3A_304 = arith.constant 0 : i32
        %dma_start3A_305 = arith.constant 0 : i32
        %dma_start3A_306 = tpu.memref_slice %arg6[%dma_start3A_304, %dma_start3A_305] : memref<10240x128xf32, #tpu.memory_space<vmem_shared>> -> memref<10240x128xf32, #tpu.memory_space<vmem_shared>>
        tpu.enqueue_indirect_dma source(%arg9 : memref<128x128xf32, #tpu.memory_space<vmem>>) target(%dma_start3A_306 : memref<10240x128xf32, #tpu.memory_space<vmem_shared>>) offsets(%dma_start3A_303 : memref<128xi32, #tpu.memory_space<vmem>>) semaphore(%run_scoped3A_300 : memref<!tpu.dma_semaphore, #tpu.memory_space<semaphore_mem>>) {add = true}
        %dma_wait3A_307 = arith.constant 0 : i32
        %dma_wait3A_308 = tpu.memref_slice %arg8[%run_scoped3A_119, %dma_wait3A_307] : memref<16x128xi32, #tpu.memory_space<vmem>> -> memref<1x128xi32, #tpu.memory_space<vmem>>
        %dma_wait3A_309 = tpu.memref_squeeze %dma_wait3A_308 : memref<1x128xi32, #tpu.memory_space<vmem>> -> memref<128xi32, #tpu.memory_space<vmem>>
        %dma_wait3A_310 = arith.constant 0 : i32
        %dma_wait3A_311 = arith.constant 0 : i32
        %dma_wait3A_312 = tpu.memref_slice %arg6[%dma_wait3A_310, %dma_wait3A_311] : memref<10240x128xf32, #tpu.memory_space<vmem_shared>> -> memref<10240x128xf32, #tpu.memory_space<vmem_shared>>
        tpu.wait_indirect_dma semaphore(%run_scoped3A_300 : memref<!tpu.dma_semaphore, #tpu.memory_space<semaphore_mem>>) src(%arg9 : memref<128x128xf32, #tpu.memory_space<vmem>>) dst(%dma_wait3A_312 : memref<10240x128xf32, #tpu.memory_space<vmem_shared>>)
        tpu.yield
      }) : () -> ()
      %dma_start3A_120 = arith.constant 4 : i32
      %dma_start3A_121 = arith.constant 0 : i32
      %dma_start3A_122 = tpu.memref_slice %arg7[%dma_start3A_120, %dma_start3A_121] : memref<16x128xi32, #tpu.memory_space<vmem>> -> memref<1x128xi32, #tpu.memory_space<vmem>>
      %dma_start3A_123 = tpu.memref_squeeze %dma_start3A_122 : memref<1x128xi32, #tpu.memory_space<vmem>> -> memref<128xi32, #tpu.memory_space<vmem>>
      %dma_start3A_124 = arith.constant 0 : i32
      %dma_start3A_125 = arith.constant 0 : i32
      %dma_start3A_126 = tpu.memref_slice %arg2[%dma_start3A_124, %dma_start3A_125] : memref<10240x128xf32, #tpu.memory_space<hbm>> -> memref<10240x128xf32, #tpu.memory_space<hbm>>
      tpu.enqueue_indirect_dma source(%dma_start3A_126 : memref<10240x128xf32, #tpu.memory_space<hbm>>) target(%arg9 : memref<128x128xf32, #tpu.memory_space<vmem>>) offsets(%dma_start3A_123 : memref<128xi32, #tpu.memory_space<vmem>>) semaphore(%arg10 : memref<!tpu.dma_semaphore, #tpu.memory_space<semaphore_mem>>)
      %dma_wait3A_127 = arith.constant 4 : i32
      %dma_wait3A_128 = arith.constant 0 : i32
      %dma_wait3A_129 = tpu.memref_slice %arg7[%dma_wait3A_127, %dma_wait3A_128] : memref<16x128xi32, #tpu.memory_space<vmem>> -> memref<1x128xi32, #tpu.memory_space<vmem>>
      %dma_wait3A_130 = tpu.memref_squeeze %dma_wait3A_129 : memref<1x128xi32, #tpu.memory_space<vmem>> -> memref<128xi32, #tpu.memory_space<vmem>>
      %dma_wait3A_131 = arith.constant 0 : i32
      %dma_wait3A_132 = arith.constant 0 : i32
      %dma_wait3A_133 = tpu.memref_slice %arg2[%dma_wait3A_131, %dma_wait3A_132] : memref<10240x128xf32, #tpu.memory_space<hbm>> -> memref<10240x128xf32, #tpu.memory_space<hbm>>
      tpu.wait_indirect_dma semaphore(%arg10 : memref<!tpu.dma_semaphore, #tpu.memory_space<semaphore_mem>>) src(%dma_wait3A_133 : memref<10240x128xf32, #tpu.memory_space<hbm>>) dst(%arg9 : memref<128x128xf32, #tpu.memory_space<vmem>>)
      %run_scoped3A_134 = arith.constant 4 : i32
      "tpu.region"() ({
        %run_scoped3A_300 = tpu.sem_alloc : memref<!tpu.dma_semaphore, #tpu.memory_space<semaphore_mem>>
        %dma_start3A_301 = arith.constant 0 : i32
        %dma_start3A_302 = tpu.memref_slice %arg8[%run_scoped3A_134, %dma_start3A_301] : memref<16x128xi32, #tpu.memory_space<vmem>> -> memref<1x128xi32, #tpu.memory_space<vmem>>
        %dma_start3A_303 = tpu.memref_squeeze %dma_start3A_302 : memref<1x128xi32, #tpu.memory_space<vmem>> -> memref<128xi32, #tpu.memory_space<vmem>>
        %dma_start3A_304 = arith.constant 0 : i32
        %dma_start3A_305 = arith.constant 0 : i32
        %dma_start3A_306 = tpu.memref_slice %arg6[%dma_start3A_304, %dma_start3A_305] : memref<10240x128xf32, #tpu.memory_space<vmem_shared>> -> memref<10240x128xf32, #tpu.memory_space<vmem_shared>>
        tpu.enqueue_indirect_dma source(%arg9 : memref<128x128xf32, #tpu.memory_space<vmem>>) target(%dma_start3A_306 : memref<10240x128xf32, #tpu.memory_space<vmem_shared>>) offsets(%dma_start3A_303 : memref<128xi32, #tpu.memory_space<vmem>>) semaphore(%run_scoped3A_300 : memref<!tpu.dma_semaphore, #tpu.memory_space<semaphore_mem>>) {add = true}
        %dma_wait3A_307 = arith.constant 0 : i32
        %dma_wait3A_308 = tpu.memref_slice %arg8[%run_scoped3A_134, %dma_wait3A_307] : memref<16x128xi32, #tpu.memory_space<vmem>> -> memref<1x128xi32, #tpu.memory_space<vmem>>
        %dma_wait3A_309 = tpu.memref_squeeze %dma_wait3A_308 : memref<1x128xi32, #tpu.memory_space<vmem>> -> memref<128xi32, #tpu.memory_space<vmem>>
        %dma_wait3A_310 = arith.constant 0 : i32
        %dma_wait3A_311 = arith.constant 0 : i32
        %dma_wait3A_312 = tpu.memref_slice %arg6[%dma_wait3A_310, %dma_wait3A_311] : memref<10240x128xf32, #tpu.memory_space<vmem_shared>> -> memref<10240x128xf32, #tpu.memory_space<vmem_shared>>
        tpu.wait_indirect_dma semaphore(%run_scoped3A_300 : memref<!tpu.dma_semaphore, #tpu.memory_space<semaphore_mem>>) src(%arg9 : memref<128x128xf32, #tpu.memory_space<vmem>>) dst(%dma_wait3A_312 : memref<10240x128xf32, #tpu.memory_space<vmem_shared>>)
        tpu.yield
      }) : () -> ()
      %dma_start3A_135 = arith.constant 5 : i32
      %dma_start3A_136 = arith.constant 0 : i32
      %dma_start3A_137 = tpu.memref_slice %arg7[%dma_start3A_135, %dma_start3A_136] : memref<16x128xi32, #tpu.memory_space<vmem>> -> memref<1x128xi32, #tpu.memory_space<vmem>>
      %dma_start3A_138 = tpu.memref_squeeze %dma_start3A_137 : memref<1x128xi32, #tpu.memory_space<vmem>> -> memref<128xi32, #tpu.memory_space<vmem>>
      %dma_start3A_139 = arith.constant 0 : i32
      %dma_start3A_140 = arith.constant 0 : i32
      %dma_start3A_141 = tpu.memref_slice %arg2[%dma_start3A_139, %dma_start3A_140] : memref<10240x128xf32, #tpu.memory_space<hbm>> -> memref<10240x128xf32, #tpu.memory_space<hbm>>
      tpu.enqueue_indirect_dma source(%dma_start3A_141 : memref<10240x128xf32, #tpu.memory_space<hbm>>) target(%arg9 : memref<128x128xf32, #tpu.memory_space<vmem>>) offsets(%dma_start3A_138 : memref<128xi32, #tpu.memory_space<vmem>>) semaphore(%arg10 : memref<!tpu.dma_semaphore, #tpu.memory_space<semaphore_mem>>)
      %dma_wait3A_142 = arith.constant 5 : i32
      %dma_wait3A_143 = arith.constant 0 : i32
      %dma_wait3A_144 = tpu.memref_slice %arg7[%dma_wait3A_142, %dma_wait3A_143] : memref<16x128xi32, #tpu.memory_space<vmem>> -> memref<1x128xi32, #tpu.memory_space<vmem>>
      %dma_wait3A_145 = tpu.memref_squeeze %dma_wait3A_144 : memref<1x128xi32, #tpu.memory_space<vmem>> -> memref<128xi32, #tpu.memory_space<vmem>>
      %dma_wait3A_146 = arith.constant 0 : i32
      %dma_wait3A_147 = arith.constant 0 : i32
      %dma_wait3A_148 = tpu.memref_slice %arg2[%dma_wait3A_146, %dma_wait3A_147] : memref<10240x128xf32, #tpu.memory_space<hbm>> -> memref<10240x128xf32, #tpu.memory_space<hbm>>
      tpu.wait_indirect_dma semaphore(%arg10 : memref<!tpu.dma_semaphore, #tpu.memory_space<semaphore_mem>>) src(%dma_wait3A_148 : memref<10240x128xf32, #tpu.memory_space<hbm>>) dst(%arg9 : memref<128x128xf32, #tpu.memory_space<vmem>>)
      %run_scoped3A_149 = arith.constant 5 : i32
      "tpu.region"() ({
        %run_scoped3A_300 = tpu.sem_alloc : memref<!tpu.dma_semaphore, #tpu.memory_space<semaphore_mem>>
        %dma_start3A_301 = arith.constant 0 : i32
        %dma_start3A_302 = tpu.memref_slice %arg8[%run_scoped3A_149, %dma_start3A_301] : memref<16x128xi32, #tpu.memory_space<vmem>> -> memref<1x128xi32, #tpu.memory_space<vmem>>
        %dma_start3A_303 = tpu.memref_squeeze %dma_start3A_302 : memref<1x128xi32, #tpu.memory_space<vmem>> -> memref<128xi32, #tpu.memory_space<vmem>>
        %dma_start3A_304 = arith.constant 0 : i32
        %dma_start3A_305 = arith.constant 0 : i32
        %dma_start3A_306 = tpu.memref_slice %arg6[%dma_start3A_304, %dma_start3A_305] : memref<10240x128xf32, #tpu.memory_space<vmem_shared>> -> memref<10240x128xf32, #tpu.memory_space<vmem_shared>>
        tpu.enqueue_indirect_dma source(%arg9 : memref<128x128xf32, #tpu.memory_space<vmem>>) target(%dma_start3A_306 : memref<10240x128xf32, #tpu.memory_space<vmem_shared>>) offsets(%dma_start3A_303 : memref<128xi32, #tpu.memory_space<vmem>>) semaphore(%run_scoped3A_300 : memref<!tpu.dma_semaphore, #tpu.memory_space<semaphore_mem>>) {add = true}
        %dma_wait3A_307 = arith.constant 0 : i32
        %dma_wait3A_308 = tpu.memref_slice %arg8[%run_scoped3A_149, %dma_wait3A_307] : memref<16x128xi32, #tpu.memory_space<vmem>> -> memref<1x128xi32, #tpu.memory_space<vmem>>
        %dma_wait3A_309 = tpu.memref_squeeze %dma_wait3A_308 : memref<1x128xi32, #tpu.memory_space<vmem>> -> memref<128xi32, #tpu.memory_space<vmem>>
        %dma_wait3A_310 = arith.constant 0 : i32
        %dma_wait3A_311 = arith.constant 0 : i32
        %dma_wait3A_312 = tpu.memref_slice %arg6[%dma_wait3A_310, %dma_wait3A_311] : memref<10240x128xf32, #tpu.memory_space<vmem_shared>> -> memref<10240x128xf32, #tpu.memory_space<vmem_shared>>
        tpu.wait_indirect_dma semaphore(%run_scoped3A_300 : memref<!tpu.dma_semaphore, #tpu.memory_space<semaphore_mem>>) src(%arg9 : memref<128x128xf32, #tpu.memory_space<vmem>>) dst(%dma_wait3A_312 : memref<10240x128xf32, #tpu.memory_space<vmem_shared>>)
        tpu.yield
      }) : () -> ()
      %dma_start3A_150 = arith.constant 6 : i32
      %dma_start3A_151 = arith.constant 0 : i32
      %dma_start3A_152 = tpu.memref_slice %arg7[%dma_start3A_150, %dma_start3A_151] : memref<16x128xi32, #tpu.memory_space<vmem>> -> memref<1x128xi32, #tpu.memory_space<vmem>>
      %dma_start3A_153 = tpu.memref_squeeze %dma_start3A_152 : memref<1x128xi32, #tpu.memory_space<vmem>> -> memref<128xi32, #tpu.memory_space<vmem>>
      %dma_start3A_154 = arith.constant 0 : i32
      %dma_start3A_155 = arith.constant 0 : i32
      %dma_start3A_156 = tpu.memref_slice %arg2[%dma_start3A_154, %dma_start3A_155] : memref<10240x128xf32, #tpu.memory_space<hbm>> -> memref<10240x128xf32, #tpu.memory_space<hbm>>
      tpu.enqueue_indirect_dma source(%dma_start3A_156 : memref<10240x128xf32, #tpu.memory_space<hbm>>) target(%arg9 : memref<128x128xf32, #tpu.memory_space<vmem>>) offsets(%dma_start3A_153 : memref<128xi32, #tpu.memory_space<vmem>>) semaphore(%arg10 : memref<!tpu.dma_semaphore, #tpu.memory_space<semaphore_mem>>)
      %dma_wait3A_157 = arith.constant 6 : i32
      %dma_wait3A_158 = arith.constant 0 : i32
      %dma_wait3A_159 = tpu.memref_slice %arg7[%dma_wait3A_157, %dma_wait3A_158] : memref<16x128xi32, #tpu.memory_space<vmem>> -> memref<1x128xi32, #tpu.memory_space<vmem>>
      %dma_wait3A_160 = tpu.memref_squeeze %dma_wait3A_159 : memref<1x128xi32, #tpu.memory_space<vmem>> -> memref<128xi32, #tpu.memory_space<vmem>>
      %dma_wait3A_161 = arith.constant 0 : i32
      %dma_wait3A_162 = arith.constant 0 : i32
      %dma_wait3A_163 = tpu.memref_slice %arg2[%dma_wait3A_161, %dma_wait3A_162] : memref<10240x128xf32, #tpu.memory_space<hbm>> -> memref<10240x128xf32, #tpu.memory_space<hbm>>
      tpu.wait_indirect_dma semaphore(%arg10 : memref<!tpu.dma_semaphore, #tpu.memory_space<semaphore_mem>>) src(%dma_wait3A_163 : memref<10240x128xf32, #tpu.memory_space<hbm>>) dst(%arg9 : memref<128x128xf32, #tpu.memory_space<vmem>>)
      %run_scoped3A_164 = arith.constant 6 : i32
      "tpu.region"() ({
        %run_scoped3A_300 = tpu.sem_alloc : memref<!tpu.dma_semaphore, #tpu.memory_space<semaphore_mem>>
        %dma_start3A_301 = arith.constant 0 : i32
        %dma_start3A_302 = tpu.memref_slice %arg8[%run_scoped3A_164, %dma_start3A_301] : memref<16x128xi32, #tpu.memory_space<vmem>> -> memref<1x128xi32, #tpu.memory_space<vmem>>
        %dma_start3A_303 = tpu.memref_squeeze %dma_start3A_302 : memref<1x128xi32, #tpu.memory_space<vmem>> -> memref<128xi32, #tpu.memory_space<vmem>>
        %dma_start3A_304 = arith.constant 0 : i32
        %dma_start3A_305 = arith.constant 0 : i32
        %dma_start3A_306 = tpu.memref_slice %arg6[%dma_start3A_304, %dma_start3A_305] : memref<10240x128xf32, #tpu.memory_space<vmem_shared>> -> memref<10240x128xf32, #tpu.memory_space<vmem_shared>>
        tpu.enqueue_indirect_dma source(%arg9 : memref<128x128xf32, #tpu.memory_space<vmem>>) target(%dma_start3A_306 : memref<10240x128xf32, #tpu.memory_space<vmem_shared>>) offsets(%dma_start3A_303 : memref<128xi32, #tpu.memory_space<vmem>>) semaphore(%run_scoped3A_300 : memref<!tpu.dma_semaphore, #tpu.memory_space<semaphore_mem>>) {add = true}
        %dma_wait3A_307 = arith.constant 0 : i32
        %dma_wait3A_308 = tpu.memref_slice %arg8[%run_scoped3A_164, %dma_wait3A_307] : memref<16x128xi32, #tpu.memory_space<vmem>> -> memref<1x128xi32, #tpu.memory_space<vmem>>
        %dma_wait3A_309 = tpu.memref_squeeze %dma_wait3A_308 : memref<1x128xi32, #tpu.memory_space<vmem>> -> memref<128xi32, #tpu.memory_space<vmem>>
        %dma_wait3A_310 = arith.constant 0 : i32
        %dma_wait3A_311 = arith.constant 0 : i32
        %dma_wait3A_312 = tpu.memref_slice %arg6[%dma_wait3A_310, %dma_wait3A_311] : memref<10240x128xf32, #tpu.memory_space<vmem_shared>> -> memref<10240x128xf32, #tpu.memory_space<vmem_shared>>
        tpu.wait_indirect_dma semaphore(%run_scoped3A_300 : memref<!tpu.dma_semaphore, #tpu.memory_space<semaphore_mem>>) src(%arg9 : memref<128x128xf32, #tpu.memory_space<vmem>>) dst(%dma_wait3A_312 : memref<10240x128xf32, #tpu.memory_space<vmem_shared>>)
        tpu.yield
      }) : () -> ()
      %dma_start3A_165 = arith.constant 7 : i32
      %dma_start3A_166 = arith.constant 0 : i32
      %dma_start3A_167 = tpu.memref_slice %arg7[%dma_start3A_165, %dma_start3A_166] : memref<16x128xi32, #tpu.memory_space<vmem>> -> memref<1x128xi32, #tpu.memory_space<vmem>>
      %dma_start3A_168 = tpu.memref_squeeze %dma_start3A_167 : memref<1x128xi32, #tpu.memory_space<vmem>> -> memref<128xi32, #tpu.memory_space<vmem>>
      %dma_start3A_169 = arith.constant 0 : i32
      %dma_start3A_170 = arith.constant 0 : i32
      %dma_start3A_171 = tpu.memref_slice %arg2[%dma_start3A_169, %dma_start3A_170] : memref<10240x128xf32, #tpu.memory_space<hbm>> -> memref<10240x128xf32, #tpu.memory_space<hbm>>
      tpu.enqueue_indirect_dma source(%dma_start3A_171 : memref<10240x128xf32, #tpu.memory_space<hbm>>) target(%arg9 : memref<128x128xf32, #tpu.memory_space<vmem>>) offsets(%dma_start3A_168 : memref<128xi32, #tpu.memory_space<vmem>>) semaphore(%arg10 : memref<!tpu.dma_semaphore, #tpu.memory_space<semaphore_mem>>)
      %dma_wait3A_172 = arith.constant 7 : i32
      %dma_wait3A_173 = arith.constant 0 : i32
      %dma_wait3A_174 = tpu.memref_slice %arg7[%dma_wait3A_172, %dma_wait3A_173] : memref<16x128xi32, #tpu.memory_space<vmem>> -> memref<1x128xi32, #tpu.memory_space<vmem>>
      %dma_wait3A_175 = tpu.memref_squeeze %dma_wait3A_174 : memref<1x128xi32, #tpu.memory_space<vmem>> -> memref<128xi32, #tpu.memory_space<vmem>>
      %dma_wait3A_176 = arith.constant 0 : i32
      %dma_wait3A_177 = arith.constant 0 : i32
      %dma_wait3A_178 = tpu.memref_slice %arg2[%dma_wait3A_176, %dma_wait3A_177] : memref<10240x128xf32, #tpu.memory_space<hbm>> -> memref<10240x128xf32, #tpu.memory_space<hbm>>
      tpu.wait_indirect_dma semaphore(%arg10 : memref<!tpu.dma_semaphore, #tpu.memory_space<semaphore_mem>>) src(%dma_wait3A_178 : memref<10240x128xf32, #tpu.memory_space<hbm>>) dst(%arg9 : memref<128x128xf32, #tpu.memory_space<vmem>>)
      %run_scoped3A_179 = arith.constant 7 : i32
      "tpu.region"() ({
        %run_scoped3A_300 = tpu.sem_alloc : memref<!tpu.dma_semaphore, #tpu.memory_space<semaphore_mem>>
        %dma_start3A_301 = arith.constant 0 : i32
        %dma_start3A_302 = tpu.memref_slice %arg8[%run_scoped3A_179, %dma_start3A_301] : memref<16x128xi32, #tpu.memory_space<vmem>> -> memref<1x128xi32, #tpu.memory_space<vmem>>
        %dma_start3A_303 = tpu.memref_squeeze %dma_start3A_302 : memref<1x128xi32, #tpu.memory_space<vmem>> -> memref<128xi32, #tpu.memory_space<vmem>>
        %dma_start3A_304 = arith.constant 0 : i32
        %dma_start3A_305 = arith.constant 0 : i32
        %dma_start3A_306 = tpu.memref_slice %arg6[%dma_start3A_304, %dma_start3A_305] : memref<10240x128xf32, #tpu.memory_space<vmem_shared>> -> memref<10240x128xf32, #tpu.memory_space<vmem_shared>>
        tpu.enqueue_indirect_dma source(%arg9 : memref<128x128xf32, #tpu.memory_space<vmem>>) target(%dma_start3A_306 : memref<10240x128xf32, #tpu.memory_space<vmem_shared>>) offsets(%dma_start3A_303 : memref<128xi32, #tpu.memory_space<vmem>>) semaphore(%run_scoped3A_300 : memref<!tpu.dma_semaphore, #tpu.memory_space<semaphore_mem>>) {add = true}
        %dma_wait3A_307 = arith.constant 0 : i32
        %dma_wait3A_308 = tpu.memref_slice %arg8[%run_scoped3A_179, %dma_wait3A_307] : memref<16x128xi32, #tpu.memory_space<vmem>> -> memref<1x128xi32, #tpu.memory_space<vmem>>
        %dma_wait3A_309 = tpu.memref_squeeze %dma_wait3A_308 : memref<1x128xi32, #tpu.memory_space<vmem>> -> memref<128xi32, #tpu.memory_space<vmem>>
        %dma_wait3A_310 = arith.constant 0 : i32
        %dma_wait3A_311 = arith.constant 0 : i32
        %dma_wait3A_312 = tpu.memref_slice %arg6[%dma_wait3A_310, %dma_wait3A_311] : memref<10240x128xf32, #tpu.memory_space<vmem_shared>> -> memref<10240x128xf32, #tpu.memory_space<vmem_shared>>
        tpu.wait_indirect_dma semaphore(%run_scoped3A_300 : memref<!tpu.dma_semaphore, #tpu.memory_space<semaphore_mem>>) src(%arg9 : memref<128x128xf32, #tpu.memory_space<vmem>>) dst(%dma_wait3A_312 : memref<10240x128xf32, #tpu.memory_space<vmem_shared>>)
        tpu.yield
      }) : () -> ()
      %dma_start3A_180 = arith.constant 8 : i32
      %dma_start3A_181 = arith.constant 0 : i32
      %dma_start3A_182 = tpu.memref_slice %arg7[%dma_start3A_180, %dma_start3A_181] : memref<16x128xi32, #tpu.memory_space<vmem>> -> memref<1x128xi32, #tpu.memory_space<vmem>>
      %dma_start3A_183 = tpu.memref_squeeze %dma_start3A_182 : memref<1x128xi32, #tpu.memory_space<vmem>> -> memref<128xi32, #tpu.memory_space<vmem>>
      %dma_start3A_184 = arith.constant 0 : i32
      %dma_start3A_185 = arith.constant 0 : i32
      %dma_start3A_186 = tpu.memref_slice %arg2[%dma_start3A_184, %dma_start3A_185] : memref<10240x128xf32, #tpu.memory_space<hbm>> -> memref<10240x128xf32, #tpu.memory_space<hbm>>
      tpu.enqueue_indirect_dma source(%dma_start3A_186 : memref<10240x128xf32, #tpu.memory_space<hbm>>) target(%arg9 : memref<128x128xf32, #tpu.memory_space<vmem>>) offsets(%dma_start3A_183 : memref<128xi32, #tpu.memory_space<vmem>>) semaphore(%arg10 : memref<!tpu.dma_semaphore, #tpu.memory_space<semaphore_mem>>)
      %dma_wait3A_187 = arith.constant 8 : i32
      %dma_wait3A_188 = arith.constant 0 : i32
      %dma_wait3A_189 = tpu.memref_slice %arg7[%dma_wait3A_187, %dma_wait3A_188] : memref<16x128xi32, #tpu.memory_space<vmem>> -> memref<1x128xi32, #tpu.memory_space<vmem>>
      %dma_wait3A_190 = tpu.memref_squeeze %dma_wait3A_189 : memref<1x128xi32, #tpu.memory_space<vmem>> -> memref<128xi32, #tpu.memory_space<vmem>>
      %dma_wait3A_191 = arith.constant 0 : i32
      %dma_wait3A_192 = arith.constant 0 : i32
      %dma_wait3A_193 = tpu.memref_slice %arg2[%dma_wait3A_191, %dma_wait3A_192] : memref<10240x128xf32, #tpu.memory_space<hbm>> -> memref<10240x128xf32, #tpu.memory_space<hbm>>
      tpu.wait_indirect_dma semaphore(%arg10 : memref<!tpu.dma_semaphore, #tpu.memory_space<semaphore_mem>>) src(%dma_wait3A_193 : memref<10240x128xf32, #tpu.memory_space<hbm>>) dst(%arg9 : memref<128x128xf32, #tpu.memory_space<vmem>>)
      %run_scoped3A_194 = arith.constant 8 : i32
      "tpu.region"() ({
        %run_scoped3A_300 = tpu.sem_alloc : memref<!tpu.dma_semaphore, #tpu.memory_space<semaphore_mem>>
        %dma_start3A_301 = arith.constant 0 : i32
        %dma_start3A_302 = tpu.memref_slice %arg8[%run_scoped3A_194, %dma_start3A_301] : memref<16x128xi32, #tpu.memory_space<vmem>> -> memref<1x128xi32, #tpu.memory_space<vmem>>
        %dma_start3A_303 = tpu.memref_squeeze %dma_start3A_302 : memref<1x128xi32, #tpu.memory_space<vmem>> -> memref<128xi32, #tpu.memory_space<vmem>>
        %dma_start3A_304 = arith.constant 0 : i32
        %dma_start3A_305 = arith.constant 0 : i32
        %dma_start3A_306 = tpu.memref_slice %arg6[%dma_start3A_304, %dma_start3A_305] : memref<10240x128xf32, #tpu.memory_space<vmem_shared>> -> memref<10240x128xf32, #tpu.memory_space<vmem_shared>>
        tpu.enqueue_indirect_dma source(%arg9 : memref<128x128xf32, #tpu.memory_space<vmem>>) target(%dma_start3A_306 : memref<10240x128xf32, #tpu.memory_space<vmem_shared>>) offsets(%dma_start3A_303 : memref<128xi32, #tpu.memory_space<vmem>>) semaphore(%run_scoped3A_300 : memref<!tpu.dma_semaphore, #tpu.memory_space<semaphore_mem>>) {add = true}
        %dma_wait3A_307 = arith.constant 0 : i32
        %dma_wait3A_308 = tpu.memref_slice %arg8[%run_scoped3A_194, %dma_wait3A_307] : memref<16x128xi32, #tpu.memory_space<vmem>> -> memref<1x128xi32, #tpu.memory_space<vmem>>
        %dma_wait3A_309 = tpu.memref_squeeze %dma_wait3A_308 : memref<1x128xi32, #tpu.memory_space<vmem>> -> memref<128xi32, #tpu.memory_space<vmem>>
        %dma_wait3A_310 = arith.constant 0 : i32
        %dma_wait3A_311 = arith.constant 0 : i32
        %dma_wait3A_312 = tpu.memref_slice %arg6[%dma_wait3A_310, %dma_wait3A_311] : memref<10240x128xf32, #tpu.memory_space<vmem_shared>> -> memref<10240x128xf32, #tpu.memory_space<vmem_shared>>
        tpu.wait_indirect_dma semaphore(%run_scoped3A_300 : memref<!tpu.dma_semaphore, #tpu.memory_space<semaphore_mem>>) src(%arg9 : memref<128x128xf32, #tpu.memory_space<vmem>>) dst(%dma_wait3A_312 : memref<10240x128xf32, #tpu.memory_space<vmem_shared>>)
        tpu.yield
      }) : () -> ()
      %dma_start3A_195 = arith.constant 9 : i32
      %dma_start3A_196 = arith.constant 0 : i32
      %dma_start3A_197 = tpu.memref_slice %arg7[%dma_start3A_195, %dma_start3A_196] : memref<16x128xi32, #tpu.memory_space<vmem>> -> memref<1x128xi32, #tpu.memory_space<vmem>>
      %dma_start3A_198 = tpu.memref_squeeze %dma_start3A_197 : memref<1x128xi32, #tpu.memory_space<vmem>> -> memref<128xi32, #tpu.memory_space<vmem>>
      %dma_start3A_199 = arith.constant 0 : i32
      %dma_start3A_200 = arith.constant 0 : i32
      %dma_start3A_201 = tpu.memref_slice %arg2[%dma_start3A_199, %dma_start3A_200] : memref<10240x128xf32, #tpu.memory_space<hbm>> -> memref<10240x128xf32, #tpu.memory_space<hbm>>
      tpu.enqueue_indirect_dma source(%dma_start3A_201 : memref<10240x128xf32, #tpu.memory_space<hbm>>) target(%arg9 : memref<128x128xf32, #tpu.memory_space<vmem>>) offsets(%dma_start3A_198 : memref<128xi32, #tpu.memory_space<vmem>>) semaphore(%arg10 : memref<!tpu.dma_semaphore, #tpu.memory_space<semaphore_mem>>)
      %dma_wait3A_202 = arith.constant 9 : i32
      %dma_wait3A_203 = arith.constant 0 : i32
      %dma_wait3A_204 = tpu.memref_slice %arg7[%dma_wait3A_202, %dma_wait3A_203] : memref<16x128xi32, #tpu.memory_space<vmem>> -> memref<1x128xi32, #tpu.memory_space<vmem>>
      %dma_wait3A_205 = tpu.memref_squeeze %dma_wait3A_204 : memref<1x128xi32, #tpu.memory_space<vmem>> -> memref<128xi32, #tpu.memory_space<vmem>>
      %dma_wait3A_206 = arith.constant 0 : i32
      %dma_wait3A_207 = arith.constant 0 : i32
      %dma_wait3A_208 = tpu.memref_slice %arg2[%dma_wait3A_206, %dma_wait3A_207] : memref<10240x128xf32, #tpu.memory_space<hbm>> -> memref<10240x128xf32, #tpu.memory_space<hbm>>
      tpu.wait_indirect_dma semaphore(%arg10 : memref<!tpu.dma_semaphore, #tpu.memory_space<semaphore_mem>>) src(%dma_wait3A_208 : memref<10240x128xf32, #tpu.memory_space<hbm>>) dst(%arg9 : memref<128x128xf32, #tpu.memory_space<vmem>>)
      %run_scoped3A_209 = arith.constant 9 : i32
      "tpu.region"() ({
        %run_scoped3A_300 = tpu.sem_alloc : memref<!tpu.dma_semaphore, #tpu.memory_space<semaphore_mem>>
        %dma_start3A_301 = arith.constant 0 : i32
        %dma_start3A_302 = tpu.memref_slice %arg8[%run_scoped3A_209, %dma_start3A_301] : memref<16x128xi32, #tpu.memory_space<vmem>> -> memref<1x128xi32, #tpu.memory_space<vmem>>
        %dma_start3A_303 = tpu.memref_squeeze %dma_start3A_302 : memref<1x128xi32, #tpu.memory_space<vmem>> -> memref<128xi32, #tpu.memory_space<vmem>>
        %dma_start3A_304 = arith.constant 0 : i32
        %dma_start3A_305 = arith.constant 0 : i32
        %dma_start3A_306 = tpu.memref_slice %arg6[%dma_start3A_304, %dma_start3A_305] : memref<10240x128xf32, #tpu.memory_space<vmem_shared>> -> memref<10240x128xf32, #tpu.memory_space<vmem_shared>>
        tpu.enqueue_indirect_dma source(%arg9 : memref<128x128xf32, #tpu.memory_space<vmem>>) target(%dma_start3A_306 : memref<10240x128xf32, #tpu.memory_space<vmem_shared>>) offsets(%dma_start3A_303 : memref<128xi32, #tpu.memory_space<vmem>>) semaphore(%run_scoped3A_300 : memref<!tpu.dma_semaphore, #tpu.memory_space<semaphore_mem>>) {add = true}
        %dma_wait3A_307 = arith.constant 0 : i32
        %dma_wait3A_308 = tpu.memref_slice %arg8[%run_scoped3A_209, %dma_wait3A_307] : memref<16x128xi32, #tpu.memory_space<vmem>> -> memref<1x128xi32, #tpu.memory_space<vmem>>
        %dma_wait3A_309 = tpu.memref_squeeze %dma_wait3A_308 : memref<1x128xi32, #tpu.memory_space<vmem>> -> memref<128xi32, #tpu.memory_space<vmem>>
        %dma_wait3A_310 = arith.constant 0 : i32
        %dma_wait3A_311 = arith.constant 0 : i32
        %dma_wait3A_312 = tpu.memref_slice %arg6[%dma_wait3A_310, %dma_wait3A_311] : memref<10240x128xf32, #tpu.memory_space<vmem_shared>> -> memref<10240x128xf32, #tpu.memory_space<vmem_shared>>
        tpu.wait_indirect_dma semaphore(%run_scoped3A_300 : memref<!tpu.dma_semaphore, #tpu.memory_space<semaphore_mem>>) src(%arg9 : memref<128x128xf32, #tpu.memory_space<vmem>>) dst(%dma_wait3A_312 : memref<10240x128xf32, #tpu.memory_space<vmem_shared>>)
        tpu.yield
      }) : () -> ()
      %dma_start3A_210 = arith.constant 10 : i32
      %dma_start3A_211 = arith.constant 0 : i32
      %dma_start3A_212 = tpu.memref_slice %arg7[%dma_start3A_210, %dma_start3A_211] : memref<16x128xi32, #tpu.memory_space<vmem>> -> memref<1x128xi32, #tpu.memory_space<vmem>>
      %dma_start3A_213 = tpu.memref_squeeze %dma_start3A_212 : memref<1x128xi32, #tpu.memory_space<vmem>> -> memref<128xi32, #tpu.memory_space<vmem>>
      %dma_start3A_214 = arith.constant 0 : i32
      %dma_start3A_215 = arith.constant 0 : i32
      %dma_start3A_216 = tpu.memref_slice %arg2[%dma_start3A_214, %dma_start3A_215] : memref<10240x128xf32, #tpu.memory_space<hbm>> -> memref<10240x128xf32, #tpu.memory_space<hbm>>
      tpu.enqueue_indirect_dma source(%dma_start3A_216 : memref<10240x128xf32, #tpu.memory_space<hbm>>) target(%arg9 : memref<128x128xf32, #tpu.memory_space<vmem>>) offsets(%dma_start3A_213 : memref<128xi32, #tpu.memory_space<vmem>>) semaphore(%arg10 : memref<!tpu.dma_semaphore, #tpu.memory_space<semaphore_mem>>)
      %dma_wait3A_217 = arith.constant 10 : i32
      %dma_wait3A_218 = arith.constant 0 : i32
      %dma_wait3A_219 = tpu.memref_slice %arg7[%dma_wait3A_217, %dma_wait3A_218] : memref<16x128xi32, #tpu.memory_space<vmem>> -> memref<1x128xi32, #tpu.memory_space<vmem>>
      %dma_wait3A_220 = tpu.memref_squeeze %dma_wait3A_219 : memref<1x128xi32, #tpu.memory_space<vmem>> -> memref<128xi32, #tpu.memory_space<vmem>>
      %dma_wait3A_221 = arith.constant 0 : i32
      %dma_wait3A_222 = arith.constant 0 : i32
      %dma_wait3A_223 = tpu.memref_slice %arg2[%dma_wait3A_221, %dma_wait3A_222] : memref<10240x128xf32, #tpu.memory_space<hbm>> -> memref<10240x128xf32, #tpu.memory_space<hbm>>
      tpu.wait_indirect_dma semaphore(%arg10 : memref<!tpu.dma_semaphore, #tpu.memory_space<semaphore_mem>>) src(%dma_wait3A_223 : memref<10240x128xf32, #tpu.memory_space<hbm>>) dst(%arg9 : memref<128x128xf32, #tpu.memory_space<vmem>>)
      %run_scoped3A_224 = arith.constant 10 : i32
      "tpu.region"() ({
        %run_scoped3A_300 = tpu.sem_alloc : memref<!tpu.dma_semaphore, #tpu.memory_space<semaphore_mem>>
        %dma_start3A_301 = arith.constant 0 : i32
        %dma_start3A_302 = tpu.memref_slice %arg8[%run_scoped3A_224, %dma_start3A_301] : memref<16x128xi32, #tpu.memory_space<vmem>> -> memref<1x128xi32, #tpu.memory_space<vmem>>
        %dma_start3A_303 = tpu.memref_squeeze %dma_start3A_302 : memref<1x128xi32, #tpu.memory_space<vmem>> -> memref<128xi32, #tpu.memory_space<vmem>>
        %dma_start3A_304 = arith.constant 0 : i32
        %dma_start3A_305 = arith.constant 0 : i32
        %dma_start3A_306 = tpu.memref_slice %arg6[%dma_start3A_304, %dma_start3A_305] : memref<10240x128xf32, #tpu.memory_space<vmem_shared>> -> memref<10240x128xf32, #tpu.memory_space<vmem_shared>>
        tpu.enqueue_indirect_dma source(%arg9 : memref<128x128xf32, #tpu.memory_space<vmem>>) target(%dma_start3A_306 : memref<10240x128xf32, #tpu.memory_space<vmem_shared>>) offsets(%dma_start3A_303 : memref<128xi32, #tpu.memory_space<vmem>>) semaphore(%run_scoped3A_300 : memref<!tpu.dma_semaphore, #tpu.memory_space<semaphore_mem>>) {add = true}
        %dma_wait3A_307 = arith.constant 0 : i32
        %dma_wait3A_308 = tpu.memref_slice %arg8[%run_scoped3A_224, %dma_wait3A_307] : memref<16x128xi32, #tpu.memory_space<vmem>> -> memref<1x128xi32, #tpu.memory_space<vmem>>
        %dma_wait3A_309 = tpu.memref_squeeze %dma_wait3A_308 : memref<1x128xi32, #tpu.memory_space<vmem>> -> memref<128xi32, #tpu.memory_space<vmem>>
        %dma_wait3A_310 = arith.constant 0 : i32
        %dma_wait3A_311 = arith.constant 0 : i32
        %dma_wait3A_312 = tpu.memref_slice %arg6[%dma_wait3A_310, %dma_wait3A_311] : memref<10240x128xf32, #tpu.memory_space<vmem_shared>> -> memref<10240x128xf32, #tpu.memory_space<vmem_shared>>
        tpu.wait_indirect_dma semaphore(%run_scoped3A_300 : memref<!tpu.dma_semaphore, #tpu.memory_space<semaphore_mem>>) src(%arg9 : memref<128x128xf32, #tpu.memory_space<vmem>>) dst(%dma_wait3A_312 : memref<10240x128xf32, #tpu.memory_space<vmem_shared>>)
        tpu.yield
      }) : () -> ()
      %dma_start3A_225 = arith.constant 11 : i32
      %dma_start3A_226 = arith.constant 0 : i32
      %dma_start3A_227 = tpu.memref_slice %arg7[%dma_start3A_225, %dma_start3A_226] : memref<16x128xi32, #tpu.memory_space<vmem>> -> memref<1x128xi32, #tpu.memory_space<vmem>>
      %dma_start3A_228 = tpu.memref_squeeze %dma_start3A_227 : memref<1x128xi32, #tpu.memory_space<vmem>> -> memref<128xi32, #tpu.memory_space<vmem>>
      %dma_start3A_229 = arith.constant 0 : i32
      %dma_start3A_230 = arith.constant 0 : i32
      %dma_start3A_231 = tpu.memref_slice %arg2[%dma_start3A_229, %dma_start3A_230] : memref<10240x128xf32, #tpu.memory_space<hbm>> -> memref<10240x128xf32, #tpu.memory_space<hbm>>
      tpu.enqueue_indirect_dma source(%dma_start3A_231 : memref<10240x128xf32, #tpu.memory_space<hbm>>) target(%arg9 : memref<128x128xf32, #tpu.memory_space<vmem>>) offsets(%dma_start3A_228 : memref<128xi32, #tpu.memory_space<vmem>>) semaphore(%arg10 : memref<!tpu.dma_semaphore, #tpu.memory_space<semaphore_mem>>)
      %dma_wait3A_232 = arith.constant 11 : i32
      %dma_wait3A_233 = arith.constant 0 : i32
      %dma_wait3A_234 = tpu.memref_slice %arg7[%dma_wait3A_232, %dma_wait3A_233] : memref<16x128xi32, #tpu.memory_space<vmem>> -> memref<1x128xi32, #tpu.memory_space<vmem>>
      %dma_wait3A_235 = tpu.memref_squeeze %dma_wait3A_234 : memref<1x128xi32, #tpu.memory_space<vmem>> -> memref<128xi32, #tpu.memory_space<vmem>>
      %dma_wait3A_236 = arith.constant 0 : i32
      %dma_wait3A_237 = arith.constant 0 : i32
      %dma_wait3A_238 = tpu.memref_slice %arg2[%dma_wait3A_236, %dma_wait3A_237] : memref<10240x128xf32, #tpu.memory_space<hbm>> -> memref<10240x128xf32, #tpu.memory_space<hbm>>
      tpu.wait_indirect_dma semaphore(%arg10 : memref<!tpu.dma_semaphore, #tpu.memory_space<semaphore_mem>>) src(%dma_wait3A_238 : memref<10240x128xf32, #tpu.memory_space<hbm>>) dst(%arg9 : memref<128x128xf32, #tpu.memory_space<vmem>>)
      %run_scoped3A_239 = arith.constant 11 : i32
      "tpu.region"() ({
        %run_scoped3A_300 = tpu.sem_alloc : memref<!tpu.dma_semaphore, #tpu.memory_space<semaphore_mem>>
        %dma_start3A_301 = arith.constant 0 : i32
        %dma_start3A_302 = tpu.memref_slice %arg8[%run_scoped3A_239, %dma_start3A_301] : memref<16x128xi32, #tpu.memory_space<vmem>> -> memref<1x128xi32, #tpu.memory_space<vmem>>
        %dma_start3A_303 = tpu.memref_squeeze %dma_start3A_302 : memref<1x128xi32, #tpu.memory_space<vmem>> -> memref<128xi32, #tpu.memory_space<vmem>>
        %dma_start3A_304 = arith.constant 0 : i32
        %dma_start3A_305 = arith.constant 0 : i32
        %dma_start3A_306 = tpu.memref_slice %arg6[%dma_start3A_304, %dma_start3A_305] : memref<10240x128xf32, #tpu.memory_space<vmem_shared>> -> memref<10240x128xf32, #tpu.memory_space<vmem_shared>>
        tpu.enqueue_indirect_dma source(%arg9 : memref<128x128xf32, #tpu.memory_space<vmem>>) target(%dma_start3A_306 : memref<10240x128xf32, #tpu.memory_space<vmem_shared>>) offsets(%dma_start3A_303 : memref<128xi32, #tpu.memory_space<vmem>>) semaphore(%run_scoped3A_300 : memref<!tpu.dma_semaphore, #tpu.memory_space<semaphore_mem>>) {add = true}
        %dma_wait3A_307 = arith.constant 0 : i32
        %dma_wait3A_308 = tpu.memref_slice %arg8[%run_scoped3A_239, %dma_wait3A_307] : memref<16x128xi32, #tpu.memory_space<vmem>> -> memref<1x128xi32, #tpu.memory_space<vmem>>
        %dma_wait3A_309 = tpu.memref_squeeze %dma_wait3A_308 : memref<1x128xi32, #tpu.memory_space<vmem>> -> memref<128xi32, #tpu.memory_space<vmem>>
        %dma_wait3A_310 = arith.constant 0 : i32
        %dma_wait3A_311 = arith.constant 0 : i32
        %dma_wait3A_312 = tpu.memref_slice %arg6[%dma_wait3A_310, %dma_wait3A_311] : memref<10240x128xf32, #tpu.memory_space<vmem_shared>> -> memref<10240x128xf32, #tpu.memory_space<vmem_shared>>
        tpu.wait_indirect_dma semaphore(%run_scoped3A_300 : memref<!tpu.dma_semaphore, #tpu.memory_space<semaphore_mem>>) src(%arg9 : memref<128x128xf32, #tpu.memory_space<vmem>>) dst(%dma_wait3A_312 : memref<10240x128xf32, #tpu.memory_space<vmem_shared>>)
        tpu.yield
      }) : () -> ()
      %dma_start3A_240 = arith.constant 12 : i32
      %dma_start3A_241 = arith.constant 0 : i32
      %dma_start3A_242 = tpu.memref_slice %arg7[%dma_start3A_240, %dma_start3A_241] : memref<16x128xi32, #tpu.memory_space<vmem>> -> memref<1x128xi32, #tpu.memory_space<vmem>>
      %dma_start3A_243 = tpu.memref_squeeze %dma_start3A_242 : memref<1x128xi32, #tpu.memory_space<vmem>> -> memref<128xi32, #tpu.memory_space<vmem>>
      %dma_start3A_244 = arith.constant 0 : i32
      %dma_start3A_245 = arith.constant 0 : i32
      %dma_start3A_246 = tpu.memref_slice %arg2[%dma_start3A_244, %dma_start3A_245] : memref<10240x128xf32, #tpu.memory_space<hbm>> -> memref<10240x128xf32, #tpu.memory_space<hbm>>
      tpu.enqueue_indirect_dma source(%dma_start3A_246 : memref<10240x128xf32, #tpu.memory_space<hbm>>) target(%arg9 : memref<128x128xf32, #tpu.memory_space<vmem>>) offsets(%dma_start3A_243 : memref<128xi32, #tpu.memory_space<vmem>>) semaphore(%arg10 : memref<!tpu.dma_semaphore, #tpu.memory_space<semaphore_mem>>)
      %dma_wait3A_247 = arith.constant 12 : i32
      %dma_wait3A_248 = arith.constant 0 : i32
      %dma_wait3A_249 = tpu.memref_slice %arg7[%dma_wait3A_247, %dma_wait3A_248] : memref<16x128xi32, #tpu.memory_space<vmem>> -> memref<1x128xi32, #tpu.memory_space<vmem>>
      %dma_wait3A_250 = tpu.memref_squeeze %dma_wait3A_249 : memref<1x128xi32, #tpu.memory_space<vmem>> -> memref<128xi32, #tpu.memory_space<vmem>>
      %dma_wait3A_251 = arith.constant 0 : i32
      %dma_wait3A_252 = arith.constant 0 : i32
      %dma_wait3A_253 = tpu.memref_slice %arg2[%dma_wait3A_251, %dma_wait3A_252] : memref<10240x128xf32, #tpu.memory_space<hbm>> -> memref<10240x128xf32, #tpu.memory_space<hbm>>
      tpu.wait_indirect_dma semaphore(%arg10 : memref<!tpu.dma_semaphore, #tpu.memory_space<semaphore_mem>>) src(%dma_wait3A_253 : memref<10240x128xf32, #tpu.memory_space<hbm>>) dst(%arg9 : memref<128x128xf32, #tpu.memory_space<vmem>>)
      %run_scoped3A_254 = arith.constant 12 : i32
      "tpu.region"() ({
        %run_scoped3A_300 = tpu.sem_alloc : memref<!tpu.dma_semaphore, #tpu.memory_space<semaphore_mem>>
        %dma_start3A_301 = arith.constant 0 : i32
        %dma_start3A_302 = tpu.memref_slice %arg8[%run_scoped3A_254, %dma_start3A_301] : memref<16x128xi32, #tpu.memory_space<vmem>> -> memref<1x128xi32, #tpu.memory_space<vmem>>
        %dma_start3A_303 = tpu.memref_squeeze %dma_start3A_302 : memref<1x128xi32, #tpu.memory_space<vmem>> -> memref<128xi32, #tpu.memory_space<vmem>>
        %dma_start3A_304 = arith.constant 0 : i32
        %dma_start3A_305 = arith.constant 0 : i32
        %dma_start3A_306 = tpu.memref_slice %arg6[%dma_start3A_304, %dma_start3A_305] : memref<10240x128xf32, #tpu.memory_space<vmem_shared>> -> memref<10240x128xf32, #tpu.memory_space<vmem_shared>>
        tpu.enqueue_indirect_dma source(%arg9 : memref<128x128xf32, #tpu.memory_space<vmem>>) target(%dma_start3A_306 : memref<10240x128xf32, #tpu.memory_space<vmem_shared>>) offsets(%dma_start3A_303 : memref<128xi32, #tpu.memory_space<vmem>>) semaphore(%run_scoped3A_300 : memref<!tpu.dma_semaphore, #tpu.memory_space<semaphore_mem>>) {add = true}
        %dma_wait3A_307 = arith.constant 0 : i32
        %dma_wait3A_308 = tpu.memref_slice %arg8[%run_scoped3A_254, %dma_wait3A_307] : memref<16x128xi32, #tpu.memory_space<vmem>> -> memref<1x128xi32, #tpu.memory_space<vmem>>
        %dma_wait3A_309 = tpu.memref_squeeze %dma_wait3A_308 : memref<1x128xi32, #tpu.memory_space<vmem>> -> memref<128xi32, #tpu.memory_space<vmem>>
        %dma_wait3A_310 = arith.constant 0 : i32
        %dma_wait3A_311 = arith.constant 0 : i32
        %dma_wait3A_312 = tpu.memref_slice %arg6[%dma_wait3A_310, %dma_wait3A_311] : memref<10240x128xf32, #tpu.memory_space<vmem_shared>> -> memref<10240x128xf32, #tpu.memory_space<vmem_shared>>
        tpu.wait_indirect_dma semaphore(%run_scoped3A_300 : memref<!tpu.dma_semaphore, #tpu.memory_space<semaphore_mem>>) src(%arg9 : memref<128x128xf32, #tpu.memory_space<vmem>>) dst(%dma_wait3A_312 : memref<10240x128xf32, #tpu.memory_space<vmem_shared>>)
        tpu.yield
      }) : () -> ()
      %dma_start3A_255 = arith.constant 13 : i32
      %dma_start3A_256 = arith.constant 0 : i32
      %dma_start3A_257 = tpu.memref_slice %arg7[%dma_start3A_255, %dma_start3A_256] : memref<16x128xi32, #tpu.memory_space<vmem>> -> memref<1x128xi32, #tpu.memory_space<vmem>>
      %dma_start3A_258 = tpu.memref_squeeze %dma_start3A_257 : memref<1x128xi32, #tpu.memory_space<vmem>> -> memref<128xi32, #tpu.memory_space<vmem>>
      %dma_start3A_259 = arith.constant 0 : i32
      %dma_start3A_260 = arith.constant 0 : i32
      %dma_start3A_261 = tpu.memref_slice %arg2[%dma_start3A_259, %dma_start3A_260] : memref<10240x128xf32, #tpu.memory_space<hbm>> -> memref<10240x128xf32, #tpu.memory_space<hbm>>
      tpu.enqueue_indirect_dma source(%dma_start3A_261 : memref<10240x128xf32, #tpu.memory_space<hbm>>) target(%arg9 : memref<128x128xf32, #tpu.memory_space<vmem>>) offsets(%dma_start3A_258 : memref<128xi32, #tpu.memory_space<vmem>>) semaphore(%arg10 : memref<!tpu.dma_semaphore, #tpu.memory_space<semaphore_mem>>)
      %dma_wait3A_262 = arith.constant 13 : i32
      %dma_wait3A_263 = arith.constant 0 : i32
      %dma_wait3A_264 = tpu.memref_slice %arg7[%dma_wait3A_262, %dma_wait3A_263] : memref<16x128xi32, #tpu.memory_space<vmem>> -> memref<1x128xi32, #tpu.memory_space<vmem>>
      %dma_wait3A_265 = tpu.memref_squeeze %dma_wait3A_264 : memref<1x128xi32, #tpu.memory_space<vmem>> -> memref<128xi32, #tpu.memory_space<vmem>>
      %dma_wait3A_266 = arith.constant 0 : i32
      %dma_wait3A_267 = arith.constant 0 : i32
      %dma_wait3A_268 = tpu.memref_slice %arg2[%dma_wait3A_266, %dma_wait3A_267] : memref<10240x128xf32, #tpu.memory_space<hbm>> -> memref<10240x128xf32, #tpu.memory_space<hbm>>
      tpu.wait_indirect_dma semaphore(%arg10 : memref<!tpu.dma_semaphore, #tpu.memory_space<semaphore_mem>>) src(%dma_wait3A_268 : memref<10240x128xf32, #tpu.memory_space<hbm>>) dst(%arg9 : memref<128x128xf32, #tpu.memory_space<vmem>>)
      %run_scoped3A_269 = arith.constant 13 : i32
      "tpu.region"() ({
        %run_scoped3A_300 = tpu.sem_alloc : memref<!tpu.dma_semaphore, #tpu.memory_space<semaphore_mem>>
        %dma_start3A_301 = arith.constant 0 : i32
        %dma_start3A_302 = tpu.memref_slice %arg8[%run_scoped3A_269, %dma_start3A_301] : memref<16x128xi32, #tpu.memory_space<vmem>> -> memref<1x128xi32, #tpu.memory_space<vmem>>
        %dma_start3A_303 = tpu.memref_squeeze %dma_start3A_302 : memref<1x128xi32, #tpu.memory_space<vmem>> -> memref<128xi32, #tpu.memory_space<vmem>>
        %dma_start3A_304 = arith.constant 0 : i32
        %dma_start3A_305 = arith.constant 0 : i32
        %dma_start3A_306 = tpu.memref_slice %arg6[%dma_start3A_304, %dma_start3A_305] : memref<10240x128xf32, #tpu.memory_space<vmem_shared>> -> memref<10240x128xf32, #tpu.memory_space<vmem_shared>>
        tpu.enqueue_indirect_dma source(%arg9 : memref<128x128xf32, #tpu.memory_space<vmem>>) target(%dma_start3A_306 : memref<10240x128xf32, #tpu.memory_space<vmem_shared>>) offsets(%dma_start3A_303 : memref<128xi32, #tpu.memory_space<vmem>>) semaphore(%run_scoped3A_300 : memref<!tpu.dma_semaphore, #tpu.memory_space<semaphore_mem>>) {add = true}
        %dma_wait3A_307 = arith.constant 0 : i32
        %dma_wait3A_308 = tpu.memref_slice %arg8[%run_scoped3A_269, %dma_wait3A_307] : memref<16x128xi32, #tpu.memory_space<vmem>> -> memref<1x128xi32, #tpu.memory_space<vmem>>
        %dma_wait3A_309 = tpu.memref_squeeze %dma_wait3A_308 : memref<1x128xi32, #tpu.memory_space<vmem>> -> memref<128xi32, #tpu.memory_space<vmem>>
        %dma_wait3A_310 = arith.constant 0 : i32
        %dma_wait3A_311 = arith.constant 0 : i32
        %dma_wait3A_312 = tpu.memref_slice %arg6[%dma_wait3A_310, %dma_wait3A_311] : memref<10240x128xf32, #tpu.memory_space<vmem_shared>> -> memref<10240x128xf32, #tpu.memory_space<vmem_shared>>
        tpu.wait_indirect_dma semaphore(%run_scoped3A_300 : memref<!tpu.dma_semaphore, #tpu.memory_space<semaphore_mem>>) src(%arg9 : memref<128x128xf32, #tpu.memory_space<vmem>>) dst(%dma_wait3A_312 : memref<10240x128xf32, #tpu.memory_space<vmem_shared>>)
        tpu.yield
      }) : () -> ()
      %dma_start3A_270 = arith.constant 14 : i32
      %dma_start3A_271 = arith.constant 0 : i32
      %dma_start3A_272 = tpu.memref_slice %arg7[%dma_start3A_270, %dma_start3A_271] : memref<16x128xi32, #tpu.memory_space<vmem>> -> memref<1x128xi32, #tpu.memory_space<vmem>>
      %dma_start3A_273 = tpu.memref_squeeze %dma_start3A_272 : memref<1x128xi32, #tpu.memory_space<vmem>> -> memref<128xi32, #tpu.memory_space<vmem>>
      %dma_start3A_274 = arith.constant 0 : i32
      %dma_start3A_275 = arith.constant 0 : i32
      %dma_start3A_276 = tpu.memref_slice %arg2[%dma_start3A_274, %dma_start3A_275] : memref<10240x128xf32, #tpu.memory_space<hbm>> -> memref<10240x128xf32, #tpu.memory_space<hbm>>
      tpu.enqueue_indirect_dma source(%dma_start3A_276 : memref<10240x128xf32, #tpu.memory_space<hbm>>) target(%arg9 : memref<128x128xf32, #tpu.memory_space<vmem>>) offsets(%dma_start3A_273 : memref<128xi32, #tpu.memory_space<vmem>>) semaphore(%arg10 : memref<!tpu.dma_semaphore, #tpu.memory_space<semaphore_mem>>)
      %dma_wait3A_277 = arith.constant 14 : i32
      %dma_wait3A_278 = arith.constant 0 : i32
      %dma_wait3A_279 = tpu.memref_slice %arg7[%dma_wait3A_277, %dma_wait3A_278] : memref<16x128xi32, #tpu.memory_space<vmem>> -> memref<1x128xi32, #tpu.memory_space<vmem>>
      %dma_wait3A_280 = tpu.memref_squeeze %dma_wait3A_279 : memref<1x128xi32, #tpu.memory_space<vmem>> -> memref<128xi32, #tpu.memory_space<vmem>>
      %dma_wait3A_281 = arith.constant 0 : i32
      %dma_wait3A_282 = arith.constant 0 : i32
      %dma_wait3A_283 = tpu.memref_slice %arg2[%dma_wait3A_281, %dma_wait3A_282] : memref<10240x128xf32, #tpu.memory_space<hbm>> -> memref<10240x128xf32, #tpu.memory_space<hbm>>
      tpu.wait_indirect_dma semaphore(%arg10 : memref<!tpu.dma_semaphore, #tpu.memory_space<semaphore_mem>>) src(%dma_wait3A_283 : memref<10240x128xf32, #tpu.memory_space<hbm>>) dst(%arg9 : memref<128x128xf32, #tpu.memory_space<vmem>>)
      %run_scoped3A_284 = arith.constant 14 : i32
      "tpu.region"() ({
        %run_scoped3A_300 = tpu.sem_alloc : memref<!tpu.dma_semaphore, #tpu.memory_space<semaphore_mem>>
        %dma_start3A_301 = arith.constant 0 : i32
        %dma_start3A_302 = tpu.memref_slice %arg8[%run_scoped3A_284, %dma_start3A_301] : memref<16x128xi32, #tpu.memory_space<vmem>> -> memref<1x128xi32, #tpu.memory_space<vmem>>
        %dma_start3A_303 = tpu.memref_squeeze %dma_start3A_302 : memref<1x128xi32, #tpu.memory_space<vmem>> -> memref<128xi32, #tpu.memory_space<vmem>>
        %dma_start3A_304 = arith.constant 0 : i32
        %dma_start3A_305 = arith.constant 0 : i32
        %dma_start3A_306 = tpu.memref_slice %arg6[%dma_start3A_304, %dma_start3A_305] : memref<10240x128xf32, #tpu.memory_space<vmem_shared>> -> memref<10240x128xf32, #tpu.memory_space<vmem_shared>>
        tpu.enqueue_indirect_dma source(%arg9 : memref<128x128xf32, #tpu.memory_space<vmem>>) target(%dma_start3A_306 : memref<10240x128xf32, #tpu.memory_space<vmem_shared>>) offsets(%dma_start3A_303 : memref<128xi32, #tpu.memory_space<vmem>>) semaphore(%run_scoped3A_300 : memref<!tpu.dma_semaphore, #tpu.memory_space<semaphore_mem>>) {add = true}
        %dma_wait3A_307 = arith.constant 0 : i32
        %dma_wait3A_308 = tpu.memref_slice %arg8[%run_scoped3A_284, %dma_wait3A_307] : memref<16x128xi32, #tpu.memory_space<vmem>> -> memref<1x128xi32, #tpu.memory_space<vmem>>
        %dma_wait3A_309 = tpu.memref_squeeze %dma_wait3A_308 : memref<1x128xi32, #tpu.memory_space<vmem>> -> memref<128xi32, #tpu.memory_space<vmem>>
        %dma_wait3A_310 = arith.constant 0 : i32
        %dma_wait3A_311 = arith.constant 0 : i32
        %dma_wait3A_312 = tpu.memref_slice %arg6[%dma_wait3A_310, %dma_wait3A_311] : memref<10240x128xf32, #tpu.memory_space<vmem_shared>> -> memref<10240x128xf32, #tpu.memory_space<vmem_shared>>
        tpu.wait_indirect_dma semaphore(%run_scoped3A_300 : memref<!tpu.dma_semaphore, #tpu.memory_space<semaphore_mem>>) src(%arg9 : memref<128x128xf32, #tpu.memory_space<vmem>>) dst(%dma_wait3A_312 : memref<10240x128xf32, #tpu.memory_space<vmem_shared>>)
        tpu.yield
      }) : () -> ()
      %dma_start3A_285 = arith.constant 15 : i32
      %dma_start3A_286 = arith.constant 0 : i32
      %dma_start3A_287 = tpu.memref_slice %arg7[%dma_start3A_285, %dma_start3A_286] : memref<16x128xi32, #tpu.memory_space<vmem>> -> memref<1x128xi32, #tpu.memory_space<vmem>>
      %dma_start3A_288 = tpu.memref_squeeze %dma_start3A_287 : memref<1x128xi32, #tpu.memory_space<vmem>> -> memref<128xi32, #tpu.memory_space<vmem>>
      %dma_start3A_289 = arith.constant 0 : i32
      %dma_start3A_290 = arith.constant 0 : i32
      %dma_start3A_291 = tpu.memref_slice %arg2[%dma_start3A_289, %dma_start3A_290] : memref<10240x128xf32, #tpu.memory_space<hbm>> -> memref<10240x128xf32, #tpu.memory_space<hbm>>
      tpu.enqueue_indirect_dma source(%dma_start3A_291 : memref<10240x128xf32, #tpu.memory_space<hbm>>) target(%arg9 : memref<128x128xf32, #tpu.memory_space<vmem>>) offsets(%dma_start3A_288 : memref<128xi32, #tpu.memory_space<vmem>>) semaphore(%arg10 : memref<!tpu.dma_semaphore, #tpu.memory_space<semaphore_mem>>)
      %dma_wait3A_292 = arith.constant 15 : i32
      %dma_wait3A_293 = arith.constant 0 : i32
      %dma_wait3A_294 = tpu.memref_slice %arg7[%dma_wait3A_292, %dma_wait3A_293] : memref<16x128xi32, #tpu.memory_space<vmem>> -> memref<1x128xi32, #tpu.memory_space<vmem>>
      %dma_wait3A_295 = tpu.memref_squeeze %dma_wait3A_294 : memref<1x128xi32, #tpu.memory_space<vmem>> -> memref<128xi32, #tpu.memory_space<vmem>>
      %dma_wait3A_296 = arith.constant 0 : i32
      %dma_wait3A_297 = arith.constant 0 : i32
      %dma_wait3A_298 = tpu.memref_slice %arg2[%dma_wait3A_296, %dma_wait3A_297] : memref<10240x128xf32, #tpu.memory_space<hbm>> -> memref<10240x128xf32, #tpu.memory_space<hbm>>
      tpu.wait_indirect_dma semaphore(%arg10 : memref<!tpu.dma_semaphore, #tpu.memory_space<semaphore_mem>>) src(%dma_wait3A_298 : memref<10240x128xf32, #tpu.memory_space<hbm>>) dst(%arg9 : memref<128x128xf32, #tpu.memory_space<vmem>>)
      %run_scoped3A_299 = arith.constant 15 : i32
      "tpu.region"() ({
        %run_scoped3A_300 = tpu.sem_alloc : memref<!tpu.dma_semaphore, #tpu.memory_space<semaphore_mem>>
        %dma_start3A_301 = arith.constant 0 : i32
        %dma_start3A_302 = tpu.memref_slice %arg8[%run_scoped3A_299, %dma_start3A_301] : memref<16x128xi32, #tpu.memory_space<vmem>> -> memref<1x128xi32, #tpu.memory_space<vmem>>
        %dma_start3A_303 = tpu.memref_squeeze %dma_start3A_302 : memref<1x128xi32, #tpu.memory_space<vmem>> -> memref<128xi32, #tpu.memory_space<vmem>>
        %dma_start3A_304 = arith.constant 0 : i32
        %dma_start3A_305 = arith.constant 0 : i32
        %dma_start3A_306 = tpu.memref_slice %arg6[%dma_start3A_304, %dma_start3A_305] : memref<10240x128xf32, #tpu.memory_space<vmem_shared>> -> memref<10240x128xf32, #tpu.memory_space<vmem_shared>>
        tpu.enqueue_indirect_dma source(%arg9 : memref<128x128xf32, #tpu.memory_space<vmem>>) target(%dma_start3A_306 : memref<10240x128xf32, #tpu.memory_space<vmem_shared>>) offsets(%dma_start3A_303 : memref<128xi32, #tpu.memory_space<vmem>>) semaphore(%run_scoped3A_300 : memref<!tpu.dma_semaphore, #tpu.memory_space<semaphore_mem>>) {add = true}
        %dma_wait3A_307 = arith.constant 0 : i32
        %dma_wait3A_308 = tpu.memref_slice %arg8[%run_scoped3A_299, %dma_wait3A_307] : memref<16x128xi32, #tpu.memory_space<vmem>> -> memref<1x128xi32, #tpu.memory_space<vmem>>
        %dma_wait3A_309 = tpu.memref_squeeze %dma_wait3A_308 : memref<1x128xi32, #tpu.memory_space<vmem>> -> memref<128xi32, #tpu.memory_space<vmem>>
        %dma_wait3A_310 = arith.constant 0 : i32
        %dma_wait3A_311 = arith.constant 0 : i32
        %dma_wait3A_312 = tpu.memref_slice %arg6[%dma_wait3A_310, %dma_wait3A_311] : memref<10240x128xf32, #tpu.memory_space<vmem_shared>> -> memref<10240x128xf32, #tpu.memory_space<vmem_shared>>
        tpu.wait_indirect_dma semaphore(%run_scoped3A_300 : memref<!tpu.dma_semaphore, #tpu.memory_space<semaphore_mem>>) src(%arg9 : memref<128x128xf32, #tpu.memory_space<vmem>>) dst(%dma_wait3A_312 : memref<10240x128xf32, #tpu.memory_space<vmem_shared>>)
        tpu.yield
      }) : () -> ()
    }
    %while3A_53 = arith.constant 1 : i32
    scf.for %while3A_57 = %while3A_51 to %while3A_47 step %while3A_53  : i32 {
      %mul3A_58 = arith.muli %while3A_57, %while3A : i32
      %add3A_59 = arith.addi %while3A_44, %mul3A_58 : i32
      %mul3A_60 = arith.constant 16 : i32
      %mul3A_61 = arith.muli %add3A_59, %mul3A_60 : i32
      %add3A_62 = arith.addi %select_n3A_8, %mul3A_61 : i32
      "tpu.region"() ({
        %run_scoped3A_300 = tpu.sem_alloc : memref<!tpu.dma_semaphore, #tpu.memory_space<semaphore_mem>>
        %dma_start3A_301 = arith.constant 0 : i32
        %dma_start3A_302 = tpu.memref_slice %arg3[%add3A_62, %dma_start3A_301] : memref<2560x128xi32, #tpu.memory_space<hbm>> -> memref<16x128xi32, #tpu.memory_space<hbm>>
        %dma_start3A_303 = arith.constant 0 : i32
        %dma_start3A_304 = tpu.memref_slice %arg3[%add3A_62, %dma_start3A_303] : memref<2560x128xi32, #tpu.memory_space<hbm>> -> memref<16x128xi32, #tpu.memory_space<hbm>>
        tpu.enqueue_dma source(%dma_start3A_304 : memref<16x128xi32, #tpu.memory_space<hbm>>) target(%arg7 : memref<16x128xi32, #tpu.memory_space<vmem>>) target_semaphore(%run_scoped3A_300 : memref<!tpu.dma_semaphore, #tpu.memory_space<semaphore_mem>>)
        %dma_wait3A_305 = arith.constant 0 : i32
        %dma_wait3A_306 = tpu.memref_slice %arg3[%add3A_62, %dma_wait3A_305] : memref<2560x128xi32, #tpu.memory_space<hbm>> -> memref<16x128xi32, #tpu.memory_space<hbm>>
        %dma_wait3A_307 = arith.constant 0 : i32
        %dma_wait3A_308 = tpu.memref_slice %arg3[%add3A_62, %dma_wait3A_307] : memref<2560x128xi32, #tpu.memory_space<hbm>> -> memref<16x128xi32, #tpu.memory_space<hbm>>
        tpu.wait_dma2 semaphore(%run_scoped3A_300 : memref<!tpu.dma_semaphore, #tpu.memory_space<semaphore_mem>>) src(%dma_wait3A_308 : memref<16x128xi32, #tpu.memory_space<hbm>>) dst(%arg7 : memref<16x128xi32, #tpu.memory_space<vmem>>)
        tpu.yield
      }) : () -> ()
      "tpu.region"() ({
        %run_scoped3A_300 = tpu.sem_alloc : memref<!tpu.dma_semaphore, #tpu.memory_space<semaphore_mem>>
        %dma_start3A_301 = arith.constant 0 : i32
        %dma_start3A_302 = tpu.memref_slice %arg4[%add3A_62, %dma_start3A_301] : memref<2560x128xi32, #tpu.memory_space<hbm>> -> memref<16x128xi32, #tpu.memory_space<hbm>>
        %dma_start3A_303 = arith.constant 0 : i32
        %dma_start3A_304 = tpu.memref_slice %arg4[%add3A_62, %dma_start3A_303] : memref<2560x128xi32, #tpu.memory_space<hbm>> -> memref<16x128xi32, #tpu.memory_space<hbm>>
        tpu.enqueue_dma source(%dma_start3A_304 : memref<16x128xi32, #tpu.memory_space<hbm>>) target(%arg8 : memref<16x128xi32, #tpu.memory_space<vmem>>) target_semaphore(%run_scoped3A_300 : memref<!tpu.dma_semaphore, #tpu.memory_space<semaphore_mem>>)
        %dma_wait3A_305 = arith.constant 0 : i32
        %dma_wait3A_306 = tpu.memref_slice %arg4[%add3A_62, %dma_wait3A_305] : memref<2560x128xi32, #tpu.memory_space<hbm>> -> memref<16x128xi32, #tpu.memory_space<hbm>>
        %dma_wait3A_307 = arith.constant 0 : i32
        %dma_wait3A_308 = tpu.memref_slice %arg4[%add3A_62, %dma_wait3A_307] : memref<2560x128xi32, #tpu.memory_space<hbm>> -> memref<16x128xi32, #tpu.memory_space<hbm>>
        tpu.wait_dma2 semaphore(%run_scoped3A_300 : memref<!tpu.dma_semaphore, #tpu.memory_space<semaphore_mem>>) src(%dma_wait3A_308 : memref<16x128xi32, #tpu.memory_space<hbm>>) dst(%arg8 : memref<16x128xi32, #tpu.memory_space<vmem>>)
        tpu.yield
      }) : () -> ()
      %dma_start3A = arith.constant 0 : i32
      %dma_start3A_63 = arith.constant 0 : i32
      %dma_start3A_64 = tpu.memref_slice %arg7[%dma_start3A, %dma_start3A_63] : memref<16x128xi32, #tpu.memory_space<vmem>> -> memref<1x128xi32, #tpu.memory_space<vmem>>
      %dma_start3A_65 = tpu.memref_squeeze %dma_start3A_64 : memref<1x128xi32, #tpu.memory_space<vmem>> -> memref<128xi32, #tpu.memory_space<vmem>>
      %dma_start3A_66 = arith.constant 0 : i32
      %dma_start3A_67 = arith.constant 0 : i32
      %dma_start3A_68 = tpu.memref_slice %arg2[%dma_start3A_66, %dma_start3A_67] : memref<10240x128xf32, #tpu.memory_space<hbm>> -> memref<10240x128xf32, #tpu.memory_space<hbm>>
      tpu.enqueue_indirect_dma source(%dma_start3A_68 : memref<10240x128xf32, #tpu.memory_space<hbm>>) target(%arg9 : memref<128x128xf32, #tpu.memory_space<vmem>>) offsets(%dma_start3A_65 : memref<128xi32, #tpu.memory_space<vmem>>) semaphore(%arg10 : memref<!tpu.dma_semaphore, #tpu.memory_space<semaphore_mem>>)
      %dma_wait3A = arith.constant 0 : i32
      %dma_wait3A_69 = arith.constant 0 : i32
      %dma_wait3A_70 = tpu.memref_slice %arg7[%dma_wait3A, %dma_wait3A_69] : memref<16x128xi32, #tpu.memory_space<vmem>> -> memref<1x128xi32, #tpu.memory_space<vmem>>
      %dma_wait3A_71 = tpu.memref_squeeze %dma_wait3A_70 : memref<1x128xi32, #tpu.memory_space<vmem>> -> memref<128xi32, #tpu.memory_space<vmem>>
      %dma_wait3A_72 = arith.constant 0 : i32
      %dma_wait3A_73 = arith.constant 0 : i32
      %dma_wait3A_74 = tpu.memref_slice %arg2[%dma_wait3A_72, %dma_wait3A_73] : memref<10240x128xf32, #tpu.memory_space<hbm>> -> memref<10240x128xf32, #tpu.memory_space<hbm>>
      tpu.wait_indirect_dma semaphore(%arg10 : memref<!tpu.dma_semaphore, #tpu.memory_space<semaphore_mem>>) src(%dma_wait3A_74 : memref<10240x128xf32, #tpu.memory_space<hbm>>) dst(%arg9 : memref<128x128xf32, #tpu.memory_space<vmem>>)
      %run_scoped3A = arith.constant 0 : i32
      "tpu.region"() ({
        %run_scoped3A_300 = tpu.sem_alloc : memref<!tpu.dma_semaphore, #tpu.memory_space<semaphore_mem>>
        %dma_start3A_301 = arith.constant 0 : i32
        %dma_start3A_302 = tpu.memref_slice %arg8[%run_scoped3A, %dma_start3A_301] : memref<16x128xi32, #tpu.memory_space<vmem>> -> memref<1x128xi32, #tpu.memory_space<vmem>>
        %dma_start3A_303 = tpu.memref_squeeze %dma_start3A_302 : memref<1x128xi32, #tpu.memory_space<vmem>> -> memref<128xi32, #tpu.memory_space<vmem>>
        %dma_start3A_304 = arith.constant 0 : i32
        %dma_start3A_305 = arith.constant 0 : i32
        %dma_start3A_306 = tpu.memref_slice %arg6[%dma_start3A_304, %dma_start3A_305] : memref<10240x128xf32, #tpu.memory_space<vmem_shared>> -> memref<10240x128xf32, #tpu.memory_space<vmem_shared>>
        tpu.enqueue_indirect_dma source(%arg9 : memref<128x128xf32, #tpu.memory_space<vmem>>) target(%dma_start3A_306 : memref<10240x128xf32, #tpu.memory_space<vmem_shared>>) offsets(%dma_start3A_303 : memref<128xi32, #tpu.memory_space<vmem>>) semaphore(%run_scoped3A_300 : memref<!tpu.dma_semaphore, #tpu.memory_space<semaphore_mem>>) {add = true}
        %dma_wait3A_307 = arith.constant 0 : i32
        %dma_wait3A_308 = tpu.memref_slice %arg8[%run_scoped3A, %dma_wait3A_307] : memref<16x128xi32, #tpu.memory_space<vmem>> -> memref<1x128xi32, #tpu.memory_space<vmem>>
        %dma_wait3A_309 = tpu.memref_squeeze %dma_wait3A_308 : memref<1x128xi32, #tpu.memory_space<vmem>> -> memref<128xi32, #tpu.memory_space<vmem>>
        %dma_wait3A_310 = arith.constant 0 : i32
        %dma_wait3A_311 = arith.constant 0 : i32
        %dma_wait3A_312 = tpu.memref_slice %arg6[%dma_wait3A_310, %dma_wait3A_311] : memref<10240x128xf32, #tpu.memory_space<vmem_shared>> -> memref<10240x128xf32, #tpu.memory_space<vmem_shared>>
        tpu.wait_indirect_dma semaphore(%run_scoped3A_300 : memref<!tpu.dma_semaphore, #tpu.memory_space<semaphore_mem>>) src(%arg9 : memref<128x128xf32, #tpu.memory_space<vmem>>) dst(%dma_wait3A_312 : memref<10240x128xf32, #tpu.memory_space<vmem_shared>>)
        tpu.yield
      }) : () -> ()
      %dma_start3A_75 = arith.constant 1 : i32
      %dma_start3A_76 = arith.constant 0 : i32
      %dma_start3A_77 = tpu.memref_slice %arg7[%dma_start3A_75, %dma_start3A_76] : memref<16x128xi32, #tpu.memory_space<vmem>> -> memref<1x128xi32, #tpu.memory_space<vmem>>
      %dma_start3A_78 = tpu.memref_squeeze %dma_start3A_77 : memref<1x128xi32, #tpu.memory_space<vmem>> -> memref<128xi32, #tpu.memory_space<vmem>>
      %dma_start3A_79 = arith.constant 0 : i32
      %dma_start3A_80 = arith.constant 0 : i32
      %dma_start3A_81 = tpu.memref_slice %arg2[%dma_start3A_79, %dma_start3A_80] : memref<10240x128xf32, #tpu.memory_space<hbm>> -> memref<10240x128xf32, #tpu.memory_space<hbm>>
      tpu.enqueue_indirect_dma source(%dma_start3A_81 : memref<10240x128xf32, #tpu.memory_space<hbm>>) target(%arg9 : memref<128x128xf32, #tpu.memory_space<vmem>>) offsets(%dma_start3A_78 : memref<128xi32, #tpu.memory_space<vmem>>) semaphore(%arg10 : memref<!tpu.dma_semaphore, #tpu.memory_space<semaphore_mem>>)
      %dma_wait3A_82 = arith.constant 1 : i32
      %dma_wait3A_83 = arith.constant 0 : i32
      %dma_wait3A_84 = tpu.memref_slice %arg7[%dma_wait3A_82, %dma_wait3A_83] : memref<16x128xi32, #tpu.memory_space<vmem>> -> memref<1x128xi32, #tpu.memory_space<vmem>>
      %dma_wait3A_85 = tpu.memref_squeeze %dma_wait3A_84 : memref<1x128xi32, #tpu.memory_space<vmem>> -> memref<128xi32, #tpu.memory_space<vmem>>
      %dma_wait3A_86 = arith.constant 0 : i32
      %dma_wait3A_87 = arith.constant 0 : i32
      %dma_wait3A_88 = tpu.memref_slice %arg2[%dma_wait3A_86, %dma_wait3A_87] : memref<10240x128xf32, #tpu.memory_space<hbm>> -> memref<10240x128xf32, #tpu.memory_space<hbm>>
      tpu.wait_indirect_dma semaphore(%arg10 : memref<!tpu.dma_semaphore, #tpu.memory_space<semaphore_mem>>) src(%dma_wait3A_88 : memref<10240x128xf32, #tpu.memory_space<hbm>>) dst(%arg9 : memref<128x128xf32, #tpu.memory_space<vmem>>)
      %run_scoped3A_89 = arith.constant 1 : i32
      "tpu.region"() ({
        %run_scoped3A_300 = tpu.sem_alloc : memref<!tpu.dma_semaphore, #tpu.memory_space<semaphore_mem>>
        %dma_start3A_301 = arith.constant 0 : i32
        %dma_start3A_302 = tpu.memref_slice %arg8[%run_scoped3A_89, %dma_start3A_301] : memref<16x128xi32, #tpu.memory_space<vmem>> -> memref<1x128xi32, #tpu.memory_space<vmem>>
        %dma_start3A_303 = tpu.memref_squeeze %dma_start3A_302 : memref<1x128xi32, #tpu.memory_space<vmem>> -> memref<128xi32, #tpu.memory_space<vmem>>
        %dma_start3A_304 = arith.constant 0 : i32
        %dma_start3A_305 = arith.constant 0 : i32
        %dma_start3A_306 = tpu.memref_slice %arg6[%dma_start3A_304, %dma_start3A_305] : memref<10240x128xf32, #tpu.memory_space<vmem_shared>> -> memref<10240x128xf32, #tpu.memory_space<vmem_shared>>
        tpu.enqueue_indirect_dma source(%arg9 : memref<128x128xf32, #tpu.memory_space<vmem>>) target(%dma_start3A_306 : memref<10240x128xf32, #tpu.memory_space<vmem_shared>>) offsets(%dma_start3A_303 : memref<128xi32, #tpu.memory_space<vmem>>) semaphore(%run_scoped3A_300 : memref<!tpu.dma_semaphore, #tpu.memory_space<semaphore_mem>>) {add = true}
        %dma_wait3A_307 = arith.constant 0 : i32
        %dma_wait3A_308 = tpu.memref_slice %arg8[%run_scoped3A_89, %dma_wait3A_307] : memref<16x128xi32, #tpu.memory_space<vmem>> -> memref<1x128xi32, #tpu.memory_space<vmem>>
        %dma_wait3A_309 = tpu.memref_squeeze %dma_wait3A_308 : memref<1x128xi32, #tpu.memory_space<vmem>> -> memref<128xi32, #tpu.memory_space<vmem>>
        %dma_wait3A_310 = arith.constant 0 : i32
        %dma_wait3A_311 = arith.constant 0 : i32
        %dma_wait3A_312 = tpu.memref_slice %arg6[%dma_wait3A_310, %dma_wait3A_311] : memref<10240x128xf32, #tpu.memory_space<vmem_shared>> -> memref<10240x128xf32, #tpu.memory_space<vmem_shared>>
        tpu.wait_indirect_dma semaphore(%run_scoped3A_300 : memref<!tpu.dma_semaphore, #tpu.memory_space<semaphore_mem>>) src(%arg9 : memref<128x128xf32, #tpu.memory_space<vmem>>) dst(%dma_wait3A_312 : memref<10240x128xf32, #tpu.memory_space<vmem_shared>>)
        tpu.yield
      }) : () -> ()
      %dma_start3A_90 = arith.constant 2 : i32
      %dma_start3A_91 = arith.constant 0 : i32
      %dma_start3A_92 = tpu.memref_slice %arg7[%dma_start3A_90, %dma_start3A_91] : memref<16x128xi32, #tpu.memory_space<vmem>> -> memref<1x128xi32, #tpu.memory_space<vmem>>
      %dma_start3A_93 = tpu.memref_squeeze %dma_start3A_92 : memref<1x128xi32, #tpu.memory_space<vmem>> -> memref<128xi32, #tpu.memory_space<vmem>>
      %dma_start3A_94 = arith.constant 0 : i32
      %dma_start3A_95 = arith.constant 0 : i32
      %dma_start3A_96 = tpu.memref_slice %arg2[%dma_start3A_94, %dma_start3A_95] : memref<10240x128xf32, #tpu.memory_space<hbm>> -> memref<10240x128xf32, #tpu.memory_space<hbm>>
      tpu.enqueue_indirect_dma source(%dma_start3A_96 : memref<10240x128xf32, #tpu.memory_space<hbm>>) target(%arg9 : memref<128x128xf32, #tpu.memory_space<vmem>>) offsets(%dma_start3A_93 : memref<128xi32, #tpu.memory_space<vmem>>) semaphore(%arg10 : memref<!tpu.dma_semaphore, #tpu.memory_space<semaphore_mem>>)
      %dma_wait3A_97 = arith.constant 2 : i32
      %dma_wait3A_98 = arith.constant 0 : i32
      %dma_wait3A_99 = tpu.memref_slice %arg7[%dma_wait3A_97, %dma_wait3A_98] : memref<16x128xi32, #tpu.memory_space<vmem>> -> memref<1x128xi32, #tpu.memory_space<vmem>>
      %dma_wait3A_100 = tpu.memref_squeeze %dma_wait3A_99 : memref<1x128xi32, #tpu.memory_space<vmem>> -> memref<128xi32, #tpu.memory_space<vmem>>
      %dma_wait3A_101 = arith.constant 0 : i32
      %dma_wait3A_102 = arith.constant 0 : i32
      %dma_wait3A_103 = tpu.memref_slice %arg2[%dma_wait3A_101, %dma_wait3A_102] : memref<10240x128xf32, #tpu.memory_space<hbm>> -> memref<10240x128xf32, #tpu.memory_space<hbm>>
      tpu.wait_indirect_dma semaphore(%arg10 : memref<!tpu.dma_semaphore, #tpu.memory_space<semaphore_mem>>) src(%dma_wait3A_103 : memref<10240x128xf32, #tpu.memory_space<hbm>>) dst(%arg9 : memref<128x128xf32, #tpu.memory_space<vmem>>)
      %run_scoped3A_104 = arith.constant 2 : i32
      "tpu.region"() ({
        %run_scoped3A_300 = tpu.sem_alloc : memref<!tpu.dma_semaphore, #tpu.memory_space<semaphore_mem>>
        %dma_start3A_301 = arith.constant 0 : i32
        %dma_start3A_302 = tpu.memref_slice %arg8[%run_scoped3A_104, %dma_start3A_301] : memref<16x128xi32, #tpu.memory_space<vmem>> -> memref<1x128xi32, #tpu.memory_space<vmem>>
        %dma_start3A_303 = tpu.memref_squeeze %dma_start3A_302 : memref<1x128xi32, #tpu.memory_space<vmem>> -> memref<128xi32, #tpu.memory_space<vmem>>
        %dma_start3A_304 = arith.constant 0 : i32
        %dma_start3A_305 = arith.constant 0 : i32
        %dma_start3A_306 = tpu.memref_slice %arg6[%dma_start3A_304, %dma_start3A_305] : memref<10240x128xf32, #tpu.memory_space<vmem_shared>> -> memref<10240x128xf32, #tpu.memory_space<vmem_shared>>
        tpu.enqueue_indirect_dma source(%arg9 : memref<128x128xf32, #tpu.memory_space<vmem>>) target(%dma_start3A_306 : memref<10240x128xf32, #tpu.memory_space<vmem_shared>>) offsets(%dma_start3A_303 : memref<128xi32, #tpu.memory_space<vmem>>) semaphore(%run_scoped3A_300 : memref<!tpu.dma_semaphore, #tpu.memory_space<semaphore_mem>>) {add = true}
        %dma_wait3A_307 = arith.constant 0 : i32
        %dma_wait3A_308 = tpu.memref_slice %arg8[%run_scoped3A_104, %dma_wait3A_307] : memref<16x128xi32, #tpu.memory_space<vmem>> -> memref<1x128xi32, #tpu.memory_space<vmem>>
        %dma_wait3A_309 = tpu.memref_squeeze %dma_wait3A_308 : memref<1x128xi32, #tpu.memory_space<vmem>> -> memref<128xi32, #tpu.memory_space<vmem>>
        %dma_wait3A_310 = arith.constant 0 : i32
        %dma_wait3A_311 = arith.constant 0 : i32
        %dma_wait3A_312 = tpu.memref_slice %arg6[%dma_wait3A_310, %dma_wait3A_311] : memref<10240x128xf32, #tpu.memory_space<vmem_shared>> -> memref<10240x128xf32, #tpu.memory_space<vmem_shared>>
        tpu.wait_indirect_dma semaphore(%run_scoped3A_300 : memref<!tpu.dma_semaphore, #tpu.memory_space<semaphore_mem>>) src(%arg9 : memref<128x128xf32, #tpu.memory_space<vmem>>) dst(%dma_wait3A_312 : memref<10240x128xf32, #tpu.memory_space<vmem_shared>>)
        tpu.yield
      }) : () -> ()
      %dma_start3A_105 = arith.constant 3 : i32
      %dma_start3A_106 = arith.constant 0 : i32
      %dma_start3A_107 = tpu.memref_slice %arg7[%dma_start3A_105, %dma_start3A_106] : memref<16x128xi32, #tpu.memory_space<vmem>> -> memref<1x128xi32, #tpu.memory_space<vmem>>
      %dma_start3A_108 = tpu.memref_squeeze %dma_start3A_107 : memref<1x128xi32, #tpu.memory_space<vmem>> -> memref<128xi32, #tpu.memory_space<vmem>>
      %dma_start3A_109 = arith.constant 0 : i32
      %dma_start3A_110 = arith.constant 0 : i32
      %dma_start3A_111 = tpu.memref_slice %arg2[%dma_start3A_109, %dma_start3A_110] : memref<10240x128xf32, #tpu.memory_space<hbm>> -> memref<10240x128xf32, #tpu.memory_space<hbm>>
      tpu.enqueue_indirect_dma source(%dma_start3A_111 : memref<10240x128xf32, #tpu.memory_space<hbm>>) target(%arg9 : memref<128x128xf32, #tpu.memory_space<vmem>>) offsets(%dma_start3A_108 : memref<128xi32, #tpu.memory_space<vmem>>) semaphore(%arg10 : memref<!tpu.dma_semaphore, #tpu.memory_space<semaphore_mem>>)
      %dma_wait3A_112 = arith.constant 3 : i32
      %dma_wait3A_113 = arith.constant 0 : i32
      %dma_wait3A_114 = tpu.memref_slice %arg7[%dma_wait3A_112, %dma_wait3A_113] : memref<16x128xi32, #tpu.memory_space<vmem>> -> memref<1x128xi32, #tpu.memory_space<vmem>>
      %dma_wait3A_115 = tpu.memref_squeeze %dma_wait3A_114 : memref<1x128xi32, #tpu.memory_space<vmem>> -> memref<128xi32, #tpu.memory_space<vmem>>
      %dma_wait3A_116 = arith.constant 0 : i32
      %dma_wait3A_117 = arith.constant 0 : i32
      %dma_wait3A_118 = tpu.memref_slice %arg2[%dma_wait3A_116, %dma_wait3A_117] : memref<10240x128xf32, #tpu.memory_space<hbm>> -> memref<10240x128xf32, #tpu.memory_space<hbm>>
      tpu.wait_indirect_dma semaphore(%arg10 : memref<!tpu.dma_semaphore, #tpu.memory_space<semaphore_mem>>) src(%dma_wait3A_118 : memref<10240x128xf32, #tpu.memory_space<hbm>>) dst(%arg9 : memref<128x128xf32, #tpu.memory_space<vmem>>)
      %run_scoped3A_119 = arith.constant 3 : i32
      "tpu.region"() ({
        %run_scoped3A_300 = tpu.sem_alloc : memref<!tpu.dma_semaphore, #tpu.memory_space<semaphore_mem>>
        %dma_start3A_301 = arith.constant 0 : i32
        %dma_start3A_302 = tpu.memref_slice %arg8[%run_scoped3A_119, %dma_start3A_301] : memref<16x128xi32, #tpu.memory_space<vmem>> -> memref<1x128xi32, #tpu.memory_space<vmem>>
        %dma_start3A_303 = tpu.memref_squeeze %dma_start3A_302 : memref<1x128xi32, #tpu.memory_space<vmem>> -> memref<128xi32, #tpu.memory_space<vmem>>
        %dma_start3A_304 = arith.constant 0 : i32
        %dma_start3A_305 = arith.constant 0 : i32
        %dma_start3A_306 = tpu.memref_slice %arg6[%dma_start3A_304, %dma_start3A_305] : memref<10240x128xf32, #tpu.memory_space<vmem_shared>> -> memref<10240x128xf32, #tpu.memory_space<vmem_shared>>
        tpu.enqueue_indirect_dma source(%arg9 : memref<128x128xf32, #tpu.memory_space<vmem>>) target(%dma_start3A_306 : memref<10240x128xf32, #tpu.memory_space<vmem_shared>>) offsets(%dma_start3A_303 : memref<128xi32, #tpu.memory_space<vmem>>) semaphore(%run_scoped3A_300 : memref<!tpu.dma_semaphore, #tpu.memory_space<semaphore_mem>>) {add = true}
        %dma_wait3A_307 = arith.constant 0 : i32
        %dma_wait3A_308 = tpu.memref_slice %arg8[%run_scoped3A_119, %dma_wait3A_307] : memref<16x128xi32, #tpu.memory_space<vmem>> -> memref<1x128xi32, #tpu.memory_space<vmem>>
        %dma_wait3A_309 = tpu.memref_squeeze %dma_wait3A_308 : memref<1x128xi32, #tpu.memory_space<vmem>> -> memref<128xi32, #tpu.memory_space<vmem>>
        %dma_wait3A_310 = arith.constant 0 : i32
        %dma_wait3A_311 = arith.constant 0 : i32
        %dma_wait3A_312 = tpu.memref_slice %arg6[%dma_wait3A_310, %dma_wait3A_311] : memref<10240x128xf32, #tpu.memory_space<vmem_shared>> -> memref<10240x128xf32, #tpu.memory_space<vmem_shared>>
        tpu.wait_indirect_dma semaphore(%run_scoped3A_300 : memref<!tpu.dma_semaphore, #tpu.memory_space<semaphore_mem>>) src(%arg9 : memref<128x128xf32, #tpu.memory_space<vmem>>) dst(%dma_wait3A_312 : memref<10240x128xf32, #tpu.memory_space<vmem_shared>>)
        tpu.yield
      }) : () -> ()
      %dma_start3A_120 = arith.constant 4 : i32
      %dma_start3A_121 = arith.constant 0 : i32
      %dma_start3A_122 = tpu.memref_slice %arg7[%dma_start3A_120, %dma_start3A_121] : memref<16x128xi32, #tpu.memory_space<vmem>> -> memref<1x128xi32, #tpu.memory_space<vmem>>
      %dma_start3A_123 = tpu.memref_squeeze %dma_start3A_122 : memref<1x128xi32, #tpu.memory_space<vmem>> -> memref<128xi32, #tpu.memory_space<vmem>>
      %dma_start3A_124 = arith.constant 0 : i32
      %dma_start3A_125 = arith.constant 0 : i32
      %dma_start3A_126 = tpu.memref_slice %arg2[%dma_start3A_124, %dma_start3A_125] : memref<10240x128xf32, #tpu.memory_space<hbm>> -> memref<10240x128xf32, #tpu.memory_space<hbm>>
      tpu.enqueue_indirect_dma source(%dma_start3A_126 : memref<10240x128xf32, #tpu.memory_space<hbm>>) target(%arg9 : memref<128x128xf32, #tpu.memory_space<vmem>>) offsets(%dma_start3A_123 : memref<128xi32, #tpu.memory_space<vmem>>) semaphore(%arg10 : memref<!tpu.dma_semaphore, #tpu.memory_space<semaphore_mem>>)
      %dma_wait3A_127 = arith.constant 4 : i32
      %dma_wait3A_128 = arith.constant 0 : i32
      %dma_wait3A_129 = tpu.memref_slice %arg7[%dma_wait3A_127, %dma_wait3A_128] : memref<16x128xi32, #tpu.memory_space<vmem>> -> memref<1x128xi32, #tpu.memory_space<vmem>>
      %dma_wait3A_130 = tpu.memref_squeeze %dma_wait3A_129 : memref<1x128xi32, #tpu.memory_space<vmem>> -> memref<128xi32, #tpu.memory_space<vmem>>
      %dma_wait3A_131 = arith.constant 0 : i32
      %dma_wait3A_132 = arith.constant 0 : i32
      %dma_wait3A_133 = tpu.memref_slice %arg2[%dma_wait3A_131, %dma_wait3A_132] : memref<10240x128xf32, #tpu.memory_space<hbm>> -> memref<10240x128xf32, #tpu.memory_space<hbm>>
      tpu.wait_indirect_dma semaphore(%arg10 : memref<!tpu.dma_semaphore, #tpu.memory_space<semaphore_mem>>) src(%dma_wait3A_133 : memref<10240x128xf32, #tpu.memory_space<hbm>>) dst(%arg9 : memref<128x128xf32, #tpu.memory_space<vmem>>)
      %run_scoped3A_134 = arith.constant 4 : i32
      "tpu.region"() ({
        %run_scoped3A_300 = tpu.sem_alloc : memref<!tpu.dma_semaphore, #tpu.memory_space<semaphore_mem>>
        %dma_start3A_301 = arith.constant 0 : i32
        %dma_start3A_302 = tpu.memref_slice %arg8[%run_scoped3A_134, %dma_start3A_301] : memref<16x128xi32, #tpu.memory_space<vmem>> -> memref<1x128xi32, #tpu.memory_space<vmem>>
        %dma_start3A_303 = tpu.memref_squeeze %dma_start3A_302 : memref<1x128xi32, #tpu.memory_space<vmem>> -> memref<128xi32, #tpu.memory_space<vmem>>
        %dma_start3A_304 = arith.constant 0 : i32
        %dma_start3A_305 = arith.constant 0 : i32
        %dma_start3A_306 = tpu.memref_slice %arg6[%dma_start3A_304, %dma_start3A_305] : memref<10240x128xf32, #tpu.memory_space<vmem_shared>> -> memref<10240x128xf32, #tpu.memory_space<vmem_shared>>
        tpu.enqueue_indirect_dma source(%arg9 : memref<128x128xf32, #tpu.memory_space<vmem>>) target(%dma_start3A_306 : memref<10240x128xf32, #tpu.memory_space<vmem_shared>>) offsets(%dma_start3A_303 : memref<128xi32, #tpu.memory_space<vmem>>) semaphore(%run_scoped3A_300 : memref<!tpu.dma_semaphore, #tpu.memory_space<semaphore_mem>>) {add = true}
        %dma_wait3A_307 = arith.constant 0 : i32
        %dma_wait3A_308 = tpu.memref_slice %arg8[%run_scoped3A_134, %dma_wait3A_307] : memref<16x128xi32, #tpu.memory_space<vmem>> -> memref<1x128xi32, #tpu.memory_space<vmem>>
        %dma_wait3A_309 = tpu.memref_squeeze %dma_wait3A_308 : memref<1x128xi32, #tpu.memory_space<vmem>> -> memref<128xi32, #tpu.memory_space<vmem>>
        %dma_wait3A_310 = arith.constant 0 : i32
        %dma_wait3A_311 = arith.constant 0 : i32
        %dma_wait3A_312 = tpu.memref_slice %arg6[%dma_wait3A_310, %dma_wait3A_311] : memref<10240x128xf32, #tpu.memory_space<vmem_shared>> -> memref<10240x128xf32, #tpu.memory_space<vmem_shared>>
        tpu.wait_indirect_dma semaphore(%run_scoped3A_300 : memref<!tpu.dma_semaphore, #tpu.memory_space<semaphore_mem>>) src(%arg9 : memref<128x128xf32, #tpu.memory_space<vmem>>) dst(%dma_wait3A_312 : memref<10240x128xf32, #tpu.memory_space<vmem_shared>>)
        tpu.yield
      }) : () -> ()
      %dma_start3A_135 = arith.constant 5 : i32
      %dma_start3A_136 = arith.constant 0 : i32
      %dma_start3A_137 = tpu.memref_slice %arg7[%dma_start3A_135, %dma_start3A_136] : memref<16x128xi32, #tpu.memory_space<vmem>> -> memref<1x128xi32, #tpu.memory_space<vmem>>
      %dma_start3A_138 = tpu.memref_squeeze %dma_start3A_137 : memref<1x128xi32, #tpu.memory_space<vmem>> -> memref<128xi32, #tpu.memory_space<vmem>>
      %dma_start3A_139 = arith.constant 0 : i32
      %dma_start3A_140 = arith.constant 0 : i32
      %dma_start3A_141 = tpu.memref_slice %arg2[%dma_start3A_139, %dma_start3A_140] : memref<10240x128xf32, #tpu.memory_space<hbm>> -> memref<10240x128xf32, #tpu.memory_space<hbm>>
      tpu.enqueue_indirect_dma source(%dma_start3A_141 : memref<10240x128xf32, #tpu.memory_space<hbm>>) target(%arg9 : memref<128x128xf32, #tpu.memory_space<vmem>>) offsets(%dma_start3A_138 : memref<128xi32, #tpu.memory_space<vmem>>) semaphore(%arg10 : memref<!tpu.dma_semaphore, #tpu.memory_space<semaphore_mem>>)
      %dma_wait3A_142 = arith.constant 5 : i32
      %dma_wait3A_143 = arith.constant 0 : i32
      %dma_wait3A_144 = tpu.memref_slice %arg7[%dma_wait3A_142, %dma_wait3A_143] : memref<16x128xi32, #tpu.memory_space<vmem>> -> memref<1x128xi32, #tpu.memory_space<vmem>>
      %dma_wait3A_145 = tpu.memref_squeeze %dma_wait3A_144 : memref<1x128xi32, #tpu.memory_space<vmem>> -> memref<128xi32, #tpu.memory_space<vmem>>
      %dma_wait3A_146 = arith.constant 0 : i32
      %dma_wait3A_147 = arith.constant 0 : i32
      %dma_wait3A_148 = tpu.memref_slice %arg2[%dma_wait3A_146, %dma_wait3A_147] : memref<10240x128xf32, #tpu.memory_space<hbm>> -> memref<10240x128xf32, #tpu.memory_space<hbm>>
      tpu.wait_indirect_dma semaphore(%arg10 : memref<!tpu.dma_semaphore, #tpu.memory_space<semaphore_mem>>) src(%dma_wait3A_148 : memref<10240x128xf32, #tpu.memory_space<hbm>>) dst(%arg9 : memref<128x128xf32, #tpu.memory_space<vmem>>)
      %run_scoped3A_149 = arith.constant 5 : i32
      "tpu.region"() ({
        %run_scoped3A_300 = tpu.sem_alloc : memref<!tpu.dma_semaphore, #tpu.memory_space<semaphore_mem>>
        %dma_start3A_301 = arith.constant 0 : i32
        %dma_start3A_302 = tpu.memref_slice %arg8[%run_scoped3A_149, %dma_start3A_301] : memref<16x128xi32, #tpu.memory_space<vmem>> -> memref<1x128xi32, #tpu.memory_space<vmem>>
        %dma_start3A_303 = tpu.memref_squeeze %dma_start3A_302 : memref<1x128xi32, #tpu.memory_space<vmem>> -> memref<128xi32, #tpu.memory_space<vmem>>
        %dma_start3A_304 = arith.constant 0 : i32
        %dma_start3A_305 = arith.constant 0 : i32
        %dma_start3A_306 = tpu.memref_slice %arg6[%dma_start3A_304, %dma_start3A_305] : memref<10240x128xf32, #tpu.memory_space<vmem_shared>> -> memref<10240x128xf32, #tpu.memory_space<vmem_shared>>
        tpu.enqueue_indirect_dma source(%arg9 : memref<128x128xf32, #tpu.memory_space<vmem>>) target(%dma_start3A_306 : memref<10240x128xf32, #tpu.memory_space<vmem_shared>>) offsets(%dma_start3A_303 : memref<128xi32, #tpu.memory_space<vmem>>) semaphore(%run_scoped3A_300 : memref<!tpu.dma_semaphore, #tpu.memory_space<semaphore_mem>>) {add = true}
        %dma_wait3A_307 = arith.constant 0 : i32
        %dma_wait3A_308 = tpu.memref_slice %arg8[%run_scoped3A_149, %dma_wait3A_307] : memref<16x128xi32, #tpu.memory_space<vmem>> -> memref<1x128xi32, #tpu.memory_space<vmem>>
        %dma_wait3A_309 = tpu.memref_squeeze %dma_wait3A_308 : memref<1x128xi32, #tpu.memory_space<vmem>> -> memref<128xi32, #tpu.memory_space<vmem>>
        %dma_wait3A_310 = arith.constant 0 : i32
        %dma_wait3A_311 = arith.constant 0 : i32
        %dma_wait3A_312 = tpu.memref_slice %arg6[%dma_wait3A_310, %dma_wait3A_311] : memref<10240x128xf32, #tpu.memory_space<vmem_shared>> -> memref<10240x128xf32, #tpu.memory_space<vmem_shared>>
        tpu.wait_indirect_dma semaphore(%run_scoped3A_300 : memref<!tpu.dma_semaphore, #tpu.memory_space<semaphore_mem>>) src(%arg9 : memref<128x128xf32, #tpu.memory_space<vmem>>) dst(%dma_wait3A_312 : memref<10240x128xf32, #tpu.memory_space<vmem_shared>>)
        tpu.yield
      }) : () -> ()
      %dma_start3A_150 = arith.constant 6 : i32
      %dma_start3A_151 = arith.constant 0 : i32
      %dma_start3A_152 = tpu.memref_slice %arg7[%dma_start3A_150, %dma_start3A_151] : memref<16x128xi32, #tpu.memory_space<vmem>> -> memref<1x128xi32, #tpu.memory_space<vmem>>
      %dma_start3A_153 = tpu.memref_squeeze %dma_start3A_152 : memref<1x128xi32, #tpu.memory_space<vmem>> -> memref<128xi32, #tpu.memory_space<vmem>>
      %dma_start3A_154 = arith.constant 0 : i32
      %dma_start3A_155 = arith.constant 0 : i32
      %dma_start3A_156 = tpu.memref_slice %arg2[%dma_start3A_154, %dma_start3A_155] : memref<10240x128xf32, #tpu.memory_space<hbm>> -> memref<10240x128xf32, #tpu.memory_space<hbm>>
      tpu.enqueue_indirect_dma source(%dma_start3A_156 : memref<10240x128xf32, #tpu.memory_space<hbm>>) target(%arg9 : memref<128x128xf32, #tpu.memory_space<vmem>>) offsets(%dma_start3A_153 : memref<128xi32, #tpu.memory_space<vmem>>) semaphore(%arg10 : memref<!tpu.dma_semaphore, #tpu.memory_space<semaphore_mem>>)
      %dma_wait3A_157 = arith.constant 6 : i32
      %dma_wait3A_158 = arith.constant 0 : i32
      %dma_wait3A_159 = tpu.memref_slice %arg7[%dma_wait3A_157, %dma_wait3A_158] : memref<16x128xi32, #tpu.memory_space<vmem>> -> memref<1x128xi32, #tpu.memory_space<vmem>>
      %dma_wait3A_160 = tpu.memref_squeeze %dma_wait3A_159 : memref<1x128xi32, #tpu.memory_space<vmem>> -> memref<128xi32, #tpu.memory_space<vmem>>
      %dma_wait3A_161 = arith.constant 0 : i32
      %dma_wait3A_162 = arith.constant 0 : i32
      %dma_wait3A_163 = tpu.memref_slice %arg2[%dma_wait3A_161, %dma_wait3A_162] : memref<10240x128xf32, #tpu.memory_space<hbm>> -> memref<10240x128xf32, #tpu.memory_space<hbm>>
      tpu.wait_indirect_dma semaphore(%arg10 : memref<!tpu.dma_semaphore, #tpu.memory_space<semaphore_mem>>) src(%dma_wait3A_163 : memref<10240x128xf32, #tpu.memory_space<hbm>>) dst(%arg9 : memref<128x128xf32, #tpu.memory_space<vmem>>)
      %run_scoped3A_164 = arith.constant 6 : i32
      "tpu.region"() ({
        %run_scoped3A_300 = tpu.sem_alloc : memref<!tpu.dma_semaphore, #tpu.memory_space<semaphore_mem>>
        %dma_start3A_301 = arith.constant 0 : i32
        %dma_start3A_302 = tpu.memref_slice %arg8[%run_scoped3A_164, %dma_start3A_301] : memref<16x128xi32, #tpu.memory_space<vmem>> -> memref<1x128xi32, #tpu.memory_space<vmem>>
        %dma_start3A_303 = tpu.memref_squeeze %dma_start3A_302 : memref<1x128xi32, #tpu.memory_space<vmem>> -> memref<128xi32, #tpu.memory_space<vmem>>
        %dma_start3A_304 = arith.constant 0 : i32
        %dma_start3A_305 = arith.constant 0 : i32
        %dma_start3A_306 = tpu.memref_slice %arg6[%dma_start3A_304, %dma_start3A_305] : memref<10240x128xf32, #tpu.memory_space<vmem_shared>> -> memref<10240x128xf32, #tpu.memory_space<vmem_shared>>
        tpu.enqueue_indirect_dma source(%arg9 : memref<128x128xf32, #tpu.memory_space<vmem>>) target(%dma_start3A_306 : memref<10240x128xf32, #tpu.memory_space<vmem_shared>>) offsets(%dma_start3A_303 : memref<128xi32, #tpu.memory_space<vmem>>) semaphore(%run_scoped3A_300 : memref<!tpu.dma_semaphore, #tpu.memory_space<semaphore_mem>>) {add = true}
        %dma_wait3A_307 = arith.constant 0 : i32
        %dma_wait3A_308 = tpu.memref_slice %arg8[%run_scoped3A_164, %dma_wait3A_307] : memref<16x128xi32, #tpu.memory_space<vmem>> -> memref<1x128xi32, #tpu.memory_space<vmem>>
        %dma_wait3A_309 = tpu.memref_squeeze %dma_wait3A_308 : memref<1x128xi32, #tpu.memory_space<vmem>> -> memref<128xi32, #tpu.memory_space<vmem>>
        %dma_wait3A_310 = arith.constant 0 : i32
        %dma_wait3A_311 = arith.constant 0 : i32
        %dma_wait3A_312 = tpu.memref_slice %arg6[%dma_wait3A_310, %dma_wait3A_311] : memref<10240x128xf32, #tpu.memory_space<vmem_shared>> -> memref<10240x128xf32, #tpu.memory_space<vmem_shared>>
        tpu.wait_indirect_dma semaphore(%run_scoped3A_300 : memref<!tpu.dma_semaphore, #tpu.memory_space<semaphore_mem>>) src(%arg9 : memref<128x128xf32, #tpu.memory_space<vmem>>) dst(%dma_wait3A_312 : memref<10240x128xf32, #tpu.memory_space<vmem_shared>>)
        tpu.yield
      }) : () -> ()
      %dma_start3A_165 = arith.constant 7 : i32
      %dma_start3A_166 = arith.constant 0 : i32
      %dma_start3A_167 = tpu.memref_slice %arg7[%dma_start3A_165, %dma_start3A_166] : memref<16x128xi32, #tpu.memory_space<vmem>> -> memref<1x128xi32, #tpu.memory_space<vmem>>
      %dma_start3A_168 = tpu.memref_squeeze %dma_start3A_167 : memref<1x128xi32, #tpu.memory_space<vmem>> -> memref<128xi32, #tpu.memory_space<vmem>>
      %dma_start3A_169 = arith.constant 0 : i32
      %dma_start3A_170 = arith.constant 0 : i32
      %dma_start3A_171 = tpu.memref_slice %arg2[%dma_start3A_169, %dma_start3A_170] : memref<10240x128xf32, #tpu.memory_space<hbm>> -> memref<10240x128xf32, #tpu.memory_space<hbm>>
      tpu.enqueue_indirect_dma source(%dma_start3A_171 : memref<10240x128xf32, #tpu.memory_space<hbm>>) target(%arg9 : memref<128x128xf32, #tpu.memory_space<vmem>>) offsets(%dma_start3A_168 : memref<128xi32, #tpu.memory_space<vmem>>) semaphore(%arg10 : memref<!tpu.dma_semaphore, #tpu.memory_space<semaphore_mem>>)
      %dma_wait3A_172 = arith.constant 7 : i32
      %dma_wait3A_173 = arith.constant 0 : i32
      %dma_wait3A_174 = tpu.memref_slice %arg7[%dma_wait3A_172, %dma_wait3A_173] : memref<16x128xi32, #tpu.memory_space<vmem>> -> memref<1x128xi32, #tpu.memory_space<vmem>>
      %dma_wait3A_175 = tpu.memref_squeeze %dma_wait3A_174 : memref<1x128xi32, #tpu.memory_space<vmem>> -> memref<128xi32, #tpu.memory_space<vmem>>
      %dma_wait3A_176 = arith.constant 0 : i32
      %dma_wait3A_177 = arith.constant 0 : i32
      %dma_wait3A_178 = tpu.memref_slice %arg2[%dma_wait3A_176, %dma_wait3A_177] : memref<10240x128xf32, #tpu.memory_space<hbm>> -> memref<10240x128xf32, #tpu.memory_space<hbm>>
      tpu.wait_indirect_dma semaphore(%arg10 : memref<!tpu.dma_semaphore, #tpu.memory_space<semaphore_mem>>) src(%dma_wait3A_178 : memref<10240x128xf32, #tpu.memory_space<hbm>>) dst(%arg9 : memref<128x128xf32, #tpu.memory_space<vmem>>)
      %run_scoped3A_179 = arith.constant 7 : i32
      "tpu.region"() ({
        %run_scoped3A_300 = tpu.sem_alloc : memref<!tpu.dma_semaphore, #tpu.memory_space<semaphore_mem>>
        %dma_start3A_301 = arith.constant 0 : i32
        %dma_start3A_302 = tpu.memref_slice %arg8[%run_scoped3A_179, %dma_start3A_301] : memref<16x128xi32, #tpu.memory_space<vmem>> -> memref<1x128xi32, #tpu.memory_space<vmem>>
        %dma_start3A_303 = tpu.memref_squeeze %dma_start3A_302 : memref<1x128xi32, #tpu.memory_space<vmem>> -> memref<128xi32, #tpu.memory_space<vmem>>
        %dma_start3A_304 = arith.constant 0 : i32
        %dma_start3A_305 = arith.constant 0 : i32
        %dma_start3A_306 = tpu.memref_slice %arg6[%dma_start3A_304, %dma_start3A_305] : memref<10240x128xf32, #tpu.memory_space<vmem_shared>> -> memref<10240x128xf32, #tpu.memory_space<vmem_shared>>
        tpu.enqueue_indirect_dma source(%arg9 : memref<128x128xf32, #tpu.memory_space<vmem>>) target(%dma_start3A_306 : memref<10240x128xf32, #tpu.memory_space<vmem_shared>>) offsets(%dma_start3A_303 : memref<128xi32, #tpu.memory_space<vmem>>) semaphore(%run_scoped3A_300 : memref<!tpu.dma_semaphore, #tpu.memory_space<semaphore_mem>>) {add = true}
        %dma_wait3A_307 = arith.constant 0 : i32
        %dma_wait3A_308 = tpu.memref_slice %arg8[%run_scoped3A_179, %dma_wait3A_307] : memref<16x128xi32, #tpu.memory_space<vmem>> -> memref<1x128xi32, #tpu.memory_space<vmem>>
        %dma_wait3A_309 = tpu.memref_squeeze %dma_wait3A_308 : memref<1x128xi32, #tpu.memory_space<vmem>> -> memref<128xi32, #tpu.memory_space<vmem>>
        %dma_wait3A_310 = arith.constant 0 : i32
        %dma_wait3A_311 = arith.constant 0 : i32
        %dma_wait3A_312 = tpu.memref_slice %arg6[%dma_wait3A_310, %dma_wait3A_311] : memref<10240x128xf32, #tpu.memory_space<vmem_shared>> -> memref<10240x128xf32, #tpu.memory_space<vmem_shared>>
        tpu.wait_indirect_dma semaphore(%run_scoped3A_300 : memref<!tpu.dma_semaphore, #tpu.memory_space<semaphore_mem>>) src(%arg9 : memref<128x128xf32, #tpu.memory_space<vmem>>) dst(%dma_wait3A_312 : memref<10240x128xf32, #tpu.memory_space<vmem_shared>>)
        tpu.yield
      }) : () -> ()
      %dma_start3A_180 = arith.constant 8 : i32
      %dma_start3A_181 = arith.constant 0 : i32
      %dma_start3A_182 = tpu.memref_slice %arg7[%dma_start3A_180, %dma_start3A_181] : memref<16x128xi32, #tpu.memory_space<vmem>> -> memref<1x128xi32, #tpu.memory_space<vmem>>
      %dma_start3A_183 = tpu.memref_squeeze %dma_start3A_182 : memref<1x128xi32, #tpu.memory_space<vmem>> -> memref<128xi32, #tpu.memory_space<vmem>>
      %dma_start3A_184 = arith.constant 0 : i32
      %dma_start3A_185 = arith.constant 0 : i32
      %dma_start3A_186 = tpu.memref_slice %arg2[%dma_start3A_184, %dma_start3A_185] : memref<10240x128xf32, #tpu.memory_space<hbm>> -> memref<10240x128xf32, #tpu.memory_space<hbm>>
      tpu.enqueue_indirect_dma source(%dma_start3A_186 : memref<10240x128xf32, #tpu.memory_space<hbm>>) target(%arg9 : memref<128x128xf32, #tpu.memory_space<vmem>>) offsets(%dma_start3A_183 : memref<128xi32, #tpu.memory_space<vmem>>) semaphore(%arg10 : memref<!tpu.dma_semaphore, #tpu.memory_space<semaphore_mem>>)
      %dma_wait3A_187 = arith.constant 8 : i32
      %dma_wait3A_188 = arith.constant 0 : i32
      %dma_wait3A_189 = tpu.memref_slice %arg7[%dma_wait3A_187, %dma_wait3A_188] : memref<16x128xi32, #tpu.memory_space<vmem>> -> memref<1x128xi32, #tpu.memory_space<vmem>>
      %dma_wait3A_190 = tpu.memref_squeeze %dma_wait3A_189 : memref<1x128xi32, #tpu.memory_space<vmem>> -> memref<128xi32, #tpu.memory_space<vmem>>
      %dma_wait3A_191 = arith.constant 0 : i32
      %dma_wait3A_192 = arith.constant 0 : i32
      %dma_wait3A_193 = tpu.memref_slice %arg2[%dma_wait3A_191, %dma_wait3A_192] : memref<10240x128xf32, #tpu.memory_space<hbm>> -> memref<10240x128xf32, #tpu.memory_space<hbm>>
      tpu.wait_indirect_dma semaphore(%arg10 : memref<!tpu.dma_semaphore, #tpu.memory_space<semaphore_mem>>) src(%dma_wait3A_193 : memref<10240x128xf32, #tpu.memory_space<hbm>>) dst(%arg9 : memref<128x128xf32, #tpu.memory_space<vmem>>)
      %run_scoped3A_194 = arith.constant 8 : i32
      "tpu.region"() ({
        %run_scoped3A_300 = tpu.sem_alloc : memref<!tpu.dma_semaphore, #tpu.memory_space<semaphore_mem>>
        %dma_start3A_301 = arith.constant 0 : i32
        %dma_start3A_302 = tpu.memref_slice %arg8[%run_scoped3A_194, %dma_start3A_301] : memref<16x128xi32, #tpu.memory_space<vmem>> -> memref<1x128xi32, #tpu.memory_space<vmem>>
        %dma_start3A_303 = tpu.memref_squeeze %dma_start3A_302 : memref<1x128xi32, #tpu.memory_space<vmem>> -> memref<128xi32, #tpu.memory_space<vmem>>
        %dma_start3A_304 = arith.constant 0 : i32
        %dma_start3A_305 = arith.constant 0 : i32
        %dma_start3A_306 = tpu.memref_slice %arg6[%dma_start3A_304, %dma_start3A_305] : memref<10240x128xf32, #tpu.memory_space<vmem_shared>> -> memref<10240x128xf32, #tpu.memory_space<vmem_shared>>
        tpu.enqueue_indirect_dma source(%arg9 : memref<128x128xf32, #tpu.memory_space<vmem>>) target(%dma_start3A_306 : memref<10240x128xf32, #tpu.memory_space<vmem_shared>>) offsets(%dma_start3A_303 : memref<128xi32, #tpu.memory_space<vmem>>) semaphore(%run_scoped3A_300 : memref<!tpu.dma_semaphore, #tpu.memory_space<semaphore_mem>>) {add = true}
        %dma_wait3A_307 = arith.constant 0 : i32
        %dma_wait3A_308 = tpu.memref_slice %arg8[%run_scoped3A_194, %dma_wait3A_307] : memref<16x128xi32, #tpu.memory_space<vmem>> -> memref<1x128xi32, #tpu.memory_space<vmem>>
        %dma_wait3A_309 = tpu.memref_squeeze %dma_wait3A_308 : memref<1x128xi32, #tpu.memory_space<vmem>> -> memref<128xi32, #tpu.memory_space<vmem>>
        %dma_wait3A_310 = arith.constant 0 : i32
        %dma_wait3A_311 = arith.constant 0 : i32
        %dma_wait3A_312 = tpu.memref_slice %arg6[%dma_wait3A_310, %dma_wait3A_311] : memref<10240x128xf32, #tpu.memory_space<vmem_shared>> -> memref<10240x128xf32, #tpu.memory_space<vmem_shared>>
        tpu.wait_indirect_dma semaphore(%run_scoped3A_300 : memref<!tpu.dma_semaphore, #tpu.memory_space<semaphore_mem>>) src(%arg9 : memref<128x128xf32, #tpu.memory_space<vmem>>) dst(%dma_wait3A_312 : memref<10240x128xf32, #tpu.memory_space<vmem_shared>>)
        tpu.yield
      }) : () -> ()
      %dma_start3A_195 = arith.constant 9 : i32
      %dma_start3A_196 = arith.constant 0 : i32
      %dma_start3A_197 = tpu.memref_slice %arg7[%dma_start3A_195, %dma_start3A_196] : memref<16x128xi32, #tpu.memory_space<vmem>> -> memref<1x128xi32, #tpu.memory_space<vmem>>
      %dma_start3A_198 = tpu.memref_squeeze %dma_start3A_197 : memref<1x128xi32, #tpu.memory_space<vmem>> -> memref<128xi32, #tpu.memory_space<vmem>>
      %dma_start3A_199 = arith.constant 0 : i32
      %dma_start3A_200 = arith.constant 0 : i32
      %dma_start3A_201 = tpu.memref_slice %arg2[%dma_start3A_199, %dma_start3A_200] : memref<10240x128xf32, #tpu.memory_space<hbm>> -> memref<10240x128xf32, #tpu.memory_space<hbm>>
      tpu.enqueue_indirect_dma source(%dma_start3A_201 : memref<10240x128xf32, #tpu.memory_space<hbm>>) target(%arg9 : memref<128x128xf32, #tpu.memory_space<vmem>>) offsets(%dma_start3A_198 : memref<128xi32, #tpu.memory_space<vmem>>) semaphore(%arg10 : memref<!tpu.dma_semaphore, #tpu.memory_space<semaphore_mem>>)
      %dma_wait3A_202 = arith.constant 9 : i32
      %dma_wait3A_203 = arith.constant 0 : i32
      %dma_wait3A_204 = tpu.memref_slice %arg7[%dma_wait3A_202, %dma_wait3A_203] : memref<16x128xi32, #tpu.memory_space<vmem>> -> memref<1x128xi32, #tpu.memory_space<vmem>>
      %dma_wait3A_205 = tpu.memref_squeeze %dma_wait3A_204 : memref<1x128xi32, #tpu.memory_space<vmem>> -> memref<128xi32, #tpu.memory_space<vmem>>
      %dma_wait3A_206 = arith.constant 0 : i32
      %dma_wait3A_207 = arith.constant 0 : i32
      %dma_wait3A_208 = tpu.memref_slice %arg2[%dma_wait3A_206, %dma_wait3A_207] : memref<10240x128xf32, #tpu.memory_space<hbm>> -> memref<10240x128xf32, #tpu.memory_space<hbm>>
      tpu.wait_indirect_dma semaphore(%arg10 : memref<!tpu.dma_semaphore, #tpu.memory_space<semaphore_mem>>) src(%dma_wait3A_208 : memref<10240x128xf32, #tpu.memory_space<hbm>>) dst(%arg9 : memref<128x128xf32, #tpu.memory_space<vmem>>)
      %run_scoped3A_209 = arith.constant 9 : i32
      "tpu.region"() ({
        %run_scoped3A_300 = tpu.sem_alloc : memref<!tpu.dma_semaphore, #tpu.memory_space<semaphore_mem>>
        %dma_start3A_301 = arith.constant 0 : i32
        %dma_start3A_302 = tpu.memref_slice %arg8[%run_scoped3A_209, %dma_start3A_301] : memref<16x128xi32, #tpu.memory_space<vmem>> -> memref<1x128xi32, #tpu.memory_space<vmem>>
        %dma_start3A_303 = tpu.memref_squeeze %dma_start3A_302 : memref<1x128xi32, #tpu.memory_space<vmem>> -> memref<128xi32, #tpu.memory_space<vmem>>
        %dma_start3A_304 = arith.constant 0 : i32
        %dma_start3A_305 = arith.constant 0 : i32
        %dma_start3A_306 = tpu.memref_slice %arg6[%dma_start3A_304, %dma_start3A_305] : memref<10240x128xf32, #tpu.memory_space<vmem_shared>> -> memref<10240x128xf32, #tpu.memory_space<vmem_shared>>
        tpu.enqueue_indirect_dma source(%arg9 : memref<128x128xf32, #tpu.memory_space<vmem>>) target(%dma_start3A_306 : memref<10240x128xf32, #tpu.memory_space<vmem_shared>>) offsets(%dma_start3A_303 : memref<128xi32, #tpu.memory_space<vmem>>) semaphore(%run_scoped3A_300 : memref<!tpu.dma_semaphore, #tpu.memory_space<semaphore_mem>>) {add = true}
        %dma_wait3A_307 = arith.constant 0 : i32
        %dma_wait3A_308 = tpu.memref_slice %arg8[%run_scoped3A_209, %dma_wait3A_307] : memref<16x128xi32, #tpu.memory_space<vmem>> -> memref<1x128xi32, #tpu.memory_space<vmem>>
        %dma_wait3A_309 = tpu.memref_squeeze %dma_wait3A_308 : memref<1x128xi32, #tpu.memory_space<vmem>> -> memref<128xi32, #tpu.memory_space<vmem>>
        %dma_wait3A_310 = arith.constant 0 : i32
        %dma_wait3A_311 = arith.constant 0 : i32
        %dma_wait3A_312 = tpu.memref_slice %arg6[%dma_wait3A_310, %dma_wait3A_311] : memref<10240x128xf32, #tpu.memory_space<vmem_shared>> -> memref<10240x128xf32, #tpu.memory_space<vmem_shared>>
        tpu.wait_indirect_dma semaphore(%run_scoped3A_300 : memref<!tpu.dma_semaphore, #tpu.memory_space<semaphore_mem>>) src(%arg9 : memref<128x128xf32, #tpu.memory_space<vmem>>) dst(%dma_wait3A_312 : memref<10240x128xf32, #tpu.memory_space<vmem_shared>>)
        tpu.yield
      }) : () -> ()
      %dma_start3A_210 = arith.constant 10 : i32
      %dma_start3A_211 = arith.constant 0 : i32
      %dma_start3A_212 = tpu.memref_slice %arg7[%dma_start3A_210, %dma_start3A_211] : memref<16x128xi32, #tpu.memory_space<vmem>> -> memref<1x128xi32, #tpu.memory_space<vmem>>
      %dma_start3A_213 = tpu.memref_squeeze %dma_start3A_212 : memref<1x128xi32, #tpu.memory_space<vmem>> -> memref<128xi32, #tpu.memory_space<vmem>>
      %dma_start3A_214 = arith.constant 0 : i32
      %dma_start3A_215 = arith.constant 0 : i32
      %dma_start3A_216 = tpu.memref_slice %arg2[%dma_start3A_214, %dma_start3A_215] : memref<10240x128xf32, #tpu.memory_space<hbm>> -> memref<10240x128xf32, #tpu.memory_space<hbm>>
      tpu.enqueue_indirect_dma source(%dma_start3A_216 : memref<10240x128xf32, #tpu.memory_space<hbm>>) target(%arg9 : memref<128x128xf32, #tpu.memory_space<vmem>>) offsets(%dma_start3A_213 : memref<128xi32, #tpu.memory_space<vmem>>) semaphore(%arg10 : memref<!tpu.dma_semaphore, #tpu.memory_space<semaphore_mem>>)
      %dma_wait3A_217 = arith.constant 10 : i32
      %dma_wait3A_218 = arith.constant 0 : i32
      %dma_wait3A_219 = tpu.memref_slice %arg7[%dma_wait3A_217, %dma_wait3A_218] : memref<16x128xi32, #tpu.memory_space<vmem>> -> memref<1x128xi32, #tpu.memory_space<vmem>>
      %dma_wait3A_220 = tpu.memref_squeeze %dma_wait3A_219 : memref<1x128xi32, #tpu.memory_space<vmem>> -> memref<128xi32, #tpu.memory_space<vmem>>
      %dma_wait3A_221 = arith.constant 0 : i32
      %dma_wait3A_222 = arith.constant 0 : i32
      %dma_wait3A_223 = tpu.memref_slice %arg2[%dma_wait3A_221, %dma_wait3A_222] : memref<10240x128xf32, #tpu.memory_space<hbm>> -> memref<10240x128xf32, #tpu.memory_space<hbm>>
      tpu.wait_indirect_dma semaphore(%arg10 : memref<!tpu.dma_semaphore, #tpu.memory_space<semaphore_mem>>) src(%dma_wait3A_223 : memref<10240x128xf32, #tpu.memory_space<hbm>>) dst(%arg9 : memref<128x128xf32, #tpu.memory_space<vmem>>)
      %run_scoped3A_224 = arith.constant 10 : i32
      "tpu.region"() ({
        %run_scoped3A_300 = tpu.sem_alloc : memref<!tpu.dma_semaphore, #tpu.memory_space<semaphore_mem>>
        %dma_start3A_301 = arith.constant 0 : i32
        %dma_start3A_302 = tpu.memref_slice %arg8[%run_scoped3A_224, %dma_start3A_301] : memref<16x128xi32, #tpu.memory_space<vmem>> -> memref<1x128xi32, #tpu.memory_space<vmem>>
        %dma_start3A_303 = tpu.memref_squeeze %dma_start3A_302 : memref<1x128xi32, #tpu.memory_space<vmem>> -> memref<128xi32, #tpu.memory_space<vmem>>
        %dma_start3A_304 = arith.constant 0 : i32
        %dma_start3A_305 = arith.constant 0 : i32
        %dma_start3A_306 = tpu.memref_slice %arg6[%dma_start3A_304, %dma_start3A_305] : memref<10240x128xf32, #tpu.memory_space<vmem_shared>> -> memref<10240x128xf32, #tpu.memory_space<vmem_shared>>
        tpu.enqueue_indirect_dma source(%arg9 : memref<128x128xf32, #tpu.memory_space<vmem>>) target(%dma_start3A_306 : memref<10240x128xf32, #tpu.memory_space<vmem_shared>>) offsets(%dma_start3A_303 : memref<128xi32, #tpu.memory_space<vmem>>) semaphore(%run_scoped3A_300 : memref<!tpu.dma_semaphore, #tpu.memory_space<semaphore_mem>>) {add = true}
        %dma_wait3A_307 = arith.constant 0 : i32
        %dma_wait3A_308 = tpu.memref_slice %arg8[%run_scoped3A_224, %dma_wait3A_307] : memref<16x128xi32, #tpu.memory_space<vmem>> -> memref<1x128xi32, #tpu.memory_space<vmem>>
        %dma_wait3A_309 = tpu.memref_squeeze %dma_wait3A_308 : memref<1x128xi32, #tpu.memory_space<vmem>> -> memref<128xi32, #tpu.memory_space<vmem>>
        %dma_wait3A_310 = arith.constant 0 : i32
        %dma_wait3A_311 = arith.constant 0 : i32
        %dma_wait3A_312 = tpu.memref_slice %arg6[%dma_wait3A_310, %dma_wait3A_311] : memref<10240x128xf32, #tpu.memory_space<vmem_shared>> -> memref<10240x128xf32, #tpu.memory_space<vmem_shared>>
        tpu.wait_indirect_dma semaphore(%run_scoped3A_300 : memref<!tpu.dma_semaphore, #tpu.memory_space<semaphore_mem>>) src(%arg9 : memref<128x128xf32, #tpu.memory_space<vmem>>) dst(%dma_wait3A_312 : memref<10240x128xf32, #tpu.memory_space<vmem_shared>>)
        tpu.yield
      }) : () -> ()
      %dma_start3A_225 = arith.constant 11 : i32
      %dma_start3A_226 = arith.constant 0 : i32
      %dma_start3A_227 = tpu.memref_slice %arg7[%dma_start3A_225, %dma_start3A_226] : memref<16x128xi32, #tpu.memory_space<vmem>> -> memref<1x128xi32, #tpu.memory_space<vmem>>
      %dma_start3A_228 = tpu.memref_squeeze %dma_start3A_227 : memref<1x128xi32, #tpu.memory_space<vmem>> -> memref<128xi32, #tpu.memory_space<vmem>>
      %dma_start3A_229 = arith.constant 0 : i32
      %dma_start3A_230 = arith.constant 0 : i32
      %dma_start3A_231 = tpu.memref_slice %arg2[%dma_start3A_229, %dma_start3A_230] : memref<10240x128xf32, #tpu.memory_space<hbm>> -> memref<10240x128xf32, #tpu.memory_space<hbm>>
      tpu.enqueue_indirect_dma source(%dma_start3A_231 : memref<10240x128xf32, #tpu.memory_space<hbm>>) target(%arg9 : memref<128x128xf32, #tpu.memory_space<vmem>>) offsets(%dma_start3A_228 : memref<128xi32, #tpu.memory_space<vmem>>) semaphore(%arg10 : memref<!tpu.dma_semaphore, #tpu.memory_space<semaphore_mem>>)
      %dma_wait3A_232 = arith.constant 11 : i32
      %dma_wait3A_233 = arith.constant 0 : i32
      %dma_wait3A_234 = tpu.memref_slice %arg7[%dma_wait3A_232, %dma_wait3A_233] : memref<16x128xi32, #tpu.memory_space<vmem>> -> memref<1x128xi32, #tpu.memory_space<vmem>>
      %dma_wait3A_235 = tpu.memref_squeeze %dma_wait3A_234 : memref<1x128xi32, #tpu.memory_space<vmem>> -> memref<128xi32, #tpu.memory_space<vmem>>
      %dma_wait3A_236 = arith.constant 0 : i32
      %dma_wait3A_237 = arith.constant 0 : i32
      %dma_wait3A_238 = tpu.memref_slice %arg2[%dma_wait3A_236, %dma_wait3A_237] : memref<10240x128xf32, #tpu.memory_space<hbm>> -> memref<10240x128xf32, #tpu.memory_space<hbm>>
      tpu.wait_indirect_dma semaphore(%arg10 : memref<!tpu.dma_semaphore, #tpu.memory_space<semaphore_mem>>) src(%dma_wait3A_238 : memref<10240x128xf32, #tpu.memory_space<hbm>>) dst(%arg9 : memref<128x128xf32, #tpu.memory_space<vmem>>)
      %run_scoped3A_239 = arith.constant 11 : i32
      "tpu.region"() ({
        %run_scoped3A_300 = tpu.sem_alloc : memref<!tpu.dma_semaphore, #tpu.memory_space<semaphore_mem>>
        %dma_start3A_301 = arith.constant 0 : i32
        %dma_start3A_302 = tpu.memref_slice %arg8[%run_scoped3A_239, %dma_start3A_301] : memref<16x128xi32, #tpu.memory_space<vmem>> -> memref<1x128xi32, #tpu.memory_space<vmem>>
        %dma_start3A_303 = tpu.memref_squeeze %dma_start3A_302 : memref<1x128xi32, #tpu.memory_space<vmem>> -> memref<128xi32, #tpu.memory_space<vmem>>
        %dma_start3A_304 = arith.constant 0 : i32
        %dma_start3A_305 = arith.constant 0 : i32
        %dma_start3A_306 = tpu.memref_slice %arg6[%dma_start3A_304, %dma_start3A_305] : memref<10240x128xf32, #tpu.memory_space<vmem_shared>> -> memref<10240x128xf32, #tpu.memory_space<vmem_shared>>
        tpu.enqueue_indirect_dma source(%arg9 : memref<128x128xf32, #tpu.memory_space<vmem>>) target(%dma_start3A_306 : memref<10240x128xf32, #tpu.memory_space<vmem_shared>>) offsets(%dma_start3A_303 : memref<128xi32, #tpu.memory_space<vmem>>) semaphore(%run_scoped3A_300 : memref<!tpu.dma_semaphore, #tpu.memory_space<semaphore_mem>>) {add = true}
        %dma_wait3A_307 = arith.constant 0 : i32
        %dma_wait3A_308 = tpu.memref_slice %arg8[%run_scoped3A_239, %dma_wait3A_307] : memref<16x128xi32, #tpu.memory_space<vmem>> -> memref<1x128xi32, #tpu.memory_space<vmem>>
        %dma_wait3A_309 = tpu.memref_squeeze %dma_wait3A_308 : memref<1x128xi32, #tpu.memory_space<vmem>> -> memref<128xi32, #tpu.memory_space<vmem>>
        %dma_wait3A_310 = arith.constant 0 : i32
        %dma_wait3A_311 = arith.constant 0 : i32
        %dma_wait3A_312 = tpu.memref_slice %arg6[%dma_wait3A_310, %dma_wait3A_311] : memref<10240x128xf32, #tpu.memory_space<vmem_shared>> -> memref<10240x128xf32, #tpu.memory_space<vmem_shared>>
        tpu.wait_indirect_dma semaphore(%run_scoped3A_300 : memref<!tpu.dma_semaphore, #tpu.memory_space<semaphore_mem>>) src(%arg9 : memref<128x128xf32, #tpu.memory_space<vmem>>) dst(%dma_wait3A_312 : memref<10240x128xf32, #tpu.memory_space<vmem_shared>>)
        tpu.yield
      }) : () -> ()
      %dma_start3A_240 = arith.constant 12 : i32
      %dma_start3A_241 = arith.constant 0 : i32
      %dma_start3A_242 = tpu.memref_slice %arg7[%dma_start3A_240, %dma_start3A_241] : memref<16x128xi32, #tpu.memory_space<vmem>> -> memref<1x128xi32, #tpu.memory_space<vmem>>
      %dma_start3A_243 = tpu.memref_squeeze %dma_start3A_242 : memref<1x128xi32, #tpu.memory_space<vmem>> -> memref<128xi32, #tpu.memory_space<vmem>>
      %dma_start3A_244 = arith.constant 0 : i32
      %dma_start3A_245 = arith.constant 0 : i32
      %dma_start3A_246 = tpu.memref_slice %arg2[%dma_start3A_244, %dma_start3A_245] : memref<10240x128xf32, #tpu.memory_space<hbm>> -> memref<10240x128xf32, #tpu.memory_space<hbm>>
      tpu.enqueue_indirect_dma source(%dma_start3A_246 : memref<10240x128xf32, #tpu.memory_space<hbm>>) target(%arg9 : memref<128x128xf32, #tpu.memory_space<vmem>>) offsets(%dma_start3A_243 : memref<128xi32, #tpu.memory_space<vmem>>) semaphore(%arg10 : memref<!tpu.dma_semaphore, #tpu.memory_space<semaphore_mem>>)
      %dma_wait3A_247 = arith.constant 12 : i32
      %dma_wait3A_248 = arith.constant 0 : i32
      %dma_wait3A_249 = tpu.memref_slice %arg7[%dma_wait3A_247, %dma_wait3A_248] : memref<16x128xi32, #tpu.memory_space<vmem>> -> memref<1x128xi32, #tpu.memory_space<vmem>>
      %dma_wait3A_250 = tpu.memref_squeeze %dma_wait3A_249 : memref<1x128xi32, #tpu.memory_space<vmem>> -> memref<128xi32, #tpu.memory_space<vmem>>
      %dma_wait3A_251 = arith.constant 0 : i32
      %dma_wait3A_252 = arith.constant 0 : i32
      %dma_wait3A_253 = tpu.memref_slice %arg2[%dma_wait3A_251, %dma_wait3A_252] : memref<10240x128xf32, #tpu.memory_space<hbm>> -> memref<10240x128xf32, #tpu.memory_space<hbm>>
      tpu.wait_indirect_dma semaphore(%arg10 : memref<!tpu.dma_semaphore, #tpu.memory_space<semaphore_mem>>) src(%dma_wait3A_253 : memref<10240x128xf32, #tpu.memory_space<hbm>>) dst(%arg9 : memref<128x128xf32, #tpu.memory_space<vmem>>)
      %run_scoped3A_254 = arith.constant 12 : i32
      "tpu.region"() ({
        %run_scoped3A_300 = tpu.sem_alloc : memref<!tpu.dma_semaphore, #tpu.memory_space<semaphore_mem>>
        %dma_start3A_301 = arith.constant 0 : i32
        %dma_start3A_302 = tpu.memref_slice %arg8[%run_scoped3A_254, %dma_start3A_301] : memref<16x128xi32, #tpu.memory_space<vmem>> -> memref<1x128xi32, #tpu.memory_space<vmem>>
        %dma_start3A_303 = tpu.memref_squeeze %dma_start3A_302 : memref<1x128xi32, #tpu.memory_space<vmem>> -> memref<128xi32, #tpu.memory_space<vmem>>
        %dma_start3A_304 = arith.constant 0 : i32
        %dma_start3A_305 = arith.constant 0 : i32
        %dma_start3A_306 = tpu.memref_slice %arg6[%dma_start3A_304, %dma_start3A_305] : memref<10240x128xf32, #tpu.memory_space<vmem_shared>> -> memref<10240x128xf32, #tpu.memory_space<vmem_shared>>
        tpu.enqueue_indirect_dma source(%arg9 : memref<128x128xf32, #tpu.memory_space<vmem>>) target(%dma_start3A_306 : memref<10240x128xf32, #tpu.memory_space<vmem_shared>>) offsets(%dma_start3A_303 : memref<128xi32, #tpu.memory_space<vmem>>) semaphore(%run_scoped3A_300 : memref<!tpu.dma_semaphore, #tpu.memory_space<semaphore_mem>>) {add = true}
        %dma_wait3A_307 = arith.constant 0 : i32
        %dma_wait3A_308 = tpu.memref_slice %arg8[%run_scoped3A_254, %dma_wait3A_307] : memref<16x128xi32, #tpu.memory_space<vmem>> -> memref<1x128xi32, #tpu.memory_space<vmem>>
        %dma_wait3A_309 = tpu.memref_squeeze %dma_wait3A_308 : memref<1x128xi32, #tpu.memory_space<vmem>> -> memref<128xi32, #tpu.memory_space<vmem>>
        %dma_wait3A_310 = arith.constant 0 : i32
        %dma_wait3A_311 = arith.constant 0 : i32
        %dma_wait3A_312 = tpu.memref_slice %arg6[%dma_wait3A_310, %dma_wait3A_311] : memref<10240x128xf32, #tpu.memory_space<vmem_shared>> -> memref<10240x128xf32, #tpu.memory_space<vmem_shared>>
        tpu.wait_indirect_dma semaphore(%run_scoped3A_300 : memref<!tpu.dma_semaphore, #tpu.memory_space<semaphore_mem>>) src(%arg9 : memref<128x128xf32, #tpu.memory_space<vmem>>) dst(%dma_wait3A_312 : memref<10240x128xf32, #tpu.memory_space<vmem_shared>>)
        tpu.yield
      }) : () -> ()
      %dma_start3A_255 = arith.constant 13 : i32
      %dma_start3A_256 = arith.constant 0 : i32
      %dma_start3A_257 = tpu.memref_slice %arg7[%dma_start3A_255, %dma_start3A_256] : memref<16x128xi32, #tpu.memory_space<vmem>> -> memref<1x128xi32, #tpu.memory_space<vmem>>
      %dma_start3A_258 = tpu.memref_squeeze %dma_start3A_257 : memref<1x128xi32, #tpu.memory_space<vmem>> -> memref<128xi32, #tpu.memory_space<vmem>>
      %dma_start3A_259 = arith.constant 0 : i32
      %dma_start3A_260 = arith.constant 0 : i32
      %dma_start3A_261 = tpu.memref_slice %arg2[%dma_start3A_259, %dma_start3A_260] : memref<10240x128xf32, #tpu.memory_space<hbm>> -> memref<10240x128xf32, #tpu.memory_space<hbm>>
      tpu.enqueue_indirect_dma source(%dma_start3A_261 : memref<10240x128xf32, #tpu.memory_space<hbm>>) target(%arg9 : memref<128x128xf32, #tpu.memory_space<vmem>>) offsets(%dma_start3A_258 : memref<128xi32, #tpu.memory_space<vmem>>) semaphore(%arg10 : memref<!tpu.dma_semaphore, #tpu.memory_space<semaphore_mem>>)
      %dma_wait3A_262 = arith.constant 13 : i32
      %dma_wait3A_263 = arith.constant 0 : i32
      %dma_wait3A_264 = tpu.memref_slice %arg7[%dma_wait3A_262, %dma_wait3A_263] : memref<16x128xi32, #tpu.memory_space<vmem>> -> memref<1x128xi32, #tpu.memory_space<vmem>>
      %dma_wait3A_265 = tpu.memref_squeeze %dma_wait3A_264 : memref<1x128xi32, #tpu.memory_space<vmem>> -> memref<128xi32, #tpu.memory_space<vmem>>
      %dma_wait3A_266 = arith.constant 0 : i32
      %dma_wait3A_267 = arith.constant 0 : i32
      %dma_wait3A_268 = tpu.memref_slice %arg2[%dma_wait3A_266, %dma_wait3A_267] : memref<10240x128xf32, #tpu.memory_space<hbm>> -> memref<10240x128xf32, #tpu.memory_space<hbm>>
      tpu.wait_indirect_dma semaphore(%arg10 : memref<!tpu.dma_semaphore, #tpu.memory_space<semaphore_mem>>) src(%dma_wait3A_268 : memref<10240x128xf32, #tpu.memory_space<hbm>>) dst(%arg9 : memref<128x128xf32, #tpu.memory_space<vmem>>)
      %run_scoped3A_269 = arith.constant 13 : i32
      "tpu.region"() ({
        %run_scoped3A_300 = tpu.sem_alloc : memref<!tpu.dma_semaphore, #tpu.memory_space<semaphore_mem>>
        %dma_start3A_301 = arith.constant 0 : i32
        %dma_start3A_302 = tpu.memref_slice %arg8[%run_scoped3A_269, %dma_start3A_301] : memref<16x128xi32, #tpu.memory_space<vmem>> -> memref<1x128xi32, #tpu.memory_space<vmem>>
        %dma_start3A_303 = tpu.memref_squeeze %dma_start3A_302 : memref<1x128xi32, #tpu.memory_space<vmem>> -> memref<128xi32, #tpu.memory_space<vmem>>
        %dma_start3A_304 = arith.constant 0 : i32
        %dma_start3A_305 = arith.constant 0 : i32
        %dma_start3A_306 = tpu.memref_slice %arg6[%dma_start3A_304, %dma_start3A_305] : memref<10240x128xf32, #tpu.memory_space<vmem_shared>> -> memref<10240x128xf32, #tpu.memory_space<vmem_shared>>
        tpu.enqueue_indirect_dma source(%arg9 : memref<128x128xf32, #tpu.memory_space<vmem>>) target(%dma_start3A_306 : memref<10240x128xf32, #tpu.memory_space<vmem_shared>>) offsets(%dma_start3A_303 : memref<128xi32, #tpu.memory_space<vmem>>) semaphore(%run_scoped3A_300 : memref<!tpu.dma_semaphore, #tpu.memory_space<semaphore_mem>>) {add = true}
        %dma_wait3A_307 = arith.constant 0 : i32
        %dma_wait3A_308 = tpu.memref_slice %arg8[%run_scoped3A_269, %dma_wait3A_307] : memref<16x128xi32, #tpu.memory_space<vmem>> -> memref<1x128xi32, #tpu.memory_space<vmem>>
        %dma_wait3A_309 = tpu.memref_squeeze %dma_wait3A_308 : memref<1x128xi32, #tpu.memory_space<vmem>> -> memref<128xi32, #tpu.memory_space<vmem>>
        %dma_wait3A_310 = arith.constant 0 : i32
        %dma_wait3A_311 = arith.constant 0 : i32
        %dma_wait3A_312 = tpu.memref_slice %arg6[%dma_wait3A_310, %dma_wait3A_311] : memref<10240x128xf32, #tpu.memory_space<vmem_shared>> -> memref<10240x128xf32, #tpu.memory_space<vmem_shared>>
        tpu.wait_indirect_dma semaphore(%run_scoped3A_300 : memref<!tpu.dma_semaphore, #tpu.memory_space<semaphore_mem>>) src(%arg9 : memref<128x128xf32, #tpu.memory_space<vmem>>) dst(%dma_wait3A_312 : memref<10240x128xf32, #tpu.memory_space<vmem_shared>>)
        tpu.yield
      }) : () -> ()
      %dma_start3A_270 = arith.constant 14 : i32
      %dma_start3A_271 = arith.constant 0 : i32
      %dma_start3A_272 = tpu.memref_slice %arg7[%dma_start3A_270, %dma_start3A_271] : memref<16x128xi32, #tpu.memory_space<vmem>> -> memref<1x128xi32, #tpu.memory_space<vmem>>
      %dma_start3A_273 = tpu.memref_squeeze %dma_start3A_272 : memref<1x128xi32, #tpu.memory_space<vmem>> -> memref<128xi32, #tpu.memory_space<vmem>>
      %dma_start3A_274 = arith.constant 0 : i32
      %dma_start3A_275 = arith.constant 0 : i32
      %dma_start3A_276 = tpu.memref_slice %arg2[%dma_start3A_274, %dma_start3A_275] : memref<10240x128xf32, #tpu.memory_space<hbm>> -> memref<10240x128xf32, #tpu.memory_space<hbm>>
      tpu.enqueue_indirect_dma source(%dma_start3A_276 : memref<10240x128xf32, #tpu.memory_space<hbm>>) target(%arg9 : memref<128x128xf32, #tpu.memory_space<vmem>>) offsets(%dma_start3A_273 : memref<128xi32, #tpu.memory_space<vmem>>) semaphore(%arg10 : memref<!tpu.dma_semaphore, #tpu.memory_space<semaphore_mem>>)
      %dma_wait3A_277 = arith.constant 14 : i32
      %dma_wait3A_278 = arith.constant 0 : i32
      %dma_wait3A_279 = tpu.memref_slice %arg7[%dma_wait3A_277, %dma_wait3A_278] : memref<16x128xi32, #tpu.memory_space<vmem>> -> memref<1x128xi32, #tpu.memory_space<vmem>>
      %dma_wait3A_280 = tpu.memref_squeeze %dma_wait3A_279 : memref<1x128xi32, #tpu.memory_space<vmem>> -> memref<128xi32, #tpu.memory_space<vmem>>
      %dma_wait3A_281 = arith.constant 0 : i32
      %dma_wait3A_282 = arith.constant 0 : i32
      %dma_wait3A_283 = tpu.memref_slice %arg2[%dma_wait3A_281, %dma_wait3A_282] : memref<10240x128xf32, #tpu.memory_space<hbm>> -> memref<10240x128xf32, #tpu.memory_space<hbm>>
      tpu.wait_indirect_dma semaphore(%arg10 : memref<!tpu.dma_semaphore, #tpu.memory_space<semaphore_mem>>) src(%dma_wait3A_283 : memref<10240x128xf32, #tpu.memory_space<hbm>>) dst(%arg9 : memref<128x128xf32, #tpu.memory_space<vmem>>)
      %run_scoped3A_284 = arith.constant 14 : i32
      "tpu.region"() ({
        %run_scoped3A_300 = tpu.sem_alloc : memref<!tpu.dma_semaphore, #tpu.memory_space<semaphore_mem>>
        %dma_start3A_301 = arith.constant 0 : i32
        %dma_start3A_302 = tpu.memref_slice %arg8[%run_scoped3A_284, %dma_start3A_301] : memref<16x128xi32, #tpu.memory_space<vmem>> -> memref<1x128xi32, #tpu.memory_space<vmem>>
        %dma_start3A_303 = tpu.memref_squeeze %dma_start3A_302 : memref<1x128xi32, #tpu.memory_space<vmem>> -> memref<128xi32, #tpu.memory_space<vmem>>
        %dma_start3A_304 = arith.constant 0 : i32
        %dma_start3A_305 = arith.constant 0 : i32
        %dma_start3A_306 = tpu.memref_slice %arg6[%dma_start3A_304, %dma_start3A_305] : memref<10240x128xf32, #tpu.memory_space<vmem_shared>> -> memref<10240x128xf32, #tpu.memory_space<vmem_shared>>
        tpu.enqueue_indirect_dma source(%arg9 : memref<128x128xf32, #tpu.memory_space<vmem>>) target(%dma_start3A_306 : memref<10240x128xf32, #tpu.memory_space<vmem_shared>>) offsets(%dma_start3A_303 : memref<128xi32, #tpu.memory_space<vmem>>) semaphore(%run_scoped3A_300 : memref<!tpu.dma_semaphore, #tpu.memory_space<semaphore_mem>>) {add = true}
        %dma_wait3A_307 = arith.constant 0 : i32
        %dma_wait3A_308 = tpu.memref_slice %arg8[%run_scoped3A_284, %dma_wait3A_307] : memref<16x128xi32, #tpu.memory_space<vmem>> -> memref<1x128xi32, #tpu.memory_space<vmem>>
        %dma_wait3A_309 = tpu.memref_squeeze %dma_wait3A_308 : memref<1x128xi32, #tpu.memory_space<vmem>> -> memref<128xi32, #tpu.memory_space<vmem>>
        %dma_wait3A_310 = arith.constant 0 : i32
        %dma_wait3A_311 = arith.constant 0 : i32
        %dma_wait3A_312 = tpu.memref_slice %arg6[%dma_wait3A_310, %dma_wait3A_311] : memref<10240x128xf32, #tpu.memory_space<vmem_shared>> -> memref<10240x128xf32, #tpu.memory_space<vmem_shared>>
        tpu.wait_indirect_dma semaphore(%run_scoped3A_300 : memref<!tpu.dma_semaphore, #tpu.memory_space<semaphore_mem>>) src(%arg9 : memref<128x128xf32, #tpu.memory_space<vmem>>) dst(%dma_wait3A_312 : memref<10240x128xf32, #tpu.memory_space<vmem_shared>>)
        tpu.yield
      }) : () -> ()
      %dma_start3A_285 = arith.constant 15 : i32
      %dma_start3A_286 = arith.constant 0 : i32
      %dma_start3A_287 = tpu.memref_slice %arg7[%dma_start3A_285, %dma_start3A_286] : memref<16x128xi32, #tpu.memory_space<vmem>> -> memref<1x128xi32, #tpu.memory_space<vmem>>
      %dma_start3A_288 = tpu.memref_squeeze %dma_start3A_287 : memref<1x128xi32, #tpu.memory_space<vmem>> -> memref<128xi32, #tpu.memory_space<vmem>>
      %dma_start3A_289 = arith.constant 0 : i32
      %dma_start3A_290 = arith.constant 0 : i32
      %dma_start3A_291 = tpu.memref_slice %arg2[%dma_start3A_289, %dma_start3A_290] : memref<10240x128xf32, #tpu.memory_space<hbm>> -> memref<10240x128xf32, #tpu.memory_space<hbm>>
      tpu.enqueue_indirect_dma source(%dma_start3A_291 : memref<10240x128xf32, #tpu.memory_space<hbm>>) target(%arg9 : memref<128x128xf32, #tpu.memory_space<vmem>>) offsets(%dma_start3A_288 : memref<128xi32, #tpu.memory_space<vmem>>) semaphore(%arg10 : memref<!tpu.dma_semaphore, #tpu.memory_space<semaphore_mem>>)
      %dma_wait3A_292 = arith.constant 15 : i32
      %dma_wait3A_293 = arith.constant 0 : i32
      %dma_wait3A_294 = tpu.memref_slice %arg7[%dma_wait3A_292, %dma_wait3A_293] : memref<16x128xi32, #tpu.memory_space<vmem>> -> memref<1x128xi32, #tpu.memory_space<vmem>>
      %dma_wait3A_295 = tpu.memref_squeeze %dma_wait3A_294 : memref<1x128xi32, #tpu.memory_space<vmem>> -> memref<128xi32, #tpu.memory_space<vmem>>
      %dma_wait3A_296 = arith.constant 0 : i32
      %dma_wait3A_297 = arith.constant 0 : i32
      %dma_wait3A_298 = tpu.memref_slice %arg2[%dma_wait3A_296, %dma_wait3A_297] : memref<10240x128xf32, #tpu.memory_space<hbm>> -> memref<10240x128xf32, #tpu.memory_space<hbm>>
      tpu.wait_indirect_dma semaphore(%arg10 : memref<!tpu.dma_semaphore, #tpu.memory_space<semaphore_mem>>) src(%dma_wait3A_298 : memref<10240x128xf32, #tpu.memory_space<hbm>>) dst(%arg9 : memref<128x128xf32, #tpu.memory_space<vmem>>)
      %run_scoped3A_299 = arith.constant 15 : i32
      "tpu.region"() ({
        %run_scoped3A_300 = tpu.sem_alloc : memref<!tpu.dma_semaphore, #tpu.memory_space<semaphore_mem>>
        %dma_start3A_301 = arith.constant 0 : i32
        %dma_start3A_302 = tpu.memref_slice %arg8[%run_scoped3A_299, %dma_start3A_301] : memref<16x128xi32, #tpu.memory_space<vmem>> -> memref<1x128xi32, #tpu.memory_space<vmem>>
        %dma_start3A_303 = tpu.memref_squeeze %dma_start3A_302 : memref<1x128xi32, #tpu.memory_space<vmem>> -> memref<128xi32, #tpu.memory_space<vmem>>
        %dma_start3A_304 = arith.constant 0 : i32
        %dma_start3A_305 = arith.constant 0 : i32
        %dma_start3A_306 = tpu.memref_slice %arg6[%dma_start3A_304, %dma_start3A_305] : memref<10240x128xf32, #tpu.memory_space<vmem_shared>> -> memref<10240x128xf32, #tpu.memory_space<vmem_shared>>
        tpu.enqueue_indirect_dma source(%arg9 : memref<128x128xf32, #tpu.memory_space<vmem>>) target(%dma_start3A_306 : memref<10240x128xf32, #tpu.memory_space<vmem_shared>>) offsets(%dma_start3A_303 : memref<128xi32, #tpu.memory_space<vmem>>) semaphore(%run_scoped3A_300 : memref<!tpu.dma_semaphore, #tpu.memory_space<semaphore_mem>>) {add = true}
        %dma_wait3A_307 = arith.constant 0 : i32
        %dma_wait3A_308 = tpu.memref_slice %arg8[%run_scoped3A_299, %dma_wait3A_307] : memref<16x128xi32, #tpu.memory_space<vmem>> -> memref<1x128xi32, #tpu.memory_space<vmem>>
        %dma_wait3A_309 = tpu.memref_squeeze %dma_wait3A_308 : memref<1x128xi32, #tpu.memory_space<vmem>> -> memref<128xi32, #tpu.memory_space<vmem>>
        %dma_wait3A_310 = arith.constant 0 : i32
        %dma_wait3A_311 = arith.constant 0 : i32
        %dma_wait3A_312 = tpu.memref_slice %arg6[%dma_wait3A_310, %dma_wait3A_311] : memref<10240x128xf32, #tpu.memory_space<vmem_shared>> -> memref<10240x128xf32, #tpu.memory_space<vmem_shared>>
        tpu.wait_indirect_dma semaphore(%run_scoped3A_300 : memref<!tpu.dma_semaphore, #tpu.memory_space<semaphore_mem>>) src(%arg9 : memref<128x128xf32, #tpu.memory_space<vmem>>) dst(%dma_wait3A_312 : memref<10240x128xf32, #tpu.memory_space<vmem_shared>>)
        tpu.yield
      }) : () -> ()
    }
    %barrier3A_54 = arith.constant 0 : index
    tpu.barrier barrier_id(%barrier3A_54)
    %mul3A_55 = arith.constant 640 : i32
    %mul3A_56 = arith.muli %arg1, %mul3A_55 : i32
    "tpu.region"() ({
      %run_scoped3A = tpu.sem_alloc : memref<!tpu.dma_semaphore, #tpu.memory_space<semaphore_mem>>
      %dma_start3A = arith.constant 0 : i32
      %dma_start3A_57 = tpu.memref_slice %arg5[%arg0, %mul3A_56, %dma_start3A] : memref<2x10240x128xf32, #tpu.memory_space<hbm>> -> memref<1x640x128xf32, #tpu.memory_space<hbm>>
      %dma_start3A_58 = tpu.memref_squeeze %dma_start3A_57 : memref<1x640x128xf32, #tpu.memory_space<hbm>> -> memref<640x128xf32, #tpu.memory_space<hbm>>
      %dma_start3A_59 = arith.constant 0 : i32
      %dma_start3A_60 = tpu.memref_slice %arg6[%mul3A_56, %dma_start3A_59] : memref<10240x128xf32, #tpu.memory_space<vmem_shared>> -> memref<640x128xf32, #tpu.memory_space<vmem_shared>>
      tpu.enqueue_dma source(%dma_start3A_60 : memref<640x128xf32, #tpu.memory_space<vmem_shared>>) target(%dma_start3A_58 : memref<640x128xf32, #tpu.memory_space<hbm>>) target_semaphore(%run_scoped3A : memref<!tpu.dma_semaphore, #tpu.memory_space<semaphore_mem>>)
      %dma_wait3A = arith.constant 0 : i32
      %dma_wait3A_61 = tpu.memref_slice %arg5[%arg0, %mul3A_56, %dma_wait3A] : memref<2x10240x128xf32, #tpu.memory_space<hbm>> -> memref<1x640x128xf32, #tpu.memory_space<hbm>>
      %dma_wait3A_62 = tpu.memref_squeeze %dma_wait3A_61 : memref<1x640x128xf32, #tpu.memory_space<hbm>> -> memref<640x128xf32, #tpu.memory_space<hbm>>
      %dma_wait3A_63 = arith.constant 0 : i32
      %dma_wait3A_64 = tpu.memref_slice %arg6[%mul3A_56, %dma_wait3A_63] : memref<10240x128xf32, #tpu.memory_space<vmem_shared>> -> memref<640x128xf32, #tpu.memory_space<vmem_shared>>
      tpu.wait_dma2 semaphore(%run_scoped3A : memref<!tpu.dma_semaphore, #tpu.memory_space<semaphore_mem>>) src(%dma_wait3A_64 : memref<640x128xf32, #tpu.memory_space<vmem_shared>>) dst(%dma_wait3A_62 : memref<640x128xf32, #tpu.memory_space<hbm>>)
      tpu.yield
    }) : () -> ()
    return
  }
}

#map = affine_map<(d0, d1) -> (0)>
#map1 = affine_map<(d0, d1) -> (0, 0, 0)>
module attributes {stable_mosaic.version = 14 : i64} {
  func.func @_deg_body(%arg0: i32, %arg1: i32, %arg2: memref<327680xi32, #tpu.memory_space<hbm>>, %arg3: memref<327680xi32, #tpu.memory_space<hbm>>, %arg4: memref<2x32x10240xf32, #tpu.memory_space<hbm>>, %arg5: memref<10240xf32, #tpu.memory_space<vmem>>, %arg6: memref<10240xf32, #tpu.memory_space<vmem>>, %arg7: memref<2048xi32, #tpu.memory_space<vmem>>) attributes {dimension_semantics = [#tpu.dimension_semantics<core_parallel>, #tpu.dimension_semantics<subcore_parallel>], iteration_bounds = array<i64: 2, 16>, scalar_prefetch = 0 : i64, scratch_operands = 3 : i64, tpu.core_type = #tpu.core_type<sc_vector_subcore>, window_params = [{transform_indices = #map}, {transform_indices = #map}, {transform_indices = #map1}]} {
    %mul3A = arith.constant 16 : i32
    %mul3A_0 = arith.muli %arg0, %mul3A : i32
    %add3A = arith.addi %mul3A_0, %arg1 : i32
    %mul3A_1 = arith.constant 10240 : i32
    %mul3A_2 = arith.muli %add3A, %mul3A_1 : i32
    %broadcast_in_dim3A = arith.constant 1.000000e+00 : f32
    %broadcast_in_dim3A_3 = vector.broadcast %broadcast_in_dim3A : f32 to vector<16xf32>
    %broadcast_in_dim3A_4 = arith.constant 0.000000e+00 : f32
    %broadcast_in_dim3A_5 = vector.broadcast %broadcast_in_dim3A_4 : f32 to vector<16xf32>
    %scan3A = arith.constant 0 : i32
    %scan3A_6 = arith.constant 640 : i32
    %scan3A_7 = arith.addi %scan3A, %scan3A_6 : i32
    %scan3A_8 = arith.constant 1 : i32
    scf.for %scan3A_16 = %scan3A to %scan3A_7 step %scan3A_8  : i32 {
      %mul3A_17 = arith.constant 1 : i32
      %mul3A_18 = arith.muli %scan3A_16, %mul3A_17 : i32
      %add3A_19 = arith.constant 0 : i32
      %add3A_20 = arith.addi %add3A_19, %mul3A_18 : i32
      %mul3A_21 = arith.constant 16 : i32
      %mul3A_22 = arith.muli %add3A_20, %mul3A_21 : i32
      %swap3A = arith.index_cast %mul3A_22 : i32 to index
      %swap3A_23 = tpu.vector_load %arg5[%swap3A] {strides = array<i32>} : memref<10240xf32, #tpu.memory_space<vmem>>, vector<16xf32>,
      tpu.vector_store %arg5[%swap3A], %broadcast_in_dim3A_5 {strides = array<i32>} : memref<10240xf32, #tpu.memory_space<vmem>>, vector<16xf32>,
      %mul3A_24 = arith.constant 16 : i32
      %mul3A_25 = arith.muli %add3A_20, %mul3A_24 : i32
      %swap3A_26 = arith.index_cast %mul3A_25 : i32 to index
      %swap3A_27 = tpu.vector_load %arg6[%swap3A_26] {strides = array<i32>} : memref<10240xf32, #tpu.memory_space<vmem>>, vector<16xf32>,
      tpu.vector_store %arg6[%swap3A_26], %broadcast_in_dim3A_5 {strides = array<i32>} : memref<10240xf32, #tpu.memory_space<vmem>>, vector<16xf32>,
    }
    %scan3A_9 = arith.constant 640 : i32
    %scan3A_10 = arith.constant 0 : i32
    %scan3A_11 = arith.constant 5 : i32
    %scan3A_12 = arith.addi %scan3A_10, %scan3A_11 : i32
    %scan3A_13 = arith.constant 1 : i32
    scf.for %scan3A_16 = %scan3A_10 to %scan3A_12 step %scan3A_13  : i32 {
      %mul3A_17 = arith.constant 1 : i32
      %mul3A_18 = arith.muli %scan3A_16, %mul3A_17 : i32
      %add3A_19 = arith.constant 0 : i32
      %add3A_20 = arith.addi %add3A_19, %mul3A_18 : i32
      %mul3A_21 = arith.constant 2048 : i32
      %mul3A_22 = arith.muli %add3A_20, %mul3A_21 : i32
      %add3A_23 = arith.addi %mul3A_2, %mul3A_22 : i32
      "tpu.region"() ({
        %run_scoped3A_34 = tpu.sem_alloc : memref<!tpu.dma_semaphore, #tpu.memory_space<semaphore_mem>>
        %dma_start3A = tpu.memref_slice %arg2[%add3A_23] : memref<327680xi32, #tpu.memory_space<hbm>> -> memref<2048xi32, #tpu.memory_space<hbm>>
        %dma_start3A_35 = tpu.memref_slice %arg2[%add3A_23] : memref<327680xi32, #tpu.memory_space<hbm>> -> memref<2048xi32, #tpu.memory_space<hbm>>
        tpu.enqueue_dma source(%dma_start3A_35 : memref<2048xi32, #tpu.memory_space<hbm>>) target(%arg7 : memref<2048xi32, #tpu.memory_space<vmem>>) target_semaphore(%run_scoped3A_34 : memref<!tpu.dma_semaphore, #tpu.memory_space<semaphore_mem>>)
        %dma_wait3A = tpu.memref_slice %arg2[%add3A_23] : memref<327680xi32, #tpu.memory_space<hbm>> -> memref<2048xi32, #tpu.memory_space<hbm>>
        %dma_wait3A_36 = tpu.memref_slice %arg2[%add3A_23] : memref<327680xi32, #tpu.memory_space<hbm>> -> memref<2048xi32, #tpu.memory_space<hbm>>
        tpu.wait_dma2 semaphore(%run_scoped3A_34 : memref<!tpu.dma_semaphore, #tpu.memory_space<semaphore_mem>>) src(%dma_wait3A_36 : memref<2048xi32, #tpu.memory_space<hbm>>) dst(%arg7 : memref<2048xi32, #tpu.memory_space<vmem>>)
        tpu.yield
      }) : () -> ()
      %scan3A_24 = arith.constant 0 : i32
      %scan3A_25 = arith.constant 128 : i32
      %scan3A_26 = arith.addi %scan3A_24, %scan3A_25 : i32
      %scan3A_27 = arith.constant 1 : i32
      scf.for %scan3A_34 = %scan3A_24 to %scan3A_26 step %scan3A_27  : i32 {
        %mul3A_35 = arith.constant 1 : i32
        %mul3A_36 = arith.muli %scan3A_34, %mul3A_35 : i32
        %add3A_37 = arith.constant 0 : i32
        %add3A_38 = arith.addi %add3A_37, %mul3A_36 : i32
        %mul3A_39 = arith.constant 16 : i32
        %mul3A_40 = arith.muli %add3A_38, %mul3A_39 : i32
        %get3A = arith.index_cast %mul3A_40 : i32 to index
        %get3A_41 = tpu.vector_load %arg7[%get3A] {strides = array<i32>} : memref<2048xi32, #tpu.memory_space<vmem>>, vector<16xi32>,
        tpu.vector_store_idx %arg5[%get3A_41], %broadcast_in_dim3A_3 {add = true} : memref<10240xf32, #tpu.memory_space<vmem>>[vector<16xi32>], vector<16xf32>,
      }
      %scan3A_28 = arith.constant 128 : i32
      "tpu.region"() ({
        %run_scoped3A_34 = tpu.sem_alloc : memref<!tpu.dma_semaphore, #tpu.memory_space<semaphore_mem>>
        %dma_start3A = tpu.memref_slice %arg3[%add3A_23] : memref<327680xi32, #tpu.memory_space<hbm>> -> memref<2048xi32, #tpu.memory_space<hbm>>
        %dma_start3A_35 = tpu.memref_slice %arg3[%add3A_23] : memref<327680xi32, #tpu.memory_space<hbm>> -> memref<2048xi32, #tpu.memory_space<hbm>>
        tpu.enqueue_dma source(%dma_start3A_35 : memref<2048xi32, #tpu.memory_space<hbm>>) target(%arg7 : memref<2048xi32, #tpu.memory_space<vmem>>) target_semaphore(%run_scoped3A_34 : memref<!tpu.dma_semaphore, #tpu.memory_space<semaphore_mem>>)
        %dma_wait3A = tpu.memref_slice %arg3[%add3A_23] : memref<327680xi32, #tpu.memory_space<hbm>> -> memref<2048xi32, #tpu.memory_space<hbm>>
        %dma_wait3A_36 = tpu.memref_slice %arg3[%add3A_23] : memref<327680xi32, #tpu.memory_space<hbm>> -> memref<2048xi32, #tpu.memory_space<hbm>>
        tpu.wait_dma2 semaphore(%run_scoped3A_34 : memref<!tpu.dma_semaphore, #tpu.memory_space<semaphore_mem>>) src(%dma_wait3A_36 : memref<2048xi32, #tpu.memory_space<hbm>>) dst(%arg7 : memref<2048xi32, #tpu.memory_space<vmem>>)
        tpu.yield
      }) : () -> ()
      %scan3A_29 = arith.constant 0 : i32
      %scan3A_30 = arith.constant 128 : i32
      %scan3A_31 = arith.addi %scan3A_29, %scan3A_30 : i32
      %scan3A_32 = arith.constant 1 : i32
      scf.for %scan3A_34 = %scan3A_29 to %scan3A_31 step %scan3A_32  : i32 {
        %mul3A_35 = arith.constant 1 : i32
        %mul3A_36 = arith.muli %scan3A_34, %mul3A_35 : i32
        %add3A_37 = arith.constant 0 : i32
        %add3A_38 = arith.addi %add3A_37, %mul3A_36 : i32
        %mul3A_39 = arith.constant 16 : i32
        %mul3A_40 = arith.muli %add3A_38, %mul3A_39 : i32
        %get3A = arith.index_cast %mul3A_40 : i32 to index
        %get3A_41 = tpu.vector_load %arg7[%get3A] {strides = array<i32>} : memref<2048xi32, #tpu.memory_space<vmem>>, vector<16xi32>,
        tpu.vector_store_idx %arg6[%get3A_41], %broadcast_in_dim3A_3 {add = true} : memref<10240xf32, #tpu.memory_space<vmem>>[vector<16xi32>], vector<16xf32>,
      }
      %scan3A_33 = arith.constant 128 : i32
    }
    %scan3A_14 = arith.constant 5 : i32
    %run_scoped3A = arith.constant 0 : i32
    "tpu.region"() ({
      %run_scoped3A_16 = tpu.sem_alloc : memref<!tpu.dma_semaphore, #tpu.memory_space<semaphore_mem>>
      %dma_start3A = arith.constant 0 : i32
      %dma_start3A_17 = tpu.memref_slice %arg4[%run_scoped3A, %add3A, %dma_start3A] : memref<2x32x10240xf32, #tpu.memory_space<hbm>> -> memref<1x1x10240xf32, #tpu.memory_space<hbm>>
      %dma_start3A_18 = tpu.memref_squeeze %dma_start3A_17 : memref<1x1x10240xf32, #tpu.memory_space<hbm>> -> memref<10240xf32, #tpu.memory_space<hbm>>
      %dma_start3A_19 = arith.constant 0 : i32
      %dma_start3A_20 = tpu.memref_slice %arg4[%run_scoped3A, %add3A, %dma_start3A_19] : memref<2x32x10240xf32, #tpu.memory_space<hbm>> -> memref<1x1x10240xf32, #tpu.memory_space<hbm>>
      %dma_start3A_21 = tpu.memref_squeeze %dma_start3A_20 : memref<1x1x10240xf32, #tpu.memory_space<hbm>> -> memref<10240xf32, #tpu.memory_space<hbm>>
      tpu.enqueue_dma source(%arg5 : memref<10240xf32, #tpu.memory_space<vmem>>) target(%dma_start3A_21 : memref<10240xf32, #tpu.memory_space<hbm>>) target_semaphore(%run_scoped3A_16 : memref<!tpu.dma_semaphore, #tpu.memory_space<semaphore_mem>>)
      %dma_wait3A = arith.constant 0 : i32
      %dma_wait3A_22 = tpu.memref_slice %arg4[%run_scoped3A, %add3A, %dma_wait3A] : memref<2x32x10240xf32, #tpu.memory_space<hbm>> -> memref<1x1x10240xf32, #tpu.memory_space<hbm>>
      %dma_wait3A_23 = tpu.memref_squeeze %dma_wait3A_22 : memref<1x1x10240xf32, #tpu.memory_space<hbm>> -> memref<10240xf32, #tpu.memory_space<hbm>>
      %dma_wait3A_24 = arith.constant 0 : i32
      %dma_wait3A_25 = tpu.memref_slice %arg4[%run_scoped3A, %add3A, %dma_wait3A_24] : memref<2x32x10240xf32, #tpu.memory_space<hbm>> -> memref<1x1x10240xf32, #tpu.memory_space<hbm>>
      %dma_wait3A_26 = tpu.memref_squeeze %dma_wait3A_25 : memref<1x1x10240xf32, #tpu.memory_space<hbm>> -> memref<10240xf32, #tpu.memory_space<hbm>>
      tpu.wait_dma2 semaphore(%run_scoped3A_16 : memref<!tpu.dma_semaphore, #tpu.memory_space<semaphore_mem>>) src(%arg5 : memref<10240xf32, #tpu.memory_space<vmem>>) dst(%dma_wait3A_26 : memref<10240xf32, #tpu.memory_space<hbm>>)
      tpu.yield
    }) : () -> ()
    %run_scoped3A_15 = arith.constant 1 : i32
    "tpu.region"() ({
      %run_scoped3A_16 = tpu.sem_alloc : memref<!tpu.dma_semaphore, #tpu.memory_space<semaphore_mem>>
      %dma_start3A = arith.constant 0 : i32
      %dma_start3A_17 = tpu.memref_slice %arg4[%run_scoped3A_15, %add3A, %dma_start3A] : memref<2x32x10240xf32, #tpu.memory_space<hbm>> -> memref<1x1x10240xf32, #tpu.memory_space<hbm>>
      %dma_start3A_18 = tpu.memref_squeeze %dma_start3A_17 : memref<1x1x10240xf32, #tpu.memory_space<hbm>> -> memref<10240xf32, #tpu.memory_space<hbm>>
      %dma_start3A_19 = arith.constant 0 : i32
      %dma_start3A_20 = tpu.memref_slice %arg4[%run_scoped3A_15, %add3A, %dma_start3A_19] : memref<2x32x10240xf32, #tpu.memory_space<hbm>> -> memref<1x1x10240xf32, #tpu.memory_space<hbm>>
      %dma_start3A_21 = tpu.memref_squeeze %dma_start3A_20 : memref<1x1x10240xf32, #tpu.memory_space<hbm>> -> memref<10240xf32, #tpu.memory_space<hbm>>
      tpu.enqueue_dma source(%arg6 : memref<10240xf32, #tpu.memory_space<vmem>>) target(%dma_start3A_21 : memref<10240xf32, #tpu.memory_space<hbm>>) target_semaphore(%run_scoped3A_16 : memref<!tpu.dma_semaphore, #tpu.memory_space<semaphore_mem>>)
      %dma_wait3A = arith.constant 0 : i32
      %dma_wait3A_22 = tpu.memref_slice %arg4[%run_scoped3A_15, %add3A, %dma_wait3A] : memref<2x32x10240xf32, #tpu.memory_space<hbm>> -> memref<1x1x10240xf32, #tpu.memory_space<hbm>>
      %dma_wait3A_23 = tpu.memref_squeeze %dma_wait3A_22 : memref<1x1x10240xf32, #tpu.memory_space<hbm>> -> memref<10240xf32, #tpu.memory_space<hbm>>
      %dma_wait3A_24 = arith.constant 0 : i32
      %dma_wait3A_25 = tpu.memref_slice %arg4[%run_scoped3A_15, %add3A, %dma_wait3A_24] : memref<2x32x10240xf32, #tpu.memory_space<hbm>> -> memref<1x1x10240xf32, #tpu.memory_space<hbm>>
      %dma_wait3A_26 = tpu.memref_squeeze %dma_wait3A_25 : memref<1x1x10240xf32, #tpu.memory_space<hbm>> -> memref<10240xf32, #tpu.memory_space<hbm>>
      tpu.wait_dma2 semaphore(%run_scoped3A_16 : memref<!tpu.dma_semaphore, #tpu.memory_space<semaphore_mem>>) src(%arg6 : memref<10240xf32, #tpu.memory_space<vmem>>) dst(%dma_wait3A_26 : memref<10240xf32, #tpu.memory_space<hbm>>)
      tpu.yield
    }) : () -> ()
    return
  }
}

module attributes {stable_mosaic.version = 14 : i64} {
  func.func @_prep_body(%arg0: i32, %arg1: memref<2x32x1024xf32, #tpu.memory_space<vmem>>, %arg2: memref<1024x8xf32, #tpu.memory_space<vmem>>, %arg3: memref<1024x8xf32, #tpu.memory_space<vmem>>) attributes {dimension_semantics = [#tpu.dimension_semantics<arbitrary>], iteration_bounds = array<i64: 10>, scalar_prefetch = 0 : i64, scratch_operands = 0 : i64, tpu.core_type = #tpu.core_type<tc>, window_params = [{transform_indices = @transform_0, window_bounds = array<i64: 2, 32, 1024>}, {transform_indices = @transform_1, window_bounds = array<i64: 1024, 8>}, {transform_indices = @transform_2, window_bounds = array<i64: 1024, 8>}]} {
    %get3A = arith.constant 0 : index
    %get3A_0 = arith.constant 0 : index
    %get3A_1 = arith.constant 0 : index
    %get3A_2 = vector.load %arg1[%get3A, %get3A_0, %get3A_1] : memref<2x32x1024xf32, #tpu.memory_space<vmem>>, vector<2x32x1024xf32>
    %slice3A = vector.extract_strided_slice %get3A_2 {offsets = [0, 0, 0], sizes = [1, 32, 1024], strides = [1, 1, 1]} : vector<2x32x1024xf32> to vector<1x32x1024xf32>
    %squeeze3A = vector.shape_cast %slice3A : vector<1x32x1024xf32> to vector<32x1024xf32>
    %reduce_sum3A = arith.constant dense<0.000000e+00> : vector<1024xf32>
    %reduce_sum3A_3 = vector.multi_reduction <add>, %squeeze3A, %reduce_sum3A [0] : vector<32x1024xf32> to vector<1024xf32>
    %broadcast_in_dim3A = vector.shape_cast %reduce_sum3A_3 : vector<1024xf32> to vector<1x1024xf32>
    %max3A = arith.constant 1.000000e+00 : f32
    %max3A_4 = vector.broadcast %max3A : f32 to vector<1x1024xf32>
    %max3A_5 = arith.maximumf %broadcast_in_dim3A, %max3A_4 : vector<1x1024xf32>
    %slice3A_6 = vector.extract_strided_slice %get3A_2 {offsets = [1, 0, 0], sizes = [1, 32, 1024], strides = [1, 1, 1]} : vector<2x32x1024xf32> to vector<1x32x1024xf32>
    %squeeze3A_7 = vector.shape_cast %slice3A_6 : vector<1x32x1024xf32> to vector<32x1024xf32>
    %reduce_sum3A_8 = arith.constant dense<0.000000e+00> : vector<1024xf32>
    %reduce_sum3A_9 = vector.multi_reduction <add>, %squeeze3A_7, %reduce_sum3A_8 [0] : vector<32x1024xf32> to vector<1024xf32>
    %broadcast_in_dim3A_10 = vector.shape_cast %reduce_sum3A_9 : vector<1024xf32> to vector<1x1024xf32>
    %max3A_11 = arith.constant 1.000000e+00 : f32
    %max3A_12 = vector.broadcast %max3A_11 : f32 to vector<1x1024xf32>
    %max3A_13 = arith.maximumf %broadcast_in_dim3A_10, %max3A_12 : vector<1x1024xf32>
    %broadcast_in_dim3A_14 = vector.shape_cast %max3A_5 : vector<1x1024xf32> to vector<1x1024xf32>
    %broadcast_in_dim3A_15 = vector.broadcast %broadcast_in_dim3A_14 : vector<1x1024xf32> to vector<8x1024xf32>
    %rsqrt3A = math.rsqrt %broadcast_in_dim3A_15 : vector<8x1024xf32>
    %broadcast_in_dim3A_16 = vector.shape_cast %max3A_13 : vector<1x1024xf32> to vector<1x1024xf32>
    %broadcast_in_dim3A_17 = vector.broadcast %broadcast_in_dim3A_16 : vector<1x1024xf32> to vector<8x1024xf32>
    %rsqrt3A_18 = math.rsqrt %broadcast_in_dim3A_17 : vector<8x1024xf32>
    %transpose3A = tpu.transpose %rsqrt3A, [1, 0] : vector<8x1024xf32> -> vector<1024x8xf32>
    %swap3A = arith.constant 0 : index
    %swap3A_19 = arith.constant 0 : index
    %swap3A_20 = vector.load %arg2[%swap3A, %swap3A_19] : memref<1024x8xf32, #tpu.memory_space<vmem>>, vector<1024x8xf32>
    tpu.vector_store %arg2[%swap3A, %swap3A_19], %transpose3A {strides = array<i32>} : memref<1024x8xf32, #tpu.memory_space<vmem>>, vector<1024x8xf32>,
    %transpose3A_21 = tpu.transpose %rsqrt3A_18, [1, 0] : vector<8x1024xf32> -> vector<1024x8xf32>
    %swap3A_22 = arith.constant 0 : index
    %swap3A_23 = arith.constant 0 : index
    %swap3A_24 = vector.load %arg3[%swap3A_22, %swap3A_23] : memref<1024x8xf32, #tpu.memory_space<vmem>>, vector<1024x8xf32>
    tpu.vector_store %arg3[%swap3A_22, %swap3A_23], %transpose3A_21 {strides = array<i32>} : memref<1024x8xf32, #tpu.memory_space<vmem>>, vector<1024x8xf32>,
    return
  }
  func.func @transform_0(%arg0: i32) -> (i32, i32, i32) {
    %c0_i32 = arith.constant 0 : i32
    %c0_i32_0 = arith.constant 0 : i32
    %c0_i32_1 = arith.constant 0 : i32
    return %c0_i32, %c0_i32_0, %arg0 : i32, i32, i32
  }
  func.func @transform_1(%arg0: i32) -> (i32, i32) {
    %c0_i32 = arith.constant 0 : i32
    %c0_i32_0 = arith.constant 0 : i32
    return %arg0, %c0_i32 : i32, i32
  }
  func.func @transform_2(%arg0: i32) -> (i32, i32) {
    %c0_i32 = arith.constant 0 : i32
    %c0_i32_0 = arith.constant 0 : i32
    return %arg0, %c0_i32 : i32, i32
  }
}

module attributes {stable_mosaic.version = 14 : i64} {
  func.func @_scale_body(%arg0: i32, %arg1: memref<1024x128xf32, #tpu.memory_space<vmem>>, %arg2: memref<1024x8xf32, #tpu.memory_space<vmem>>, %arg3: memref<1024x128xf32, #tpu.memory_space<vmem>>) attributes {dimension_semantics = [#tpu.dimension_semantics<arbitrary>], iteration_bounds = array<i64: 10>, scalar_prefetch = 0 : i64, scratch_operands = 0 : i64, tpu.core_type = #tpu.core_type<tc>, window_params = [{transform_indices = @transform_0, window_bounds = array<i64: 1024, 128>}, {transform_indices = @transform_1, window_bounds = array<i64: 1024, 8>}, {transform_indices = @transform_2, window_bounds = array<i64: 1024, 128>}]} {
    %get3A = arith.constant 0 : index
    %get3A_0 = arith.constant 0 : index
    %get3A_1 = vector.load %arg1[%get3A, %get3A_0] : memref<1024x128xf32, #tpu.memory_space<vmem>>, vector<1024x128xf32>
    %get3A_2 = arith.constant 0 : index
    %get3A_3 = arith.constant 0 : index
    %get3A_4 = vector.load %arg2[%get3A_2, %get3A_3] : memref<1024x8xf32, #tpu.memory_space<vmem>>, vector<1024x1xf32>
    %mul3A = vector.broadcast %get3A_4 : vector<1024x1xf32> to vector<1024x128xf32>
    %mul3A_5 = arith.mulf %get3A_1, %mul3A : vector<1024x128xf32>
    %swap3A = arith.constant 0 : index
    %swap3A_6 = arith.constant 0 : index
    %swap3A_7 = vector.load %arg3[%swap3A, %swap3A_6] : memref<1024x128xf32, #tpu.memory_space<vmem>>, vector<1024x128xf32>
    tpu.vector_store %arg3[%swap3A, %swap3A_6], %mul3A_5 {strides = array<i32>} : memref<1024x128xf32, #tpu.memory_space<vmem>>, vector<1024x128xf32>,
    return
  }
  func.func @transform_0(%arg0: i32) -> (i32, i32) {
    %c0_i32 = arith.constant 0 : i32
    %c0_i32_0 = arith.constant 0 : i32
    return %arg0, %c0_i32 : i32, i32
  }
  func.func @transform_1(%arg0: i32) -> (i32, i32) {
    %c0_i32 = arith.constant 0 : i32
    %c0_i32_0 = arith.constant 0 : i32
    return %arg0, %c0_i32 : i32, i32
  }
  func.func @transform_2(%arg0: i32) -> (i32, i32) {
    %c0_i32 = arith.constant 0 : i32
    %c0_i32_0 = arith.constant 0 : i32
    return %arg0, %c0_i32 : i32, i32
  }
}

module attributes {stable_mosaic.version = 14 : i64} {
  func.func @_final_body(%arg0: i32, %arg1: memref<2x1024x128xf32, #tpu.memory_space<vmem>>, %arg2: memref<1024x8xf32, #tpu.memory_space<vmem>>, %arg3: memref<1024x128xf32, #tpu.memory_space<vmem>>, %arg4: memref<128x128xf32, #tpu.memory_space<vmem>>, %arg5: memref<1x128xf32, #tpu.memory_space<vmem>>, %arg6: memref<1x128xf32, #tpu.memory_space<vmem>>, %arg7: memref<1x128xf32, #tpu.memory_space<vmem>>, %arg8: memref<1024x128xf32, #tpu.memory_space<vmem>>) attributes {dimension_semantics = [#tpu.dimension_semantics<arbitrary>], iteration_bounds = array<i64: 10>, scalar_prefetch = 0 : i64, scratch_operands = 0 : i64, tpu.core_type = #tpu.core_type<tc>, window_params = [{transform_indices = @transform_0, window_bounds = array<i64: 2, 1024, 128>}, {transform_indices = @transform_1, window_bounds = array<i64: 1024, 8>}, {transform_indices = @transform_2, window_bounds = array<i64: 1024, 128>}, {pipeline_mode = #tpu.pipeline_mode<synchronous>, transform_indices = @transform_3, window_bounds = array<i64: 128, 128>}, {pipeline_mode = #tpu.pipeline_mode<synchronous>, transform_indices = @transform_4, window_bounds = array<i64: 1, 128>}, {pipeline_mode = #tpu.pipeline_mode<synchronous>, transform_indices = @transform_5, window_bounds = array<i64: 1, 128>}, {pipeline_mode = #tpu.pipeline_mode<synchronous>, transform_indices = @transform_6, window_bounds = array<i64: 1, 128>}, {transform_indices = @transform_7, window_bounds = array<i64: 1024, 128>}]} {
    %get3A = arith.constant 0 : index
    %get3A_0 = arith.constant 0 : index
    %get3A_1 = arith.constant 0 : index
    %get3A_2 = vector.load %arg1[%get3A, %get3A_0, %get3A_1] : memref<2x1024x128xf32, #tpu.memory_space<vmem>>, vector<1x1024x128xf32>
    %get3A_3 = vector.shape_cast %get3A_2 : vector<1x1024x128xf32> to vector<1024x128xf32>
    %get3A_4 = arith.constant 1 : index
    %get3A_5 = arith.constant 0 : index
    %get3A_6 = arith.constant 0 : index
    %get3A_7 = vector.load %arg1[%get3A_4, %get3A_5, %get3A_6] : memref<2x1024x128xf32, #tpu.memory_space<vmem>>, vector<1x1024x128xf32>
    %get3A_8 = vector.shape_cast %get3A_7 : vector<1x1024x128xf32> to vector<1024x128xf32>
    %add3A = arith.addf %get3A_3, %get3A_8 : vector<1024x128xf32>
    %get3A_9 = arith.constant 0 : index
    %get3A_10 = arith.constant 0 : index
    %get3A_11 = vector.load %arg4[%get3A_9, %get3A_10] : memref<128x128xf32, #tpu.memory_space<vmem>>, vector<128x128xf32>
    %dot_general3A = arith.constant dense<0.000000e+00> : vector<1024x128xf32>
    %dot_general3A_12 = tpu.matmul %add3A, %get3A_11, %dot_general3A {dimension_numbers = #tpu.dot_dimension_numbers<[1], [0], [0], [1], [0, 0, 1, 1], [], []>, transpose_lhs_hint = false} : vector<1024x128xf32>, vector<128x128xf32>, vector<1024x128xf32> -> vector<1024x128xf32>
    %get3A_13 = arith.constant 0 : index
    %get3A_14 = arith.constant 0 : index
    %get3A_15 = vector.load %arg2[%get3A_13, %get3A_14] : memref<1024x8xf32, #tpu.memory_space<vmem>>, vector<1024x1xf32>
    %mul3A = vector.broadcast %get3A_15 : vector<1024x1xf32> to vector<1024x128xf32>
    %mul3A_16 = arith.mulf %dot_general3A_12, %mul3A : vector<1024x128xf32>
    %get3A_17 = arith.constant 0 : index
    %get3A_18 = arith.constant 0 : index
    %get3A_19 = vector.load %arg5[%get3A_17, %get3A_18] : memref<1x128xf32, #tpu.memory_space<vmem>>, vector<1x128xf32>
    %add3A_20 = vector.broadcast %get3A_19 : vector<1x128xf32> to vector<1024x128xf32>
    %add3A_21 = arith.addf %mul3A_16, %add3A_20 : vector<1024x128xf32>
    %get3A_22 = arith.constant 0 : index
    %get3A_23 = arith.constant 0 : index
    %get3A_24 = vector.load %arg3[%get3A_22, %get3A_23] : memref<1024x128xf32, #tpu.memory_space<vmem>>, vector<1024x128xf32>
    %add3A_25 = arith.addf %add3A_21, %get3A_24 : vector<1024x128xf32>
    %get3A_26 = arith.constant 0 : index
    %get3A_27 = arith.constant 0 : index
    %get3A_28 = vector.load %arg6[%get3A_26, %get3A_27] : memref<1x128xf32, #tpu.memory_space<vmem>>, vector<1x128xf32>
    %mul3A_29 = arith.constant 0.999994993 : f32
    %mul3A_30 = vector.broadcast %mul3A_29 : f32 to vector<1x128xf32>
    %mul3A_31 = arith.mulf %get3A_28, %mul3A_30 : vector<1x128xf32>
    %mul3A_32 = vector.broadcast %mul3A_31 : vector<1x128xf32> to vector<1024x128xf32>
    %mul3A_33 = arith.mulf %add3A_25, %mul3A_32 : vector<1024x128xf32>
    %get3A_34 = arith.constant 0 : index
    %get3A_35 = arith.constant 0 : index
    %get3A_36 = vector.load %arg7[%get3A_34, %get3A_35] : memref<1x128xf32, #tpu.memory_space<vmem>>, vector<1x128xf32>
    %add3A_37 = vector.broadcast %get3A_36 : vector<1x128xf32> to vector<1024x128xf32>
    %add3A_38 = arith.addf %mul3A_33, %add3A_37 : vector<1024x128xf32>
    %max3A = arith.constant 0.000000e+00 : f32
    %max3A_39 = vector.broadcast %max3A : f32 to vector<1024x128xf32>
    %max3A_40 = arith.maximumf %add3A_38, %max3A_39 : vector<1024x128xf32>
    %swap3A = arith.constant 0 : index
    %swap3A_41 = arith.constant 0 : index
    %swap3A_42 = vector.load %arg8[%swap3A, %swap3A_41] : memref<1024x128xf32, #tpu.memory_space<vmem>>, vector<1024x128xf32>
    tpu.vector_store %arg8[%swap3A, %swap3A_41], %max3A_40 {strides = array<i32>} : memref<1024x128xf32, #tpu.memory_space<vmem>>, vector<1024x128xf32>,
    return
  }
  func.func @transform_0(%arg0: i32) -> (i32, i32, i32) {
    %c0_i32 = arith.constant 0 : i32
    %c0_i32_0 = arith.constant 0 : i32
    %c0_i32_1 = arith.constant 0 : i32
    return %c0_i32, %arg0, %c0_i32_0 : i32, i32, i32
  }
  func.func @transform_1(%arg0: i32) -> (i32, i32) {
    %c0_i32 = arith.constant 0 : i32
    %c0_i32_0 = arith.constant 0 : i32
    return %arg0, %c0_i32 : i32, i32
  }
  func.func @transform_2(%arg0: i32) -> (i32, i32) {
    %c0_i32 = arith.constant 0 : i32
    %c0_i32_0 = arith.constant 0 : i32
    return %arg0, %c0_i32 : i32, i32
  }
  func.func @transform_3(%arg0: i32) -> (i32, i32) {
    %c0_i32 = arith.constant 0 : i32
    %c0_i32_0 = arith.constant 0 : i32
    %c0_i32_1 = arith.constant 0 : i32
    return %c0_i32, %c0_i32_0 : i32, i32
  }
  func.func @transform_4(%arg0: i32) -> (i32, i32) {
    %c0_i32 = arith.constant 0 : i32
    %c0_i32_0 = arith.constant 0 : i32
    %c0_i32_1 = arith.constant 0 : i32
    return %c0_i32, %c0_i32_0 : i32, i32
  }
  func.func @transform_5(%arg0: i32) -> (i32, i32) {
    %c0_i32 = arith.constant 0 : i32
    %c0_i32_0 = arith.constant 0 : i32
    %c0_i32_1 = arith.constant 0 : i32
    return %c0_i32, %c0_i32_0 : i32, i32
  }
  func.func @transform_6(%arg0: i32) -> (i32, i32) {
    %c0_i32 = arith.constant 0 : i32
    %c0_i32_0 = arith.constant 0 : i32
    %c0_i32_1 = arith.constant 0 : i32
    return %c0_i32, %c0_i32_0 : i32, i32
  }
  func.func @transform_7(%arg0: i32) -> (i32, i32) {
    %c0_i32 = arith.constant 0 : i32
    %c0_i32_0 = arith.constant 0 : i32
    return %arg0, %c0_i32 : i32, i32
  }
}

</mosaic_0001>

<sc_bundles>
// kernel: kernel.10.cloned.1.call-start
scs
__scs_entry_jumppad:
0x0: {  	(pc) =	sbr.rel $0x88, $3  }
0x1: {  	(tag) =	ssettag $0x0;
	lr =	simm.s32 $0x1  }
0x2: {  	[smem:$0x3F9B] =	sst lr;
	_ =	strace $0xD0000000  }
0x3: {  	_ = 	snop  }
0x4: {  	_ = 	snop  }
0x5: {  	_ = 	snop  }
0x6: {  	_ = 	snop  }
0x7: {  	_ = 	snop  }
__scs_overlays_trampoline_lowered:
0x8: {  	[smem:$0x3FAA] =	sst s0  }
0x9: {  	[smem:$0x3FAB] =	sst s1  }
0xa: {  	[smem:$0x3FAC] =	sst s2  }
0xb: {  	[smem:$0x3FAD] =	sst s3  }
0xc: {  	[smem:$0x3FAE] =	sst s4  }
0xd: {  	[smem:$0x3FAF] =	sst s5  }
0xe: {  	[smem:$0x3FB0] =	sst s6  }
0xf: {  	[smem:$0x3FB1] =	sst s7  }
0x10: {  	[smem:$0x3FB2] =	sst s8  }
0x11: {  	[smem:$0x3FB3] =	sst s9;
	s0 =	simm.s32 @!p0 $0x0  }
0x12: {  	s1 =	sld [smem:$0x3F99];
	s0 =	simm.s32 @p0 $0x1  }
0x13: {  	[smem:$0x3FB4] =	sst s0;
	s0 =	simm.s32 @!p1 $0x0  }
0x14: {  	s2 =	sld [smem:$0x3F98];
	s0 =	simm.s32 @p1 $0x1  }
0x15: {  	[smem:$0x3FB5] =	sst s0;
	s0 =	simm.s32 @!p2 $0x0  }
0x16: {  	s3 =	sld [smem:$0x3FDB];
	s0 =	simm.s32 @p2 $0x1  }
0x17: {  	s4 =	simm.s32 $0x1BF5;
	[smem:$0x3FB7] =	sst s0  }
0x18: {  	s0 =	sld [smem:$0x3F9A];
	_ =	swait.ge [sflag:s4], $0x0  }
0x19: {  	s7 =	sld [smem:$0x3F9B]  }
0x1a: {  	s8 =	sadd.s32 $0xFFFFE003, lr  }
0x1b: {  	s9 =	sadd.s32 $0xFFFFFEF7, lr;
	s5 =	simm.s32 $0xFFFFFFFF;
	p2 =	slt.u32 s8, $0xFFFFF086  }
0x1c: {  	p1 =	slt.u32 s9, $0xF7A;
	s5 =	simm.s32 @!p2 $0x0  }
0x1d: {  	s5 =	simm.s32 @p1 $0x1;
	p0 =	seq.s32 s7, s2  }
0x1e: {  	s7 =	smul.u32 @!p0 $0xF7A, s2;
	p2 =	seq.s32 @!p0 s5, $0x0  }
0x1f: {  	s9 =	smul.u32 $0xF7A, s1;
	s8 =	simm.s32 @!p0 $0x1BF5;
	p2 =	por !p2, p0  }
0x20: {  	[sflag:s8] =	ssyncset.s32 @!p0 $0xFFFFF086;
	s6 =	sadd.s32 @!p0 s3, s7;
	s7 =	simm.s32 @!p0 $0x108  }
0x21: {  	s3 =	sadd.s32 s3, s9;
	s6 =	sadd.s32 @!p0 $0x88, s6;
	s7 =	simm.s32 @p2 $0x1082  }
0x22: {  	[simem:s7], [sflag:s8] =	dma.local @!p0 [hbm:s6], $0xF7A  }
0x23: {  	s9 =	sor.u32 $0xD0000000, s2;
	s6 =	simm.s32 $0x108;
	_ =	swait.ge @!p0 [sflag:s8], $0x0  }
0x24: {  	s3 =	sadd.s32 $0x88, s3;
	s6 =	simm.s32 @!p1 $0x1082;
	[sflag:s4] =	ssyncset.s32 $0xFFFFF086  }
0x25: {  	[simem:s6], [sflag:s4] =	dma.local [hbm:s3], $0xF7A  }
0x26: {  	[smem:$0x3F9B] =	sst s1;
	(tag) =	ssettag s2;
	_ =	strace s9  }
0x27: {  	s1 =	sld [smem:$0x3FAB]  }
0x28: {  	s2 =	sld [smem:$0x3FAC]  }
0x29: {  	s4 =	sld [smem:$0x3FAE]  }
0x2a: {  	p0 =	seq.s32 s5, $0x0;
	s5 =	sld [smem:$0x3FAF]  }
0x2b: {  	s6 =	sld [smem:$0x3FB0]  }
0x2c: {  	s7 =	sld [smem:$0x3FB1]  }
0x2d: {  	s3 =	simm.s32 $0x108;
	s8 =	sld [smem:$0x3FB2]  }
0x2e: {  	s3 =	simm.s32 @!p0 $0x1082;
	s9 =	sld [smem:$0x3FB3]  }
0x2f: {  	lr =	sadd.s32 s0, s3;
	s0 =	sld [smem:$0x3FAA]  }
0x30: {  	s3 =	sld [smem:$0x3FAD]  }
0x31: {  	[smem:$0x3FB6] =	sst s10  }
0x32: {  	s10 =	sld [smem:$0x3FB4];
	_ =	sdelay $0x3  }
0x33: {  	p0 =	seq.s32 s10, $0x1;
	s10 =	sld [smem:$0x3FB6];
	_ =	sdelay $0x3  }
0x34: {  	[smem:$0x3FB6] =	sst s10  }
0x35: {  	s10 =	sld [smem:$0x3FB5];
	_ =	sdelay $0x3  }
0x36: {  	p1 =	seq.s32 s10, $0x1;
	s10 =	sld [smem:$0x3FB6];
	_ =	sdelay $0x3  }
0x37: {  	[smem:$0x3FB6] =	sst s10  }
0x38: {  	s10 =	sld [smem:$0x3FB7]  }
0x39: {  	_ = 	snop;
	(pc) =	sbr.ind lr, $3  }
0x3a: {  	_ = 	snop  }
0x3b: {  	_ = 	snop  }
0x3c: {  	p2 =	seq.s32 s10, $0x1;
	s10 =	sld [smem:$0x3FB6]  }
0x3d: {  	_ =	shalt  }
0x3e: {  	_ =	shalt  }
0x3f: {  	_ =	shalt  }
0x40: {  	_ =	shalt  }
0x41: {  	_ =	shalt  }
0x42: {  	_ =	shalt  }
0x43: {  	_ =	shalt  }
0x44: {  	_ =	shalt  }
0x45: {  	_ =	shalt  }
0x46: {  	_ =	shalt  }
0x47: {  	_ =	shalt  }
0x48: {  	_ =	shalt  }
0x49: {  	_ =	shalt  }
0x4a: {  	_ =	shalt  }
0x4b: {  	_ =	shalt  }
0x4c: {  	_ =	shalt  }
0x4d: {  	_ =	shalt  }
0x4e: {  	_ =	shalt  }
0x4f: {  	_ =	shalt  }
0x50: {  	_ =	shalt  }
0x51: {  	_ =	shalt  }
0x52: {  	_ =	shalt  }
0x53: {  	_ =	shalt  }
0x54: {  	_ =	shalt  }
0x55: {  	_ =	shalt  }
0x56: {  	_ =	shalt  }
0x57: {  	_ =	shalt  }
0x58: {  	_ =	shalt  }
0x59: {  	_ =	shalt  }
0x5a: {  	_ =	shalt  }
0x5b: {  	_ =	shalt  }
0x5c: {  	_ =	shalt  }
0x5d: {  	_ =	shalt  }
0x5e: {  	_ =	shalt  }
0x5f: {  	_ =	shalt  }
0x60: {  	_ =	shalt  }
0x61: {  	_ =	shalt  }
0x62: {  	_ =	shalt  }
0x63: {  	_ =	shalt  }
0x64: {  	_ =	shalt  }
0x65: {  	_ =	shalt  }
0x66: {  	_ =	shalt  }
0x67: {  	_ =	shalt  }
0x68: {  	_ =	shalt  }
0x69: {  	_ =	shalt  }
0x6a: {  	_ =	shalt  }
0x6b: {  	_ =	shalt  }
0x6c: {  	_ =	shalt  }
0x6d: {  	_ =	shalt  }
0x6e: {  	_ =	shalt  }
0x6f: {  	_ =	shalt  }
0x70: {  	_ =	shalt  }
0x71: {  	_ =	shalt  }
0x72: {  	_ =	shalt  }
0x73: {  	_ =	shalt  }
0x74: {  	_ =	shalt  }
0x75: {  	_ =	shalt  }
0x76: {  	_ =	shalt  }
0x77: {  	_ =	shalt  }
0x78: {  	_ =	shalt  }
0x79: {  	_ =	shalt  }
0x7a: {  	_ =	shalt  }
0x7b: {  	_ =	shalt  }
0x7c: {  	_ =	shalt  }
0x7d: {  	_ =	shalt  }
0x7e: {  	_ =	shalt  }
0x7f: {  	_ =	shalt  }
0x80: {  	_ =	shalt  }
0x81: {  	_ =	shalt  }
0x82: {  	_ =	shalt  }
0x83: {  	_ =	shalt  }
0x84: {  	_ =	shalt  }
0x85: {  	_ =	shalt  }
0x86: {  	_ =	shalt  }
0x87: {  	_ =	shalt  }
.Lfunc_end0:
.L_simem_size_0:
called_computation.1_lowered:
.L_overlay_start_0:
0x88: {  	s2 =	sld [smem:$0x3FD9]  }
0x89: {  	s3 =	sld [smem:$0x3FFE];
	_ =	sdelay $0x1  }
0x8a: {  	s1 =	srdreg.scid  }
0x8b: {  	s0 =	sand.u32 $0x1, s1  }
0x8c: {  	s16 =	sshll.u32 s0, $0xA;
	s2 =	sadd.s32 s3, s2  }
0x8d: {  	s2 =	sadd.s32 s2, s16  }
0x8e: {  	[smem:$0x3FC2] =	sst s2  }
0x8f: {  	_ = 	snop  }
0x90: {  	(tm) =	ssettm $0x1  }
0x91: {  	s17 =	sld [smem:$0x3FFB];
	_ =	sdelay $0x3  }
0x92: {  	_ =	strace s17  }
0x93: {  	s2 =	sld [smem:$0x3FFC];
	_ =	sdelay $0x3  }
0x94: {  	_ =	strace s2  }
0x95: {  	s2 =	sld [smem:$0x3FFD];
	_ =	sdelay $0x3  }
0x96: {  	_ =	strace s2  }
0x97: {  	_ =	strace $0x8FFFFFFF  }
0x98: {  	s18 =	sld [smem:$0x3FDB];
	_ =	sdelay $0x1  }
0x99: {  	s19 =	simm.s32 $_scs_section_size  }
0x9a: {  	s4 =	simm.s32 $_size__tile_overlayer_lowered;
	s5 =	simm.s32 $_tile_overlayer_lowered  }
0x9b: {  	s22 =	simm.s32 $0x1BFF;
	s21 =	sshll.u32 s5, $0x1;
	s2 =	sadd.s32 s19, s18  }
0x9c: {  	s6 =	simm.s32 $0x0;
	s20 =	sshll.u32 s4, $0x1;
	s4 =	sadd.s32 s21, s2  }
0x9d: {  	[timem:s6], [sflag:s22] =	dma.local [hbm:s4], s20  }
0x9e: {  	_ =	swait.ge [sflag:s22], s20  }
0x9f: {  	s3 =	ssub.s32 $0x0, s20;
	[sflag:s22] =	ssyncset.done $0x0  }
0xa0: {  	[sflag:s22] =	ssyncadd.s32 s3;
	_ =	sdelay $0x1  }
0xa1: {  	s23 =	simm.s32 $0x1B8B  }
0xa2: {  	_ =	swait.ge [sflag:s23], $0x1  }
0xa3: {  	[sflag:s23] =	ssyncset.done $0x0  }
0xa4: {  	s25 =	simm.s32 $0x1B8E;
	s24 =	sld [smem:$0x3FFE];
	[sflag:s23] =	ssyncadd.s32 $0xFFFFFFFF  }
0xa5: {  	s26 =	simm.s32 $execute0_lowered;
	[smem:$0x3FD2] =	sst s25  }
0xa6: {  	s4 =	sshll.u32 s26, $0x1;
	_ =	strace $0x80000049;
	[dreg:$0x1] =	wrdreg $0xFFFFFFFF  }
0xa7: {  	s28 =	simm.s32 $_size_execute0_lowered;
	s2 =	sadd.s32 s2, s4;
	[dreg:$0x0] =	wrdreg $0x0  }
0xa8: {  	s4 =	sshll.u32 s28, $0x1;
	[dreg:$0x2] =	wrdreg s2  }
0xa9: {  	[dreg:$0x3] =	wrdreg s4  }
0xaa: {  	[dreg:$0x4] =	wrdreg $0xC0  }
0xab: {  	_ =	task [dreg:s6], $0x5FFFF  }
0xac: {  	[dreg:$0x1] =	wrdreg $0xFFFFFFFF  }
0xad: {  	[dreg:$0x0] =	wrdreg $0x60  }
0xae: {  	[dreg:$0x2] =	wrdreg s24  }
0xaf: {  	[dreg:$0x3] =	wrdreg $0x0  }
0xb0: {  	[dreg:$0x4] =	wrdreg $0x9  }
0xb1: {  	_ =	task.clear_ibuf [dreg:s6], $0x5FFFF;
	_ =	strace $0x90000049  }
0xb2: {  	s29 =	simm.s32 $0x9;
	_ =	strace $0x8000004B  }
0xb3: {  	_ =	swait.ge [sflag:s29], $0x1  }
0xb4: {  	[sflag:s29] =	ssyncadd.s32 $0xFFFFFFFF  }
0xb5: {  	_ =	strace $0x9000004B  }
0xb6: {  	_ =	sfence  }
0xb7: {  	s30 =	sld [smem:$0x0];
	_ =	sdelay $0x2  }
0xb8: {  	s31 =	sshll.u32 s1, $0xD;
	s1 =	sshrl.u32 s1, $0x2  }
0xb9: {  	s3 =	sand.u32 $0x4000, s31;
	s1 =	sadd.s32 s1, s30  }
0xba: {  	s0 =	sor.u32 s3, s0;
	s1 =	sshll.u32 s1, $0x11  }
0xbb: {  	s0 =	sor.u32 s1, s0  }
0xbc: {  	s0 =	sadd.s32 $0x8F2B, s0  }
0xbd: {  	[sflag:s0] =	ssyncadd.remote.s32 $0x1  }
0xbe: {  	_ =	sfence.sel $0xFFFF  }
0xbf: {  	[dreg:$0x0] =	wrdreg $0xFFFFFFFF;
	(pc) =	sbr.abs _section_cstart, $3  }
0xc0: {  	[dreg:$0x1] =	wrdreg $0xFFFFFFFF  }
0xc1: {  	_ =	task.clear_ibuf [dreg:s6], $0x2FFFF;
	_ =	strace $0x9FFFFFFF  }
0xc2: {  	(tm) =	ssettm $0x7FFFFFFF  }
0xc3: {  	_ =	shalt  }
tec
execute0_lowered:
.L_overlay_start_1:
0x0: {  	(tag) =	ssettag $0x1  }
0x1: {  	s0 =	rddreg [dreg:$0x0]  }
0x2: {  	s2 =	rddreg [dreg:$0x1]  }
0x3: {  	s1 =	srdreg.scid;
	s9 =	stileid.u32;
	s3 =	simm.s32 $0x0  }
0x4: {  	s14 =	simm.s32 $0x15000;
	s15 =	simm.s32 $0x2;
	s16 =	simm.s32 $0x14000  }
0x5: {  	s17 =	simm.s32 $0x14800;
	s18 =	simm.s32 $0x80;
	s19 =	simm.s32 $0x1  }
0x6: {  	s28 =	simm.s32 $0x14500;
	s10 =	simm.s32 $0x14E80;
	s11 =	simm.s32 $0x14700  }
0x7: {  	s12 =	simm.s32 $0x14F00;
	s13 =	simm.s32 $0x14780;
	s5 =	smul.u32 $0x90, s9  }
0x8: {  	s1 =	sand.u32 $0x1, s1;
	[smem:$0x7FF] =	sst s3;
	s8 =	smul.u32 $0x14000, s9  }
0x9: {  	s4 =	sshll.u32 s9, $0x4;
	s20 =	smul.u32 $0x50000, s9;
	s9 =	simm.s32 $0x14680  }
0xa: {  	s6 =	smul.u32 $0x140000, s1;
	p0 =	seq.s32 s1, $0x0;
	s7 =	sor.u32 $0x900, s4  }
0xb: {  	_ =	strace $0x8000004A;
	s4 =	sadd.s32 $0x29800, s0;
	s21 =	ssub.s32 $0x2, s1  }
0xc: {  	s7 =	smov.u32 @p0 s5;
	s22 =	sshrl.u32 s21, $0x1;
	p0 =	sne.s32 s1, $0x0  }
0xd: {  	s1 =	simm.s32 $0x14580;
	s5 =	sshll.u32 s7, $0x4;
	s6 =	sadd.s32 s8, s6  }
0xe: {  	s7 =	sshrl.u32 s20, $0x2;
	s8 =	simm.s32 $0x14E00;
	s6 =	sshrl.u32 s6, $0x3  }
0xf: {  	s5 =	sadd.s32 s5, s0;
	s7 =	sadd.s32 s7, s2;
	s0 =	sadd.s32 s6, s0  }
0x10: {  	s6 =	ssub.s32 s21, s22;
	s24 =	sadd.s32 $0x4000, s7;
	[dreg:$0x3] =	wrdreg s7  }
0x11: {  	s25 =	sadd.s32 $0x8000, s7;
	s26 =	sadd.s32 $0xC000, s7;
	[dreg:$0x6] =	wrdreg s24  }
0x12: {  	s29 =	sadd.s32 $0x10000, s7;
	s30 =	sadd.s32 $0x15800, s5;
	[dreg:$0x7] =	wrdreg s25  }
0x13: {  	s31 =	sadd.s32 $0x1F800, s5;
	s21 =	simm.s32 $0x14380;
	[dreg:$0x8] =	wrdreg s26  }
0x14: {  	s22 =	simm.s32 $0x14B80;
	s5 =	simm.s32 $0x14F80;
	[dreg:$0x9] =	wrdreg s29  }
0x15: {  	s0 =	sadd.s32 $0x51800, s0;
	s23 =	smax.u32 s6, $0x1;
	[dreg:$0xa] =	wrdreg s30  }
0x16: {  	[dreg:$0xb] =	wrdreg s31;
	s24 =	simm.s32 $0x14C00;
	s25 =	simm.s32 $0x14480  }
0x17: {  	s26 =	simm.s32 $0x14C80;
	s6 =	simm.s32 $0x14D80;
	[dreg:$0x4] =	wrdreg s0  }
0x18: {  	v0 =	vimm.f32 $0.0e+00;
	[dreg:$0x5] =	wrdreg s23;
	s0 =	simm.s32 $0x0;
	s23 =	simm.s32 $0x14400  }
.LBB2_1:
0x19: {  	[dreg:$0xc] =	wrdreg s0;
	s29 =	simm.s32 $0x0;
	s30 =	simm.s32 $0x200  }
.LBB2_2:
0x1a: {  	p1 =	sne.s32 s30, $0xFE00;
	[tilespmem:s29+$0x15070] =	vst v0  }
0x1b: {  	[tilespmem:s29+$0x15000] =	vst v0  }
0x1c: {  	[tilespmem:s29+$0x15010] =	vst v0  }
.Ltmp0:
0x1d: {  	[tilespmem:s29+$0x15020] =	vst v0;
	(pc) =	sbr.rel @p1 .LBB2_2-.Ltmp0, $4  }
0x1e: {  	[tilespmem:s29+$0x15030] =	vst v0  }
0x1f: {  	[tilespmem:s29+$0x15040] =	vst v0  }
0x20: {  	[tilespmem:s29+$0x15050] =	vst v0  }
0x21: {  	[tilespmem:s29+$0x15060] =	vst v0;
	s29 =	sshra.s32 s30, $0x2;
	s30 =	sadd.s32 $0x200, s30  }
0x22: {  	[tilespmem:s29+$0x15070] =	vst v0  }
0x23: {  	[tilespmem:s29+$0x15000] =	vst v0  }
0x24: {  	[tilespmem:s29+$0x15010] =	vst v0  }
0x25: {  	[tilespmem:s29+$0x15020] =	vst v0  }
0x26: {  	[tilespmem:s29+$0x15030] =	vst v0  }
0x27: {  	[tilespmem:s29+$0x15040] =	vst v0  }
0x28: {  	[tilespmem:s29+$0x15050] =	vst v0  }
0x29: {  	[tilespmem:s29+$0x15060] =	vst v0  }
0x2a: {  	[spmem:s7] =	stream.linear.scatter [tilespmem:s14], [sflag:$0x2], $0x4000, $0x38;
	[tilespmem:$0x19000] =	vst v63  }
0x2b: {  	_ =	swait.ge [sflag:s15], $0x4000  }
0x2c: {  	[sflag:s15] =	ssyncset.done $0x0  }
0x2d: {  	s29 =	rddreg [dreg:$0x6];
	[sflag:s15] =	ssyncadd.s32 $0xFFFFC000  }
0x2e: {  	[spmem:s29] =	stream.linear.scatter [tilespmem:s14], [sflag:$0x2], $0x4000, $0x38;
	[tilespmem:$0x19000] =	vst v63  }
0x2f: {  	_ =	swait.ge [sflag:s15], $0x4000  }
0x30: {  	[sflag:s15] =	ssyncset.done $0x0  }
0x31: {  	s29 =	rddreg [dreg:$0x7];
	[sflag:s15] =	ssyncadd.s32 $0xFFFFC000  }
0x32: {  	[spmem:s29] =	stream.linear.scatter [tilespmem:s14], [sflag:$0x2], $0x4000, $0x38;
	[tilespmem:$0x19000] =	vst v63  }
0x33: {  	_ =	swait.ge [sflag:s15], $0x4000  }
0x34: {  	[sflag:s15] =	ssyncset.done $0x0  }
0x35: {  	s29 =	rddreg [dreg:$0x8];
	[sflag:s15] =	ssyncadd.s32 $0xFFFFC000  }
0x36: {  	[spmem:s29] =	stream.linear.scatter [tilespmem:s14], [sflag:$0x2], $0x4000, $0x38;
	[tilespmem:$0x19000] =	vst v63  }
0x37: {  	_ =	swait.ge [sflag:s15], $0x4000  }
0x38: {  	[sflag:s15] =	ssyncset.done $0x0  }
0x39: {  	s29 =	rddreg [dreg:$0x9];
	[sflag:s15] =	ssyncadd.s32 $0xFFFFC000  }
0x3a: {  	[spmem:s29] =	stream.linear.scatter [tilespmem:s14], [sflag:$0x2], $0x4000, $0x38;
	[tilespmem:$0x19000] =	vst v63  }
0x3b: {  	_ =	swait.ge [sflag:s15], $0x4000  }
0x3c: {  	[sflag:s15] =	ssyncset.done $0x0  }
0x3d: {  	[sflag:s15] =	ssyncadd.s32 $0xFFFFC000  }
0x3e: {  	[bflag:$0x0] =	sbarrier.arrive $0xFFFF  }
0x3f: {  	s31 =	simm.s32 $0x0;
	s29 =	rddreg [dreg:$0xb]  }
0x40: {  	s0 =	simm.s32 $0x14D00;
	s7 =	simm.s32 $0x14600;
	s30 =	rddreg [dreg:$0xa]  }
.LBB2_4:
0x41: {  	[tilespmem:s16], [sflag:$0x2] =	stream.linear.gather [hbm4b:s29+s3], $0x800, $0x38;
	[tilespmem:$0x19000] =	vst v63  }
0x42: {  	_ =	swait.ge [sflag:s15], $0x800  }
0x43: {  	[sflag:s15] =	ssyncset.done $0x0  }
0x44: {  	[sflag:s15] =	ssyncadd.s32 $0xFFFFF800  }
0x45: {  	[tilespmem:s17], [sflag:$0x2] =	stream.linear.gather [hbm4b:s30+s3], $0x800, $0x38;
	[tilespmem:$0x19000] =	vst v63  }
0x46: {  	_ =	swait.ge [sflag:s15], $0x800  }
0x47: {  	[sflag:s15] =	ssyncset.done $0x0  }
0x48: {  	[sflag:s15] =	ssyncadd.s32 $0xFFFFF800  }
0x49: {  	[tilespmem:s14], [sflag:$0x1] =	stream.indirect.gather [hbm4b:s4+s18], $0x80, s16, s18, $0xb8;
	[tilespmem:$0x19000] =	vst v63  }
0x4a: {  	_ =	swait.ge [sflag:s19], $0x4000  }
0x4b: {  	[sflag:s19] =	ssyncset.done $0x0  }
0x4c: {  	[sflag:s19] =	ssyncadd.s32 $0xFFFFC000  }
0x4d: {  	[spmem:s2] =	stream.indirect.scatter.add.f32 [tilespmem:s14], [sflag:$0x2], $0x80, s17, s18, $0xb8;
	[tilespmem:$0x19000] =	vst v63  }
0x4e: {  	_ =	swait.ge [sflag:s15], $0x4000  }
0x4f: {  	[sflag:s15] =	ssyncset.done $0x0  }
0x50: {  	s20 =	simm.s32 $0x14080;
	[sflag:s15] =	ssyncadd.s32 $0xFFFFC000  }
0x51: {  	[tilespmem:s14], [sflag:$0x1] =	stream.indirect.gather [hbm4b:s4+s18], $0x80, s20, s18, $0xb8;
	[tilespmem:$0x19000] =	vst v63  }
0x52: {  	_ =	swait.ge [sflag:s19], $0x4000  }
0x53: {  	[sflag:s19] =	ssyncset.done $0x0  }
0x54: {  	s20 =	simm.s32 $0x14880;
	[sflag:s19] =	ssyncadd.s32 $0xFFFFC000  }
0x55: {  	[spmem:s2] =	stream.indirect.scatter.add.f32 [tilespmem:s14], [sflag:$0x2], $0x80, s20, s18, $0xb8;
	[tilespmem:$0x19000] =	vst v63  }
0x56: {  	_ =	swait.ge [sflag:s15], $0x4000  }
0x57: {  	[sflag:s15] =	ssyncset.done $0x0  }
0x58: {  	s20 =	simm.s32 $0x14100;
	[sflag:s15] =	ssyncadd.s32 $0xFFFFC000  }
0x59: {  	[tilespmem:s14], [sflag:$0x1] =	stream.indirect.gather [hbm4b:s4+s18], $0x80, s20, s18, $0xb8;
	[tilespmem:$0x19000] =	vst v63  }
0x5a: {  	_ =	swait.ge [sflag:s19], $0x4000  }
0x5b: {  	[sflag:s19] =	ssyncset.done $0x0  }
0x5c: {  	s20 =	simm.s32 $0x14900;
	[sflag:s19] =	ssyncadd.s32 $0xFFFFC000  }
0x5d: {  	[spmem:s2] =	stream.indirect.scatter.add.f32 [tilespmem:s14], [sflag:$0x2], $0x80, s20, s18, $0xb8;
	[tilespmem:$0x19000] =	vst v63  }
0x5e: {  	_ =	swait.ge [sflag:s15], $0x4000  }
0x5f: {  	[sflag:s15] =	ssyncset.done $0x0  }
0x60: {  	s20 =	simm.s32 $0x14180;
	[sflag:s15] =	ssyncadd.s32 $0xFFFFC000  }
0x61: {  	[tilespmem:s14], [sflag:$0x1] =	stream.indirect.gather [hbm4b:s4+s18], $0x80, s20, s18, $0xb8;
	[tilespmem:$0x19000] =	vst v63  }
0x62: {  	_ =	swait.ge [sflag:s19], $0x4000  }
0x63: {  	[sflag:s19] =	ssyncset.done $0x0  }
0x64: {  	s20 =	simm.s32 $0x14980;
	[sflag:s19] =	ssyncadd.s32 $0xFFFFC000  }
0x65: {  	[spmem:s2] =	stream.indirect.scatter.add.f32 [tilespmem:s14], [sflag:$0x2], $0x80, s20, s18, $0xb8;
	[tilespmem:$0x19000] =	vst v63  }
0x66: {  	_ =	swait.ge [sflag:s15], $0x4000  }
0x67: {  	[sflag:s15] =	ssyncset.done $0x0  }
0x68: {  	s20 =	simm.s32 $0x14200;
	[sflag:s15] =	ssyncadd.s32 $0xFFFFC000  }
0x69: {  	[tilespmem:s14], [sflag:$0x1] =	stream.indirect.gather [hbm4b:s4+s18], $0x80, s20, s18, $0xb8;
	[tilespmem:$0x19000] =	vst v63  }
0x6a: {  	_ =	swait.ge [sflag:s19], $0x4000  }
0x6b: {  	[sflag:s19] =	ssyncset.done $0x0  }
0x6c: {  	s20 =	simm.s32 $0x14A00;
	[sflag:s19] =	ssyncadd.s32 $0xFFFFC000  }
0x6d: {  	[spmem:s2] =	stream.indirect.scatter.add.f32 [tilespmem:s14], [sflag:$0x2], $0x80, s20, s18, $0xb8;
	[tilespmem:$0x19000] =	vst v63  }
0x6e: {  	_ =	swait.ge [sflag:s15], $0x4000  }
0x6f: {  	[sflag:s15] =	ssyncset.done $0x0  }
0x70: {  	s20 =	simm.s32 $0x14280;
	[sflag:s15] =	ssyncadd.s32 $0xFFFFC000  }
0x71: {  	[tilespmem:s14], [sflag:$0x1] =	stream.indirect.gather [hbm4b:s4+s18], $0x80, s20, s18, $0xb8;
	[tilespmem:$0x19000] =	vst v63  }
0x72: {  	_ =	swait.ge [sflag:s19], $0x4000  }
0x73: {  	[sflag:s19] =	ssyncset.done $0x0  }
0x74: {  	s20 =	simm.s32 $0x14A80;
	[sflag:s19] =	ssyncadd.s32 $0xFFFFC000  }
0x75: {  	[spmem:s2] =	stream.indirect.scatter.add.f32 [tilespmem:s14], [sflag:$0x2], $0x80, s20, s18, $0xb8;
	[tilespmem:$0x19000] =	vst v63  }
0x76: {  	_ =	swait.ge [sflag:s15], $0x4000  }
0x77: {  	[sflag:s15] =	ssyncset.done $0x0  }
0x78: {  	s20 =	simm.s32 $0x14300;
	[sflag:s15] =	ssyncadd.s32 $0xFFFFC000  }
0x79: {  	[tilespmem:s14], [sflag:$0x1] =	stream.indirect.gather [hbm4b:s4+s18], $0x80, s20, s18, $0xb8;
	[tilespmem:$0x19000] =	vst v63  }
0x7a: {  	_ =	swait.ge [sflag:s19], $0x4000  }
0x7b: {  	[sflag:s19] =	ssyncset.done $0x0  }
0x7c: {  	s20 =	simm.s32 $0x14B00;
	[sflag:s19] =	ssyncadd.s32 $0xFFFFC000  }
0x7d: {  	[spmem:s2] =	stream.indirect.scatter.add.f32 [tilespmem:s14], [sflag:$0x2], $0x80, s20, s18, $0xb8;
	[tilespmem:$0x19000] =	vst v63  }
0x7e: {  	_ =	swait.ge [sflag:s15], $0x4000  }
0x7f: {  	[sflag:s15] =	ssyncset.done $0x0  }
0x80: {  	[sflag:s15] =	ssyncadd.s32 $0xFFFFC000  }
0x81: {  	[tilespmem:s14], [sflag:$0x1] =	stream.indirect.gather [hbm4b:s4+s18], $0x80, s21, s18, $0xb8;
	[tilespmem:$0x19000] =	vst v63  }
0x82: {  	_ =	swait.ge [sflag:s19], $0x4000  }
0x83: {  	[sflag:s19] =	ssyncset.done $0x0  }
0x84: {  	[sflag:s19] =	ssyncadd.s32 $0xFFFFC000  }
0x85: {  	[spmem:s2] =	stream.indirect.scatter.add.f32 [tilespmem:s14], [sflag:$0x2], $0x80, s22, s18, $0xb8;
	[tilespmem:$0x19000] =	vst v63  }
0x86: {  	_ =	swait.ge [sflag:s15], $0x4000  }
0x87: {  	[sflag:s15] =	ssyncset.done $0x0  }
0x88: {  	[sflag:s15] =	ssyncadd.s32 $0xFFFFC000  }
0x89: {  	[tilespmem:s14], [sflag:$0x1] =	stream.indirect.gather [hbm4b:s4+s18], $0x80, s23, s18, $0xb8;
	[tilespmem:$0x19000] =	vst v63  }
0x8a: {  	_ =	swait.ge [sflag:s19], $0x4000  }
0x8b: {  	[sflag:s19] =	ssyncset.done $0x0  }
0x8c: {  	[sflag:s19] =	ssyncadd.s32 $0xFFFFC000  }
0x8d: {  	[spmem:s2] =	stream.indirect.scatter.add.f32 [tilespmem:s14], [sflag:$0x2], $0x80, s24, s18, $0xb8;
	[tilespmem:$0x19000] =	vst v63  }
0x8e: {  	_ =	swait.ge [sflag:s15], $0x4000  }
0x8f: {  	[sflag:s15] =	ssyncset.done $0x0  }
0x90: {  	[sflag:s15] =	ssyncadd.s32 $0xFFFFC000  }
0x91: {  	[tilespmem:s14], [sflag:$0x1] =	stream.indirect.gather [hbm4b:s4+s18], $0x80, s25, s18, $0xb8;
	[tilespmem:$0x19000] =	vst v63  }
0x92: {  	_ =	swait.ge [sflag:s19], $0x4000  }
0x93: {  	[sflag:s19] =	ssyncset.done $0x0  }
0x94: {  	[sflag:s19] =	ssyncadd.s32 $0xFFFFC000  }
0x95: {  	[spmem:s2] =	stream.indirect.scatter.add.f32 [tilespmem:s14], [sflag:$0x2], $0x80, s26, s18, $0xb8;
	[tilespmem:$0x19000] =	vst v63  }
0x96: {  	_ =	swait.ge [sflag:s15], $0x4000  }
0x97: {  	[sflag:s15] =	ssyncset.done $0x0  }
0x98: {  	[sflag:s15] =	ssyncadd.s32 $0xFFFFC000  }
0x99: {  	[tilespmem:s14], [sflag:$0x1] =	stream.indirect.gather [hbm4b:s4+s18], $0x80, s28, s18, $0xb8;
	[tilespmem:$0x19000] =	vst v63  }
0x9a: {  	_ =	swait.ge [sflag:s19], $0x4000  }
0x9b: {  	[sflag:s19] =	ssyncset.done $0x0  }
0x9c: {  	[sflag:s19] =	ssyncadd.s32 $0xFFFFC000  }
0x9d: {  	[spmem:s2] =	stream.indirect.scatter.add.f32 [tilespmem:s14], [sflag:$0x2], $0x80, s0, s18, $0xb8;
	[tilespmem:$0x19000] =	vst v63  }
0x9e: {  	_ =	swait.ge [sflag:s15], $0x4000  }
0x9f: {  	[sflag:s15] =	ssyncset.done $0x0  }
0xa0: {  	[sflag:s15] =	ssyncadd.s32 $0xFFFFC000  }
0xa1: {  	[tilespmem:s14], [sflag:$0x1] =	stream.indirect.gather [hbm4b:s4+s18], $0x80, s1, s18, $0xb8;
	[tilespmem:$0x19000] =	vst v63  }
0xa2: {  	_ =	swait.ge [sflag:s19], $0x4000  }
0xa3: {  	[sflag:s19] =	ssyncset.done $0x0  }
0xa4: {  	[sflag:s19] =	ssyncadd.s32 $0xFFFFC000  }
0xa5: {  	[spmem:s2] =	stream.indirect.scatter.add.f32 [tilespmem:s14], [sflag:$0x2], $0x80, s6, s18, $0xb8;
	[tilespmem:$0x19000] =	vst v63  }
0xa6: {  	_ =	swait.ge [sflag:s15], $0x4000  }
0xa7: {  	[sflag:s15] =	ssyncset.done $0x0  }
0xa8: {  	[sflag:s15] =	ssyncadd.s32 $0xFFFFC000  }
0xa9: {  	[tilespmem:s14], [sflag:$0x1] =	stream.indirect.gather [hbm4b:s4+s18], $0x80, s7, s18, $0xb8;
	[tilespmem:$0x19000] =	vst v63  }
0xaa: {  	_ =	swait.ge [sflag:s19], $0x4000  }
0xab: {  	[sflag:s19] =	ssyncset.done $0x0  }
0xac: {  	[sflag:s19] =	ssyncadd.s32 $0xFFFFC000  }
0xad: {  	[spmem:s2] =	stream.indirect.scatter.add.f32 [tilespmem:s14], [sflag:$0x2], $0x80, s8, s18, $0xb8;
	[tilespmem:$0x19000] =	vst v63  }
0xae: {  	_ =	swait.ge [sflag:s15], $0x4000  }
0xaf: {  	[sflag:s15] =	ssyncset.done $0x0  }
0xb0: {  	[sflag:s15] =	ssyncadd.s32 $0xFFFFC000  }
0xb1: {  	[tilespmem:s14], [sflag:$0x1] =	stream.indirect.gather [hbm4b:s4+s18], $0x80, s9, s18, $0xb8;
	[tilespmem:$0x19000] =	vst v63  }
0xb2: {  	_ =	swait.ge [sflag:s19], $0x4000  }
0xb3: {  	[sflag:s19] =	ssyncset.done $0x0  }
0xb4: {  	[sflag:s19] =	ssyncadd.s32 $0xFFFFC000  }
0xb5: {  	[spmem:s2] =	stream.indirect.scatter.add.f32 [tilespmem:s14], [sflag:$0x2], $0x80, s10, s18, $0xb8;
	[tilespmem:$0x19000] =	vst v63  }
0xb6: {  	_ =	swait.ge [sflag:s15], $0x4000  }
0xb7: {  	[sflag:s15] =	ssyncset.done $0x0  }
0xb8: {  	[sflag:s15] =	ssyncadd.s32 $0xFFFFC000  }
0xb9: {  	[tilespmem:s14], [sflag:$0x1] =	stream.indirect.gather [hbm4b:s4+s18], $0x80, s11, s18, $0xb8;
	[tilespmem:$0x19000] =	vst v63  }
0xba: {  	_ =	swait.ge [sflag:s19], $0x4000  }
0xbb: {  	[sflag:s19] =	ssyncset.done $0x0  }
0xbc: {  	[sflag:s19] =	ssyncadd.s32 $0xFFFFC000  }
0xbd: {  	[spmem:s2] =	stream.indirect.scatter.add.f32 [tilespmem:s14], [sflag:$0x2], $0x80, s12, s18, $0xb8;
	[tilespmem:$0x19000] =	vst v63  }
0xbe: {  	_ =	swait.ge [sflag:s15], $0x4000  }
0xbf: {  	[sflag:s15] =	ssyncset.done $0x0  }
0xc0: {  	[sflag:s15] =	ssyncadd.s32 $0xFFFFC000  }
0xc1: {  	[tilespmem:s14], [sflag:$0x1] =	stream.indirect.gather [hbm4b:s4+s18], $0x80, s13, s18, $0xb8;
	[tilespmem:$0x19000] =	vst v63  }
0xc2: {  	p1 =	slt.u32 @!p0 s31, $0x8;
	_ =	swait.ge [sflag:s19], $0x4000  }
0xc3: {  	p1 =	por p0, !p1;
	[sflag:s19] =	ssyncset.done $0x0  }
.Ltmp1:
0xc4: {  	[sflag:s19] =	ssyncadd.s32 $0xFFFFC000;
	(pc) =	sbr.rel @!p1 .LBB2_4-.Ltmp1, $4  }
0xc5: {  	[spmem:s2] =	stream.indirect.scatter.add.f32 [tilespmem:s14], [sflag:$0x2], $0x80, s5, s18, $0xb8;
	[tilespmem:$0x19000] =	vst v63  }
0xc6: {  	_ =	swait.ge [sflag:s15], $0x4000  }
0xc7: {  	s31 =	sadd.s32 $0x1, s31;
	[sflag:s15] =	ssyncset.done $0x0  }
0xc8: {  	s29 =	sadd.s32 $0x100, s29;
	s30 =	sadd.s32 $0x100, s30;
	[sflag:s15] =	ssyncadd.s32 $0xFFFFC000  }
0xc9: {  	s29 =	stileid.u32;
	[bflag:$0x0] =	sbarrier.arrive $0xFFFF  }
0xca: {  	s29 =	sshll.u32 s29, $0x6;
	s7 =	rddreg [dreg:$0x3]  }
0xcb: {  	s31 =	rddreg [dreg:$0x4];
	s29 =	sor.u32 $0x1C02, s29;
	s30 =	sshrl.u32 s7, $0x3  }
0xcc: {  	[hbm:s31], [sflag:s29] =	dma.local [spmem:s30], $0x2800  }
0xcd: {  	_ =	swait.ge [sflag:s15], $0x2800  }
0xce: {  	s0 =	rddreg [dreg:$0xc]  }
0xcf: {  	s31 =	rddreg [dreg:$0x5];
	s0 =	sadd.s32 $0x1, s0  }
0xd0: {  	p1 =	sne.s32 s0, s31  }
.Ltmp2:
0xd1: {  	_ = 	snop;
	(pc) =	sbr.rel @p1 .LBB2_1-.Ltmp2, $3  }
0xd2: {  	_ =	sdelay $0x1  }
0xd3: {  	[sflag:s15] =	ssyncset.done $0x0  }
0xd4: {  	[sflag:s15] =	ssyncadd.s32 $0xFFFFD800  }
0xd5: {  	_ =	sfence.sel $0x180000  }
0xd6: {  	[bflag:$0x0] =	sbarrier.arrive $0xFFFF  }
0xd7: {  	_ =	strace $0x9000004A  }
0xd8: {  	s0 =	stileid.u32;
	[bflag:$0x2] =	sbarrier.arrive $0xFFFF  }
0xd9: {  	p0 =	sne.s32 s0, $0x0;
	s0 =	rddreg [dreg:$0x2]  }
0xda: {  	s0 =	sadd.s32 @!p0 $0x100000, s0  }
0xdb: {  	[sflag:s0] =	ssyncadd.tile.s32 @!p0 $0x1;
	_ =	shalt  }
.Lfunc_end2:
_tile_overlayer_lowered:
.L_overlay_start_2:
0xdc: {  	(tag) =	ssettag $0x2  }
0xdd: {  	s0 =	rddreg [dreg:$0x0];
	s2 =	stileid.u32  }
0xde: {  	s1 =	rddreg [dreg:$0x1];
	p0 =	sne.s32 s2, $0x0  }
0xdf: {  	s3 =	rddreg [dreg:$0x2];
	[bflag:$0x3] =	sbarrier.arrive $0xFFFF;
	s2 =	simm.s32 @!p0 $0x1C02  }
0xe0: {  	[timem:s3], [sflag:s2] =	dma.local @!p0 [hbm:s0], s1  }
0xe1: {  	s0 =	simm.s32 @!p0 $0x2  }
0xe2: {  	_ =	swait.ge @!p0 [sflag:s0], s1  }
0xe3: {  	s1 =	ssub.s32 @!p0 $0x0, s1;
	[sflag:s0] =	ssyncset.done @!p0 $0x0  }
0xe4: {  	[sflag:s0] =	ssyncadd.s32 @!p0 s1  }
0xe5: {  	[bflag:$0x3] =	sbarrier.arrive $0xFFFF  }
0xe6: {  	_ =	shalt  }

// kernel: kernel.7.cloned.1.call-start
scs
__scs_entry_jumppad:
0x0: {  	(pc) =	sbr.rel $0x88, $3  }
0x1: {  	(tag) =	ssettag $0x0;
	lr =	simm.s32 $0x1  }
0x2: {  	[smem:$0x3F9B] =	sst lr;
	_ =	strace $0xD0000000  }
0x3: {  	_ = 	snop  }
0x4: {  	_ = 	snop  }
0x5: {  	_ = 	snop  }
0x6: {  	_ = 	snop  }
0x7: {  	_ = 	snop  }
__scs_overlays_trampoline_lowered:
0x8: {  	[smem:$0x3FAA] =	sst s0  }
0x9: {  	[smem:$0x3FAB] =	sst s1  }
0xa: {  	[smem:$0x3FAC] =	sst s2  }
0xb: {  	[smem:$0x3FAD] =	sst s3  }
0xc: {  	[smem:$0x3FAE] =	sst s4  }
0xd: {  	[smem:$0x3FAF] =	sst s5  }
0xe: {  	[smem:$0x3FB0] =	sst s6  }
0xf: {  	[smem:$0x3FB1] =	sst s7  }
0x10: {  	[smem:$0x3FB2] =	sst s8  }
0x11: {  	[smem:$0x3FB3] =	sst s9;
	s0 =	simm.s32 @!p0 $0x0  }
0x12: {  	s1 =	sld [smem:$0x3F99];
	s0 =	simm.s32 @p0 $0x1  }
0x13: {  	[smem:$0x3FB4] =	sst s0;
	s0 =	simm.s32 @!p1 $0x0  }
0x14: {  	s2 =	sld [smem:$0x3F98];
	s0 =	simm.s32 @p1 $0x1  }
0x15: {  	[smem:$0x3FB5] =	sst s0;
	s0 =	simm.s32 @!p2 $0x0  }
0x16: {  	s3 =	sld [smem:$0x3FDB];
	s0 =	simm.s32 @p2 $0x1  }
0x17: {  	s4 =	simm.s32 $0x1BF5;
	[smem:$0x3FB7] =	sst s0  }
0x18: {  	s0 =	sld [smem:$0x3F9A];
	_ =	swait.ge [sflag:s4], $0x0  }
0x19: {  	s7 =	sld [smem:$0x3F9B]  }
0x1a: {  	s8 =	sadd.s32 $0xFFFFE003, lr  }
0x1b: {  	s9 =	sadd.s32 $0xFFFFFEF7, lr;
	s5 =	simm.s32 $0xFFFFFFFF;
	p2 =	slt.u32 s8, $0xFFFFF086  }
0x1c: {  	p1 =	slt.u32 s9, $0xF7A;
	s5 =	simm.s32 @!p2 $0x0  }
0x1d: {  	s5 =	simm.s32 @p1 $0x1;
	p0 =	seq.s32 s7, s2  }
0x1e: {  	s7 =	smul.u32 @!p0 $0xF7A, s2;
	p2 =	seq.s32 @!p0 s5, $0x0  }
0x1f: {  	s9 =	smul.u32 $0xF7A, s1;
	s8 =	simm.s32 @!p0 $0x1BF5;
	p2 =	por !p2, p0  }
0x20: {  	[sflag:s8] =	ssyncset.s32 @!p0 $0xFFFFF086;
	s6 =	sadd.s32 @!p0 s3, s7;
	s7 =	simm.s32 @!p0 $0x108  }
0x21: {  	s3 =	sadd.s32 s3, s9;
	s6 =	sadd.s32 @!p0 $0x88, s6;
	s7 =	simm.s32 @p2 $0x1082  }
0x22: {  	[simem:s7], [sflag:s8] =	dma.local @!p0 [hbm:s6], $0xF7A  }
0x23: {  	s9 =	sor.u32 $0xD0000000, s2;
	s6 =	simm.s32 $0x108;
	_ =	swait.ge @!p0 [sflag:s8], $0x0  }
0x24: {  	s3 =	sadd.s32 $0x88, s3;
	s6 =	simm.s32 @!p1 $0x1082;
	[sflag:s4] =	ssyncset.s32 $0xFFFFF086  }
0x25: {  	[simem:s6], [sflag:s4] =	dma.local [hbm:s3], $0xF7A  }
0x26: {  	[smem:$0x3F9B] =	sst s1;
	(tag) =	ssettag s2;
	_ =	strace s9  }
0x27: {  	s1 =	sld [smem:$0x3FAB]  }
0x28: {  	s2 =	sld [smem:$0x3FAC]  }
0x29: {  	s4 =	sld [smem:$0x3FAE]  }
0x2a: {  	p0 =	seq.s32 s5, $0x0;
	s5 =	sld [smem:$0x3FAF]  }
0x2b: {  	s6 =	sld [smem:$0x3FB0]  }
0x2c: {  	s7 =	sld [smem:$0x3FB1]  }
0x2d: {  	s3 =	simm.s32 $0x108;
	s8 =	sld [smem:$0x3FB2]  }
0x2e: {  	s3 =	simm.s32 @!p0 $0x1082;
	s9 =	sld [smem:$0x3FB3]  }
0x2f: {  	lr =	sadd.s32 s0, s3;
	s0 =	sld [smem:$0x3FAA]  }
0x30: {  	s3 =	sld [smem:$0x3FAD]  }
0x31: {  	[smem:$0x3FB6] =	sst s10  }
0x32: {  	s10 =	sld [smem:$0x3FB4];
	_ =	sdelay $0x3  }
0x33: {  	p0 =	seq.s32 s10, $0x1;
	s10 =	sld [smem:$0x3FB6];
	_ =	sdelay $0x3  }
0x34: {  	[smem:$0x3FB6] =	sst s10  }
0x35: {  	s10 =	sld [smem:$0x3FB5];
	_ =	sdelay $0x3  }
0x36: {  	p1 =	seq.s32 s10, $0x1;
	s10 =	sld [smem:$0x3FB6];
	_ =	sdelay $0x3  }
0x37: {  	[smem:$0x3FB6] =	sst s10  }
0x38: {  	s10 =	sld [smem:$0x3FB7]  }
0x39: {  	_ = 	snop;
	(pc) =	sbr.ind lr, $3  }
0x3a: {  	_ = 	snop  }
0x3b: {  	_ = 	snop  }
0x3c: {  	p2 =	seq.s32 s10, $0x1;
	s10 =	sld [smem:$0x3FB6]  }
0x3d: {  	_ =	shalt  }
0x3e: {  	_ =	shalt  }
0x3f: {  	_ =	shalt  }
0x40: {  	_ =	shalt  }
0x41: {  	_ =	shalt  }
0x42: {  	_ =	shalt  }
0x43: {  	_ =	shalt  }
0x44: {  	_ =	shalt  }
0x45: {  	_ =	shalt  }
0x46: {  	_ =	shalt  }
0x47: {  	_ =	shalt  }
0x48: {  	_ =	shalt  }
0x49: {  	_ =	shalt  }
0x4a: {  	_ =	shalt  }
0x4b: {  	_ =	shalt  }
0x4c: {  	_ =	shalt  }
0x4d: {  	_ =	shalt  }
0x4e: {  	_ =	shalt  }
0x4f: {  	_ =	shalt  }
0x50: {  	_ =	shalt  }
0x51: {  	_ =	shalt  }
0x52: {  	_ =	shalt  }
0x53: {  	_ =	shalt  }
0x54: {  	_ =	shalt  }
0x55: {  	_ =	shalt  }
0x56: {  	_ =	shalt  }
0x57: {  	_ =	shalt  }
0x58: {  	_ =	shalt  }
0x59: {  	_ =	shalt  }
0x5a: {  	_ =	shalt  }
0x5b: {  	_ =	shalt  }
0x5c: {  	_ =	shalt  }
0x5d: {  	_ =	shalt  }
0x5e: {  	_ =	shalt  }
0x5f: {  	_ =	shalt  }
0x60: {  	_ =	shalt  }
0x61: {  	_ =	shalt  }
0x62: {  	_ =	shalt  }
0x63: {  	_ =	shalt  }
0x64: {  	_ =	shalt  }
0x65: {  	_ =	shalt  }
0x66: {  	_ =	shalt  }
0x67: {  	_ =	shalt  }
0x68: {  	_ =	shalt  }
0x69: {  	_ =	shalt  }
0x6a: {  	_ =	shalt  }
0x6b: {  	_ =	shalt  }
0x6c: {  	_ =	shalt  }
0x6d: {  	_ =	shalt  }
0x6e: {  	_ =	shalt  }
0x6f: {  	_ =	shalt  }
0x70: {  	_ =	shalt  }
0x71: {  	_ =	shalt  }
0x72: {  	_ =	shalt  }
0x73: {  	_ =	shalt  }
0x74: {  	_ =	shalt  }
0x75: {  	_ =	shalt  }
0x76: {  	_ =	shalt  }
0x77: {  	_ =	shalt  }
0x78: {  	_ =	shalt  }
0x79: {  	_ =	shalt  }
0x7a: {  	_ =	shalt  }
0x7b: {  	_ =	shalt  }
0x7c: {  	_ =	shalt  }
0x7d: {  	_ =	shalt  }
0x7e: {  	_ =	shalt  }
0x7f: {  	_ =	shalt  }
0x80: {  	_ =	shalt  }
0x81: {  	_ =	shalt  }
0x82: {  	_ =	shalt  }
0x83: {  	_ =	shalt  }
0x84: {  	_ =	shalt  }
0x85: {  	_ =	shalt  }
0x86: {  	_ =	shalt  }
0x87: {  	_ =	shalt  }
.Lfunc_end0:
.L_simem_size_0:
called_computation_lowered:
.L_overlay_start_0:
0x88: {  	s2 =	sld [smem:$0x3FD9]  }
0x89: {  	s3 =	sld [smem:$0x3FFE];
	_ =	sdelay $0x1  }
0x8a: {  	s1 =	srdreg.scid  }
0x8b: {  	s0 =	sand.u32 $0x1, s1  }
0x8c: {  	s17 =	sshll.u32 s0, $0xA;
	s2 =	sadd.s32 s3, s2  }
0x8d: {  	s2 =	sadd.s32 s2, s17  }
0x8e: {  	[smem:$0x3FC2] =	sst s2  }
0x8f: {  	_ = 	snop  }
0x90: {  	s2 =	sld [smem:$0x3FD0];
	(tm) =	ssettm $0x1  }
0x91: {  	s18 =	sld [smem:$0x3FFB];
	_ =	sdelay $0x3  }
0x92: {  	_ =	strace s18  }
0x93: {  	s3 =	sld [smem:$0x3FFC];
	_ =	sdelay $0x3  }
0x94: {  	_ =	strace s3  }
0x95: {  	s3 =	sld [smem:$0x3FFD];
	_ =	sdelay $0x3  }
0x96: {  	_ =	strace s3  }
0x97: {  	_ =	strace $0x8FFFFFFF  }
0x98: {  	s19 =	sld [smem:$0x3FDB];
	_ =	sdelay $0x1  }
0x99: {  	s4 =	simm.s32 $_scs_section_size  }
0x9a: {  	s5 =	simm.s32 $_size__tile_overlayer_lowered;
	s6 =	simm.s32 $_tile_overlayer_lowered  }
0x9b: {  	s22 =	simm.s32 $0x1BFF;
	s21 =	sshll.u32 s6, $0x1;
	s3 =	sadd.s32 s4, s19  }
0x9c: {  	s7 =	simm.s32 $0x0;
	s20 =	sshll.u32 s5, $0x1;
	s5 =	sadd.s32 s21, s3  }
0x9d: {  	[timem:s7], [sflag:s22] =	dma.local [hbm:s5], s20  }
0x9e: {  	_ =	swait.ge [sflag:s22], s20  }
0x9f: {  	s4 =	ssub.s32 $0x0, s20;
	[sflag:s22] =	ssyncset.done $0x0  }
0xa0: {  	[sflag:s22] =	ssyncadd.s32 s4;
	_ =	sdelay $0x1  }
0xa1: {  	s23 =	simm.s32 $0x1B8B  }
0xa2: {  	_ =	swait.ge [sflag:s23], $0x1  }
0xa3: {  	[sflag:s23] =	ssyncset.done $0x0  }
0xa4: {  	s25 =	simm.s32 $0x1B8E;
	s24 =	sld [smem:$0x3FFE];
	[sflag:s23] =	ssyncadd.s32 $0xFFFFFFFF  }
0xa5: {  	s26 =	simm.s32 $execute0_lowered;
	[smem:$0x3FD2] =	sst s25  }
0xa6: {  	s5 =	sshll.u32 s26, $0x1;
	_ =	strace $0x80000046;
	[dreg:$0x1] =	wrdreg $0xFFFFFFFF  }
0xa7: {  	s28 =	simm.s32 $_size_execute0_lowered;
	s3 =	sadd.s32 s3, s5;
	[dreg:$0x0] =	wrdreg $0x0  }
0xa8: {  	s5 =	sshll.u32 s28, $0x1;
	[dreg:$0x2] =	wrdreg s3  }
0xa9: {  	[dreg:$0x3] =	wrdreg s5  }
0xaa: {  	[dreg:$0x4] =	wrdreg $0xC0  }
0xab: {  	_ =	task [dreg:s7], $0x5FFFF  }
0xac: {  	[dreg:$0x1] =	wrdreg $0xFFFFFFFF  }
0xad: {  	[dreg:$0x0] =	wrdreg $0x60  }
0xae: {  	[dreg:$0x2] =	wrdreg s24  }
0xaf: {  	[dreg:$0x3] =	wrdreg s2  }
0xb0: {  	[dreg:$0x4] =	wrdreg $0x9  }
0xb1: {  	_ =	task.clear_ibuf [dreg:s7], $0x5FFFF;
	_ =	strace $0x90000046  }
0xb2: {  	s29 =	simm.s32 $0x9;
	_ =	strace $0x80000048  }
0xb3: {  	_ =	swait.ge [sflag:s29], $0x1  }
0xb4: {  	[sflag:s29] =	ssyncadd.s32 $0xFFFFFFFF  }
0xb5: {  	_ =	strace $0x90000048  }
0xb6: {  	_ =	sfence  }
0xb7: {  	s30 =	sld [smem:$0x0];
	_ =	sdelay $0x2  }
0xb8: {  	s31 =	sshll.u32 s1, $0xD;
	s1 =	sshrl.u32 s1, $0x2  }
0xb9: {  	s3 =	sand.u32 $0x4000, s31;
	s1 =	sadd.s32 s1, s30  }
0xba: {  	s0 =	sor.u32 s3, s0;
	s1 =	sshll.u32 s1, $0x11  }
0xbb: {  	s0 =	sor.u32 s1, s0  }
0xbc: {  	s0 =	sadd.s32 $0x8F2B, s0  }
0xbd: {  	[sflag:s0] =	ssyncadd.remote.s32 $0x1  }
0xbe: {  	_ =	sfence.sel $0xFFFF  }
0xbf: {  	[dreg:$0x0] =	wrdreg $0xFFFFFFFF;
	(pc) =	sbr.abs _section_cstart, $3  }
0xc0: {  	[dreg:$0x1] =	wrdreg $0xFFFFFFFF  }
0xc1: {  	_ =	task.clear_ibuf [dreg:s7], $0x2FFFF;
	_ =	strace $0x9FFFFFFF  }
0xc2: {  	(tm) =	ssettm $0x7FFFFFFF  }
0xc3: {  	_ =	shalt  }
tec
execute0_lowered:
.L_overlay_start_1:
0x0: {  	(tag) =	ssettag $0x1  }
0x1: {  	s4 =	rddreg [dreg:$0x0]  }
0x2: {  	s0 =	srdreg.scid;
	s7 =	rddreg [dreg:$0x1];
	s2 =	simm.s32 $0x0  }
0x3: {  	s11 =	simm.s32 $0x2800;
	s12 =	simm.s32 $0x80;
	s3 =	sand.u32 $0x1, s0  }
0x4: {  	s13 =	simm.s32 $0x400;
	s0 =	stileid.u32;
	s1 =	sshll.u32 s3, $0x4  }
0x5: {  	s14 =	simm.s32 $0x0;
	[smem:$0x7FF] =	sst s2;
	s5 =	sor.u32 s0, s1  }
0x6: {  	s8 =	sshll.u32 s0, $0x7;
	s9 =	ssub.s32 $0x2, s3;
	s6 =	sshrl.u32 s5, $0x3  }
0x7: {  	s3 =	sadd.s32 $0xB800, s4;
	s4 =	sadd.s32 $0x1800, s4;
	s6 =	smul.u32 $0x14000, s6  }
0x8: {  	s1 =	rddreg [dreg:$0x2];
	s8 =	sand.u32 $0x380, s8;
	s10 =	sshrl.u32 s9, $0x1  }
0x9: {  	_ =	strace $0x80000047;
	s30 =	ssub.s32 s9, s10;
	s6 =	sor.u32 s8, s6  }
0xa: {  	s5 =	smul.u32 $0x2800, s5;
	s10 =	simm.s32 $0x1;
	s31 =	sadd.s32 $0x50000, s6  }
0xb: {  	s8 =	smax.u32 s30, $0x1;
	s6 =	sshrl.u32 s6, $0x3;
	s9 =	sshrl.u32 s31, $0x3  }
0xc: {  	v0 =	vimm.f32 $0.0e+00;
	v1 =	vimm.f32 $1.000000000e+00;
	s6 =	sadd.s32 s7, s6;
	s7 =	sadd.s32 s7, s9;
	s9 =	simm.s32 $0x5000  }
.LBB2_1:
0xd: {  	s15 =	simm.s32 $0x40;
	s16 =	simm.s32 $0x0  }
.LBB2_2:
0xe: {  	p0 =	sne.s32 s15, $0x9FC0;
	[tilespmem:s16+$0x0] =	vst v0;
	s17 =	smov.u32 s15;
	s15 =	sadd.s32 $0x40, s15  }
.Ltmp0:
0xf: {  	[tilespmem:s16+$0x2800] =	vst v0;
	(pc) =	sbr.rel @p0 .LBB2_2-.Ltmp0, $2  }
0x10: {  	_ =	sdelay $0x2  }
0x11: {  	s16 =	sshra.s32 s17, $0x2  }
0x12: {  	[tilespmem:s16+$0x0] =	vst v0  }
0x13: {  	s15 =	simm.s32 $0x0;
	[tilespmem:s16+$0x2800] =	vst v0;
	s16 =	simm.s32 $0x0  }
.LBB2_4:
0x14: {  	s17 =	sshll.u32 s16, $0xB  }
0x15: {  	s17 =	sadd.s32 s5, s17  }
0x16: {  	s17 =	sshrl.u32 s17, $0x3  }
0x17: {  	s18 =	sadd.s32 s3, s17  }
0x18: {  	[tilespmem:s9], [sflag:$0x1] =	stream.linear.gather [hbm4b:s18+s15], $0x800, $0x38;
	[tilespmem:$0x5800] =	vst v63  }
0x19: {  	_ =	swait.ge [sflag:s10], $0x800  }
0x1a: {  	[sflag:s10] =	ssyncset.done $0x0  }
0x1b: {  	s19 =	simm.s32 $0x0;
	s18 =	simm.s32 $0x40;
	[sflag:s10] =	ssyncadd.s32 $0xFFFFF800  }
.LBB2_5:
0x1c: {  	p0 =	sne.s32 s18, $0x1FC0;
	v2 =	vld [tilespmem:s19+$0x5000];
	_ =	sdelay $0x3  }
.Ltmp1:
0x1d: {  	(pc) =	sbr.rel @p0 .LBB2_5-.Ltmp1, $2  }
0x1e: {  	_ =	sdelay $0x2  }
0x1f: {  	s19 =	sshra.s32 s18, $0x2;
	s18 =	sadd.s32 $0x40, s18;
	[tilespmem:v2+s2+$0x0] =	vst.idx.add.f32.msk $0xffff, v1  }
0x20: {  	v2 =	vld [tilespmem:s19+$0x5000];
	_ =	sdelay $0x7  }
0x21: {  	s17 =	sadd.s32 s4, s17;
	s18 =	simm.s32 $0x0;
	[tilespmem:v2+s2+$0x0] =	vst.idx.add.f32.msk $0xffff, v1  }
0x22: {  	[tilespmem:s9], [sflag:$0x1] =	stream.linear.gather [hbm4b:s17+s18], $0x800, $0x38;
	[tilespmem:$0x5800] =	vst v63  }
0x23: {  	_ =	swait.ge [sflag:s10], $0x800  }
0x24: {  	[sflag:s10] =	ssyncset.done $0x0  }
0x25: {  	s18 =	simm.s32 $0x0;
	s17 =	simm.s32 $0x40;
	[sflag:s10] =	ssyncadd.s32 $0xFFFFF800  }
.LBB2_7:
0x26: {  	p0 =	sne.s32 s17, $0x1FC0;
	v2 =	vld [tilespmem:s18+$0x5000];
	_ =	sdelay $0x3  }
.Ltmp2:
0x27: {  	(pc) =	sbr.rel @p0 .LBB2_7-.Ltmp2, $2  }
0x28: {  	_ =	sdelay $0x2  }
0x29: {  	s18 =	sshra.s32 s17, $0x2;
	s17 =	sadd.s32 $0x40, s17;
	[tilespmem:v2+s11+$0x0] =	vst.idx.add.f32.msk $0xffff, v1  }
0x2a: {  	v2 =	vld [tilespmem:s18+$0x5000];
	_ =	sdelay $0x1  }
0x2b: {  	s16 =	sadd.s32 $0x1, s16  }
0x2c: {  	p0 =	sne.s32 s16, $0x5  }
.Ltmp3:
0x2d: {  	_ = 	snop;
	(pc) =	sbr.rel @p0 .LBB2_4-.Ltmp3, $2  }
0x2e: {  	_ =	sdelay $0x2  }
0x2f: {  	[tilespmem:v2+s11+$0x0] =	vst.idx.add.f32.msk $0xffff, v1  }
0x30: {  	[hbm4b:s6+s12] =	stream.strided.scatter [tilespmem:s2], [sflag:$0x1], $0x2800, s13, s12, $0x38;
	[tilespmem:$0x5800] =	vst v63  }
0x31: {  	s14 =	sadd.s32 $0x1, s14;
	_ =	swait.ge [sflag:s10], $0x2800  }
0x32: {  	p0 =	sne.s32 s14, s8;
	[sflag:s10] =	ssyncset.done $0x0  }
.Ltmp4:
0x33: {  	[sflag:s10] =	ssyncadd.s32 $0xFFFFD800;
	(pc) =	sbr.rel @p0 .LBB2_1-.Ltmp4, $4  }
0x34: {  	[hbm4b:s7+s12] =	stream.strided.scatter [tilespmem:s11], [sflag:$0x1], $0x2800, s13, s12, $0x38;
	[tilespmem:$0x5800] =	vst v63  }
0x35: {  	_ =	swait.ge [sflag:s10], $0x2800  }
0x36: {  	[sflag:s10] =	ssyncset.done $0x0  }
0x37: {  	[sflag:s10] =	ssyncadd.s32 $0xFFFFD800  }
0x38: {  	_ =	sfence.sel $0x180000  }
0x39: {  	[bflag:$0x0] =	sbarrier.arrive $0xFFFF  }
0x3a: {  	p0 =	sne.s32 s0, $0x0;
	_ =	strace $0x90000047  }
0x3b: {  	s0 =	sadd.s32 @!p0 $0x100000, s1;
	[bflag:$0x2] =	sbarrier.arrive $0xFFFF  }
0x3c: {  	[sflag:s0] =	ssyncadd.tile.s32 @!p0 $0x1;
	_ =	shalt  }
.Lfunc_end2:
_tile_overlayer_lowered:
.L_overlay_start_2:
0x3d: {  	(tag) =	ssettag $0x2  }
0x3e: {  	s0 =	rddreg [dreg:$0x0];
	s2 =	stileid.u32  }
0x3f: {  	s1 =	rddreg [dreg:$0x1];
	p0 =	sne.s32 s2, $0x0  }
0x40: {  	s3 =	rddreg [dreg:$0x2];
	[bflag:$0x3] =	sbarrier.arrive $0xFFFF;
	s2 =	simm.s32 @!p0 $0x1C01  }
0x41: {  	[timem:s3], [sflag:s2] =	dma.local @!p0 [hbm:s0], s1  }
0x42: {  	s0 =	simm.s32 @!p0 $0x1  }
0x43: {  	_ =	swait.ge @!p0 [sflag:s0], s1  }
0x44: {  	s1 =	ssub.s32 @!p0 $0x0, s1;
	[sflag:s0] =	ssyncset.done @!p0 $0x0  }
0x45: {  	[sflag:s0] =	ssyncadd.s32 @!p0 s1  }
0x46: {  	[bflag:$0x3] =	sbarrier.arrive $0xFFFF  }
0x47: {  	_ =	shalt  }

</sc_bundles>
